<compile_context>
chip_gen: v7x
topology: tpu7x:2x2x1
jax: 0.10.2.dev20260603
libtpu: 0.0.44.dev20260713+nightly
codegen_flags: <defaults>
</compile_context>

<pallas_src>
import functools

import jax
import jax.numpy as jnp
from jax import lax
from jax.experimental import pallas as pl
from jax.experimental.pallas import tpu as pltpu
from jax.experimental.pallas import tpu_sc as plsc

N = 10000
E = 320000
D_IN = 128
H = 8
F = 8
HF = H * F
B = 128

NPAD = 10240
NC = 2
NS = 16
NW = NC * NS
K = 128
J = 80
EW = J * K
EPAD = NW * EW
ROWS_PER_TILE = NPAD // NS
ZR = 64

FW = 80

f32 = jnp.float32
i32 = jnp.int32


def _prep1_body(xb, w1, rw, al, ar, featl_o, er_o, res_o):
    x = xb[...]
    fb = jnp.dot(x, w1[...], preferred_element_type=f32)
    el = jnp.dot(fb, al[...], preferred_element_type=f32, precision=lax.Precision.HIGHEST)
    er = jnp.dot(fb, ar[...], preferred_element_type=f32, precision=lax.Precision.HIGHEST)
    z8 = jnp.zeros((x.shape[0], H), f32)
    featl_o[...] = jnp.concatenate([fb, el, z8], axis=1)
    er_o[...] = jnp.concatenate([er, z8], axis=1)
    res_o[...] = jnp.dot(x, rw[...], preferred_element_type=f32)


_prep1_call = pl.pallas_call(
    _prep1_body,
    grid=(NPAD // 1024,),
    in_specs=[
        pl.BlockSpec((1024, D_IN), lambda i: (i, 0)),
        pl.BlockSpec((D_IN, HF), lambda i: (0, 0)),
        pl.BlockSpec((D_IN, HF), lambda i: (0, 0)),
        pl.BlockSpec((HF, H), lambda i: (0, 0)),
        pl.BlockSpec((HF, H), lambda i: (0, 0)),
    ],
    out_specs=[
        pl.BlockSpec((1024, FW), lambda i: (i, 0)),
        pl.BlockSpec((1024, 16), lambda i: (i, 0)),
        pl.BlockSpec((1024, HF), lambda i: (i, 0)),
    ],
    out_shape=[
        jax.ShapeDtypeStruct((NPAD, FW), f32),
        jax.ShapeDtypeStruct((NPAD, 16), f32),
        jax.ShapeDtypeStruct((NPAD, HF), f32),
    ],
)


def _edge_body(featl, er16, srcp, dstp, out0, out1,
               acc, srcv, dstv, fsrc0, fsrc1, erd0, erd1, zbuf,
               sa0, sb0, sa1, sb1, sw0, sw1):
    cid = lax.axis_index("c")
    sid = lax.axis_index("s")
    wid = sid * NC + cid

    pltpu.sync_copy(srcp.at[wid], srcv)
    pltpu.sync_copy(dstp.at[wid], dstv)

    def _zrow(i, c):
        for t in range(FW // 16):
            zbuf[i, pl.ds(16 * t, 16)] = jnp.zeros((16,), f32)
        return c
    lax.fori_loop(0, ZR, _zrow, 0)

    def _zcopy(i, c):
        pltpu.sync_copy(zbuf, acc.at[pl.ds(sid * ROWS_PER_TILE + i * ZR, ZR)])
        return c
    lax.fori_loop(0, ROWS_PER_TILE // ZR, _zcopy, 0)
    plsc.subcore_barrier()

    fbufs = (fsrc0, fsrc1)
    ebufs = (erd0, erd1)
    sas = (sa0, sa1)
    sbs = (sb0, sb1)
    sws = (sw0, sw1)
    mask8 = lax.iota(i32, 16) < 8

    def _issue(j, p):
        pltpu.async_copy(featl.at[srcv.at[j]], fbufs[p], sas[p])
        pltpu.async_copy(er16.at[dstv.at[j]], ebufs[p], sbs[p])

    def _wait(j, p):
        pltpu.make_async_copy(featl.at[srcv.at[j]], fbufs[p], sas[p]).wait()
        pltpu.make_async_copy(er16.at[dstv.at[j]], ebufs[p], sbs[p]).wait()

    def _wait_scatter(j, p):
        pltpu.make_async_copy(fbufs[p], acc.at[dstv.at[j]], sws[p]).wait()

    def _compute(p):
        fsrc = fbufs[p]
        erd = ebufs[p]

        @plsc.parallel_loop(0, K, step=1, unroll=8)
        def _edge(k):
            elv = fsrc[k, pl.ds(64, 16)]
            erv = erd[k, pl.ds(0, 16)]
            e = elv + erv
            e = jnp.where(e < 0, e * 0.2, e)
            ex = jnp.exp(e)
            fsrc[k, pl.ds(64, 16)] = ex
            for t in range(4):
                fv = fsrc[k, pl.ds(16 * t, 16)]
                exb = jnp.where(mask8, ex[2 * t], ex[2 * t + 1])
                fsrc[k, pl.ds(16 * t, 16)] = fv * exb

    _issue(0, 0)

    def _step(s_, carry):
        for p in range(2):
            j = 2 * s_ + p

            @pl.when(j + 1 < J)
            def _():
                _issue(j + 1, 1 - p)
            _wait(j, p)
            _compute(p)
            pltpu.sync_copy(fbufs[p], acc.at[dstv.at[j]], add=True)
        return carry
    lax.fori_loop(0, J // 2, _step, 0)

    plsc.subcore_barrier()
    rows_out = pl.ds(sid * ROWS_PER_TILE, ROWS_PER_TILE)

    @pl.when(cid == 0)
    def _():
        pltpu.sync_copy(acc.at[rows_out], out0.at[rows_out])

    @pl.when(cid == 1)
    def _():
        pltpu.sync_copy(acc.at[rows_out], out1.at[rows_out])


_edge_call = pl.kernel(
    _edge_body,
    out_type=(
        jax.ShapeDtypeStruct((NPAD, FW), f32),
        jax.ShapeDtypeStruct((NPAD, FW), f32),
    ),
    mesh=plsc.VectorSubcoreMesh(core_axis_name="c", subcore_axis_name="s",
                                num_cores=NC, num_subcores=NS),
    scratch_types=[
        pltpu.VMEM_SHARED((NPAD, FW), f32),
        pltpu.VMEM((J, K), i32),
        pltpu.VMEM((J, K), i32),
        pltpu.VMEM((K, FW), f32),
        pltpu.VMEM((K, FW), f32),
        pltpu.VMEM((K, 16), f32),
        pltpu.VMEM((K, 16), f32),
        pltpu.VMEM((ZR, FW), f32),
        pltpu.SemaphoreType.DMA,
        pltpu.SemaphoreType.DMA,
        pltpu.SemaphoreType.DMA,
        pltpu.SemaphoreType.DMA,
        pltpu.SemaphoreType.DMA,
        pltpu.SemaphoreType.DMA,
    ],
    compiler_params=pltpu.CompilerParams(use_tc_tiling_on_sc=False,
                                         needs_layout_passes=False),
)


def _mid_body(a0, a1, resb, b1, w2, al, ar, eb, featl_o, er_o, h_o):
    s = a0[...] + a1[...]
    den64 = jnp.dot(s[:, HF:HF + H], eb[...], preferred_element_type=f32, precision=lax.Precision.HIGHEST)
    rst = s[:, :HF] / (den64 + 1e-9)
    t = rst + resb[...] + b1[...]
    h = jnp.where(t > 0, t, jnp.exp(t) - 1.0)
    fb = jnp.dot(h, w2[...], preferred_element_type=f32)
    el = jnp.dot(fb, al[...], preferred_element_type=f32, precision=lax.Precision.HIGHEST)
    er = jnp.dot(fb, ar[...], preferred_element_type=f32, precision=lax.Precision.HIGHEST)
    z8 = jnp.zeros((h.shape[0], H), f32)
    featl_o[...] = jnp.concatenate([fb, el, z8], axis=1)
    er_o[...] = jnp.concatenate([er, z8], axis=1)
    h_o[...] = h


_mid_call = pl.pallas_call(
    _mid_body,
    grid=(NPAD // 1024,),
    in_specs=[
        pl.BlockSpec((1024, FW), lambda i: (i, 0)),
        pl.BlockSpec((1024, FW), lambda i: (i, 0)),
        pl.BlockSpec((1024, HF), lambda i: (i, 0)),
        pl.BlockSpec((1, HF), lambda i: (0, 0)),
        pl.BlockSpec((HF, HF), lambda i: (0, 0)),
        pl.BlockSpec((HF, H), lambda i: (0, 0)),
        pl.BlockSpec((HF, H), lambda i: (0, 0)),
        pl.BlockSpec((H, HF), lambda i: (0, 0)),
    ],
    out_specs=[
        pl.BlockSpec((1024, FW), lambda i: (i, 0)),
        pl.BlockSpec((1024, 16), lambda i: (i, 0)),
        pl.BlockSpec((1024, HF), lambda i: (i, 0)),
    ],
    out_shape=[
        jax.ShapeDtypeStruct((NPAD, FW), f32),
        jax.ShapeDtypeStruct((NPAD, 16), f32),
        jax.ShapeDtypeStruct((NPAD, HF), f32),
    ],
)


def _readout_body(b0, b1, hb, idsb, b2, eb, m8, wg, bg, wh, bh,
                  gam, bet, wo, bo, out_o, wsum_acc, hmaxT_acc):
    step = pl.program_id(0)

    @pl.when(step == 0)
    def _():
        wsum_acc[...] = jnp.zeros((B, H), f32)
        hmaxT_acc[...] = jnp.full((H, B), -3e38, f32)

    s = b0[...] + b1[...]
    den64 = jnp.dot(s[:, HF:HF + H], eb[...], preferred_element_type=f32, precision=lax.Precision.HIGHEST)
    rst = s[:, :HF] / (den64 + 1e-9)
    t = rst + hb[...] + b2[...]
    tm = jnp.dot(t, m8[...], preferred_element_type=f32, precision=lax.Precision.HIGHEST)
    h2 = jnp.where(tm > 0, tm, jnp.exp(tm) - 1.0)
    gl = jnp.dot(h2, wg[...], preferred_element_type=f32) + bg[...]
    gate = 1.0 / (1.0 + jnp.exp(-gl))
    hg = h2 * gate

    ids = idsb[...]
    bio = lax.broadcasted_iota(i32, (ids.shape[0], B), 1)
    oh = bio == ids
    ohf = oh.astype(f32)
    wsum_acc[...] += lax.dot_general(
        ohf, hg, (((0,), (0,)), ((), ())), preferred_element_type=f32, precision=lax.Precision.HIGHEST)

    cols = []
    for f_ in range(H):
        hf = h2[:, f_:f_ + 1]
        cols.append(jnp.max(jnp.where(oh, hf, -3e38), axis=0, keepdims=True))
    hmaxT_acc[...] = jnp.maximum(hmaxT_acc[...], jnp.concatenate(cols, axis=0))

    wsum = wsum_acc[...]
    hmT = hmaxT_acc[...]
    hmT = jnp.where(hmT <= -1e37, 0.0, hmT)
    g = jnp.concatenate([wsum, hmT.T], axis=1)
    z = jnp.dot(g, wh[...], preferred_element_type=f32) + bh[...]
    z = jnp.maximum(z, 0.0)
    mu = jnp.mean(z, axis=0, keepdims=True)
    var = jnp.mean((z - mu) * (z - mu), axis=0, keepdims=True)
    zn = (z - mu) / jnp.sqrt(var + 1e-5) * gam[...] + bet[...]
    out_o[...] = jnp.dot(zn, wo[...], preferred_element_type=f32) + bo[...]


_readout_call = pl.pallas_call(
    _readout_body,
    grid=(N // 1000,),
    in_specs=[
        pl.BlockSpec((1000, FW), lambda i: (i, 0)),
        pl.BlockSpec((1000, FW), lambda i: (i, 0)),
        pl.BlockSpec((1000, HF), lambda i: (i, 0)),
        pl.BlockSpec((1000, 1), lambda i: (i, 0)),
        pl.BlockSpec((1, HF), lambda i: (0, 0)),
        pl.BlockSpec((H, HF), lambda i: (0, 0)),
        pl.BlockSpec((HF, H), lambda i: (0, 0)),
        pl.BlockSpec((H, 1), lambda i: (0, 0)),
        pl.BlockSpec((1, 1), lambda i: (0, 0)),
        pl.BlockSpec((2 * H, B), lambda i: (0, 0)),
        pl.BlockSpec((1, B), lambda i: (0, 0)),
        pl.BlockSpec((1, B), lambda i: (0, 0)),
        pl.BlockSpec((1, B), lambda i: (0, 0)),
        pl.BlockSpec((B, 1), lambda i: (0, 0)),
        pl.BlockSpec((1, 1), lambda i: (0, 0)),
    ],
    out_specs=pl.BlockSpec((B, 1), lambda i: (0, 0)),
    out_shape=jax.ShapeDtypeStruct((B, 1), f32),
    scratch_shapes=[
        pltpu.VMEM((B, H), f32),
        pltpu.VMEM((H, B), f32),
    ],
)


def _expand_attn(a):
    return (a[:, :, None] * jnp.eye(H, dtype=f32)[:, None, :]).reshape(HF, H)


def kernel(x, edge_index, graph_ids, W1, attn_l1, attn_r1, bias1, res_W1,
           W2, attn_l2, attn_r2, bias2, w_gate, b_gate, W_h, b_h,
           gamma, beta, W_out, b_out):
    al1 = _expand_attn(attn_l1)
    ar1 = _expand_attn(attn_r1)
    al2 = _expand_attn(attn_l2)
    ar2 = _expand_attn(attn_r2)
    eb = jnp.repeat(jnp.eye(H, dtype=f32), F, axis=1)
    m8 = jnp.tile(jnp.eye(F, dtype=f32), (H, 1)) / H

    xpad = jnp.pad(x, ((0, NPAD - N), (0, 0)))
    pad_e = jnp.full((2, EPAD - E), N, i32)
    ei = jnp.concatenate([edge_index, pad_e], axis=1)
    srcp = ei[0].reshape(NW, J, K)
    dstp = ei[1].reshape(NW, J, K)
    idsc = graph_ids.reshape(N, 1)

    featl1, er16_1, res1 = _prep1_call(xpad, W1, res_W1, al1, ar1)
    a0, a1 = _edge_call(featl1, er16_1, srcp, dstp)
    featl2, er16_2, hres = _mid_call(a0, a1, res1, bias1.reshape(1, HF),
                                     W2, al2, ar2, eb)
    c0, c1 = _edge_call(featl2, er16_2, srcp, dstp)
    out = _readout_call(c0, c1, hres, idsc, bias2.reshape(1, HF), eb, m8,
                        w_gate, b_gate.reshape(1, 1), W_h,
                        b_h.reshape(1, B), gamma.reshape(1, B),
                        beta.reshape(1, B), W_out, b_out.reshape(1, 1))
    return out

# --- scband reference (transcript-rebuilt; emitter-appended) ---
"""Pipeline reference for scband-gat-80393197846831 (READ-ONLY COPY).

The authoritative reference and input builder live on the scoring server;
editing this copy changes nothing except your own understanding.
"""

import jax, jax.numpy as jnp
import numpy as np

N = 10000
E = 320000
D_IN = 128
H = 8
F = 8
B = 128

def setup_inputs(seed: int = 0):
    key = jax.random.key(seed)
    ks = jax.random.split(key, 20)
    def nrm(k, shape, s=0.1):
        return jax.random.normal(k, shape, dtype=jnp.float32) * s
    inp = {}
    inp["x"] = jax.random.normal(ks[0], (N, D_IN), dtype=jnp.float32)
    inp["edge_index"] = jax.random.randint(ks[1], (2, E), 0, N, dtype=jnp.int32)
    inp["graph_ids"] = jnp.sort(jax.random.randint(ks[2], (N,), 0, B, dtype=jnp.int32))
    inp["W1"] = nrm(ks[3], (D_IN, H * F))
    inp["attn_l1"] = nrm(ks[4], (H, F))
    inp["attn_r1"] = nrm(ks[5], (H, F))
    inp["bias1"] = jnp.zeros((H * F,), dtype=jnp.float32)
    inp["res_W1"] = nrm(ks[6], (D_IN, H * F))
    inp["W2"] = nrm(ks[7], (H * F, H * F))
    inp["attn_l2"] = nrm(ks[8], (H, F))
    inp["attn_r2"] = nrm(ks[9], (H, F))
    inp["bias2"] = jnp.zeros((H * F,), dtype=jnp.float32)
    inp["w_gate"] = nrm(ks[10], (F, 1))
    inp["b_gate"] = jnp.zeros((1,), dtype=jnp.float32)
    inp["W_h"] = nrm(ks[11], (2 * F, 128))
    inp["b_h"] = jnp.zeros((128,), dtype=jnp.float32)
    inp["gamma"] = jnp.ones((128,), dtype=jnp.float32)
    inp["beta"] = jnp.zeros((128,), dtype=jnp.float32)
    inp["W_out"] = nrm(ks[12], (128, 1))
    inp["b_out"] = jnp.zeros((1,), dtype=jnp.float32)
    return inp

def _gat_layer(h, src, dst, W, al, ar, b, resW):
    n = h.shape[0]
    feat = (h @ W).reshape(n, H, F)
    el = jnp.sum(feat * al[None, :, :], axis=-1)
    er = jnp.sum(feat * ar[None, :, :], axis=-1)
    e = jax.nn.leaky_relu(el[src] + er[dst], negative_slope=0.2)
    m = jax.ops.segment_max(e, dst, num_segments=n)
    m = jnp.where(jnp.isfinite(m), m, 0.0)
    ex = jnp.exp(e - m[dst])
    den = jax.ops.segment_sum(ex, dst, num_segments=n)
    alpha = ex / (den[dst] + 1e-9)
    rst = jax.ops.segment_sum(feat[src] * alpha[:, :, None], dst, num_segments=n)
    if resW is None:
        resval = h.reshape(n, H, F)
    else:
        resval = (h @ resW).reshape(n, H, F)
    return rst + resval + b.reshape(1, H, F)

def reference(x, edge_index, graph_ids, W1, attn_l1, attn_r1, bias1, res_W1, W2, attn_l2, attn_r2, bias2, w_gate, b_gate, W_h, b_h, gamma, beta, W_out, b_out):
    src = edge_index[0]
    dst = edge_index[1]
    h = _gat_layer(x, src, dst, W1, attn_l1, attn_r1, bias1, res_W1)
    h = jax.nn.elu(h.reshape(N, H * F))
    h2 = _gat_layer(h, src, dst, W2, attn_l2, attn_r2, bias2, None)
    h2 = jax.nn.elu(jnp.mean(h2, axis=1))
    gate = jax.nn.sigmoid(h2 @ w_gate + b_gate)
    wsum = jax.ops.segment_sum(h2 * gate, graph_ids, num_segments=B)
    hmax = jax.ops.segment_max(h2, graph_ids, num_segments=B)
    hmax = jnp.where(jnp.isfinite(hmax), hmax, 0.0)
    g = jnp.concatenate([wsum, hmax], axis=1)
    z = jax.nn.relu(g @ W_h + b_h)
    mu = jnp.mean(z, axis=0)
    var = jnp.var(z, axis=0)
    z = (z - mu) / jnp.sqrt(var + 1e-5) * gamma + beta
    return z @ W_out + b_out

if __name__ == "__main__":
    import jax
    _d = setup_inputs()
    print(jax.jit(kernel)(*tuple(_d.values())))

</pallas_src>

<mosaic_0001>
#map = affine_map<(d0, d1) -> (0, 0)>
#map1 = affine_map<(d0, d1) -> (0, 0, 0)>
module attributes {stable_mosaic.version = 14 : i64} {
  func.func @_edge_body(%arg0: i32, %arg1: i32, %arg2: memref<10240x80xf32, #tpu.memory_space<hbm>>, %arg3: memref<10240x16xf32, #tpu.memory_space<hbm>>, %arg4: memref<32x80x128xi32, #tpu.memory_space<hbm>>, %arg5: memref<32x80x128xi32, #tpu.memory_space<hbm>>, %arg6: memref<10240x80xf32, #tpu.memory_space<hbm>>, %arg7: memref<10240x80xf32, #tpu.memory_space<hbm>>, %arg8: memref<10240x80xf32, #tpu.memory_space<vmem_shared>>, %arg9: memref<80x128xi32, #tpu.memory_space<vmem>>, %arg10: memref<80x128xi32, #tpu.memory_space<vmem>>, %arg11: memref<128x80xf32, #tpu.memory_space<vmem>>, %arg12: memref<128x80xf32, #tpu.memory_space<vmem>>, %arg13: memref<128x16xf32, #tpu.memory_space<vmem>>, %arg14: memref<128x16xf32, #tpu.memory_space<vmem>>, %arg15: memref<64x80xf32, #tpu.memory_space<vmem>>, %arg16: memref<!tpu.dma_semaphore, #tpu.memory_space<semaphore_mem>>, %arg17: memref<!tpu.dma_semaphore, #tpu.memory_space<semaphore_mem>>, %arg18: memref<!tpu.dma_semaphore, #tpu.memory_space<semaphore_mem>>, %arg19: memref<!tpu.dma_semaphore, #tpu.memory_space<semaphore_mem>>, %arg20: memref<!tpu.dma_semaphore, #tpu.memory_space<semaphore_mem>>, %arg21: memref<!tpu.dma_semaphore, #tpu.memory_space<semaphore_mem>>) attributes {dimension_semantics = [#tpu.dimension_semantics<core_parallel>, #tpu.dimension_semantics<subcore_parallel>], iteration_bounds = array<i64: 2, 16>, scalar_prefetch = 0 : i64, scratch_operands = 14 : i64, tpu.core_type = #tpu.core_type<sc_vector_subcore>, window_params = [{transform_indices = #map}, {transform_indices = #map}, {transform_indices = #map1}, {transform_indices = #map1}, {transform_indices = #map}, {transform_indices = #map}]} {
    %mul3A = arith.constant 2 : i32
    %mul3A_0 = arith.muli %arg1, %mul3A : i32
    %add3A = arith.addi %mul3A_0, %arg0 : i32
    "tpu.region"() ({
      %run_scoped3A = tpu.sem_alloc : memref<!tpu.dma_semaphore, #tpu.memory_space<semaphore_mem>>
      %dma_start3A_43 = arith.constant 0 : i32
      %dma_start3A_44 = arith.constant 0 : i32
      %dma_start3A_45 = tpu.memref_slice %arg4[%add3A, %dma_start3A_43, %dma_start3A_44] : memref<32x80x128xi32, #tpu.memory_space<hbm>> -> memref<1x80x128xi32, #tpu.memory_space<hbm>>
      %dma_start3A_46 = tpu.memref_squeeze %dma_start3A_45 : memref<1x80x128xi32, #tpu.memory_space<hbm>> -> memref<80x128xi32, #tpu.memory_space<hbm>>
      %dma_start3A_47 = arith.constant 0 : i32
      %dma_start3A_48 = arith.constant 0 : i32
      %dma_start3A_49 = tpu.memref_slice %arg4[%add3A, %dma_start3A_47, %dma_start3A_48] : memref<32x80x128xi32, #tpu.memory_space<hbm>> -> memref<1x80x128xi32, #tpu.memory_space<hbm>>
      %dma_start3A_50 = tpu.memref_squeeze %dma_start3A_49 : memref<1x80x128xi32, #tpu.memory_space<hbm>> -> memref<80x128xi32, #tpu.memory_space<hbm>>
      tpu.enqueue_dma source(%dma_start3A_50 : memref<80x128xi32, #tpu.memory_space<hbm>>) target(%arg9 : memref<80x128xi32, #tpu.memory_space<vmem>>) target_semaphore(%run_scoped3A : memref<!tpu.dma_semaphore, #tpu.memory_space<semaphore_mem>>)
      %dma_wait3A = arith.constant 0 : i32
      %dma_wait3A_51 = arith.constant 0 : i32
      %dma_wait3A_52 = tpu.memref_slice %arg4[%add3A, %dma_wait3A, %dma_wait3A_51] : memref<32x80x128xi32, #tpu.memory_space<hbm>> -> memref<1x80x128xi32, #tpu.memory_space<hbm>>
      %dma_wait3A_53 = tpu.memref_squeeze %dma_wait3A_52 : memref<1x80x128xi32, #tpu.memory_space<hbm>> -> memref<80x128xi32, #tpu.memory_space<hbm>>
      %dma_wait3A_54 = arith.constant 0 : i32
      %dma_wait3A_55 = arith.constant 0 : i32
      %dma_wait3A_56 = tpu.memref_slice %arg4[%add3A, %dma_wait3A_54, %dma_wait3A_55] : memref<32x80x128xi32, #tpu.memory_space<hbm>> -> memref<1x80x128xi32, #tpu.memory_space<hbm>>
      %dma_wait3A_57 = tpu.memref_squeeze %dma_wait3A_56 : memref<1x80x128xi32, #tpu.memory_space<hbm>> -> memref<80x128xi32, #tpu.memory_space<hbm>>
      tpu.wait_dma2 semaphore(%run_scoped3A : memref<!tpu.dma_semaphore, #tpu.memory_space<semaphore_mem>>) src(%dma_wait3A_57 : memref<80x128xi32, #tpu.memory_space<hbm>>) dst(%arg9 : memref<80x128xi32, #tpu.memory_space<vmem>>)
      tpu.yield
    }) : () -> ()
    "tpu.region"() ({
      %run_scoped3A = tpu.sem_alloc : memref<!tpu.dma_semaphore, #tpu.memory_space<semaphore_mem>>
      %dma_start3A_43 = arith.constant 0 : i32
      %dma_start3A_44 = arith.constant 0 : i32
      %dma_start3A_45 = tpu.memref_slice %arg5[%add3A, %dma_start3A_43, %dma_start3A_44] : memref<32x80x128xi32, #tpu.memory_space<hbm>> -> memref<1x80x128xi32, #tpu.memory_space<hbm>>
      %dma_start3A_46 = tpu.memref_squeeze %dma_start3A_45 : memref<1x80x128xi32, #tpu.memory_space<hbm>> -> memref<80x128xi32, #tpu.memory_space<hbm>>
      %dma_start3A_47 = arith.constant 0 : i32
      %dma_start3A_48 = arith.constant 0 : i32
      %dma_start3A_49 = tpu.memref_slice %arg5[%add3A, %dma_start3A_47, %dma_start3A_48] : memref<32x80x128xi32, #tpu.memory_space<hbm>> -> memref<1x80x128xi32, #tpu.memory_space<hbm>>
      %dma_start3A_50 = tpu.memref_squeeze %dma_start3A_49 : memref<1x80x128xi32, #tpu.memory_space<hbm>> -> memref<80x128xi32, #tpu.memory_space<hbm>>
      tpu.enqueue_dma source(%dma_start3A_50 : memref<80x128xi32, #tpu.memory_space<hbm>>) target(%arg10 : memref<80x128xi32, #tpu.memory_space<vmem>>) target_semaphore(%run_scoped3A : memref<!tpu.dma_semaphore, #tpu.memory_space<semaphore_mem>>)
      %dma_wait3A = arith.constant 0 : i32
      %dma_wait3A_51 = arith.constant 0 : i32
      %dma_wait3A_52 = tpu.memref_slice %arg5[%add3A, %dma_wait3A, %dma_wait3A_51] : memref<32x80x128xi32, #tpu.memory_space<hbm>> -> memref<1x80x128xi32, #tpu.memory_space<hbm>>
      %dma_wait3A_53 = tpu.memref_squeeze %dma_wait3A_52 : memref<1x80x128xi32, #tpu.memory_space<hbm>> -> memref<80x128xi32, #tpu.memory_space<hbm>>
      %dma_wait3A_54 = arith.constant 0 : i32
      %dma_wait3A_55 = arith.constant 0 : i32
      %dma_wait3A_56 = tpu.memref_slice %arg5[%add3A, %dma_wait3A_54, %dma_wait3A_55] : memref<32x80x128xi32, #tpu.memory_space<hbm>> -> memref<1x80x128xi32, #tpu.memory_space<hbm>>
      %dma_wait3A_57 = tpu.memref_squeeze %dma_wait3A_56 : memref<1x80x128xi32, #tpu.memory_space<hbm>> -> memref<80x128xi32, #tpu.memory_space<hbm>>
      tpu.wait_dma2 semaphore(%run_scoped3A : memref<!tpu.dma_semaphore, #tpu.memory_space<semaphore_mem>>) src(%dma_wait3A_57 : memref<80x128xi32, #tpu.memory_space<hbm>>) dst(%arg10 : memref<80x128xi32, #tpu.memory_space<vmem>>)
      tpu.yield
    }) : () -> ()
    %scan3A = arith.constant 0 : i32
    %scan3A_1 = arith.constant 0 : i32
    %scan3A_2 = arith.constant 64 : i32
    %scan3A_3 = arith.addi %scan3A_1, %scan3A_2 : i32
    %scan3A_4 = arith.constant 1 : i32
    scf.for %scan3A_43 = %scan3A_1 to %scan3A_3 step %scan3A_4  : i32 {
      %broadcast_in_dim3A = arith.constant 0.000000e+00 : f32
      %broadcast_in_dim3A_44 = vector.broadcast %broadcast_in_dim3A : f32 to vector<16xf32>
      %swap3A = arith.index_cast %scan3A_43 : i32 to index
      %swap3A_45 = arith.constant 0 : index
      %swap3A_46 = tpu.vector_load %arg15[%swap3A, %swap3A_45] {strides = array<i32>} : memref<64x80xf32, #tpu.memory_space<vmem>>, vector<16xf32>,
      tpu.vector_store %arg15[%swap3A, %swap3A_45], %broadcast_in_dim3A_44 {strides = array<i32>} : memref<64x80xf32, #tpu.memory_space<vmem>>, vector<16xf32>,
      %broadcast_in_dim3A_47 = arith.constant 0.000000e+00 : f32
      %broadcast_in_dim3A_48 = vector.broadcast %broadcast_in_dim3A_47 : f32 to vector<16xf32>
      %swap3A_49 = arith.index_cast %scan3A_43 : i32 to index
      %swap3A_50 = arith.constant 16 : index
      %swap3A_51 = tpu.vector_load %arg15[%swap3A_49, %swap3A_50] {strides = array<i32>} : memref<64x80xf32, #tpu.memory_space<vmem>>, vector<16xf32>,
      tpu.vector_store %arg15[%swap3A_49, %swap3A_50], %broadcast_in_dim3A_48 {strides = array<i32>} : memref<64x80xf32, #tpu.memory_space<vmem>>, vector<16xf32>,
      %broadcast_in_dim3A_52 = arith.constant 0.000000e+00 : f32
      %broadcast_in_dim3A_53 = vector.broadcast %broadcast_in_dim3A_52 : f32 to vector<16xf32>
      %swap3A_54 = arith.index_cast %scan3A_43 : i32 to index
      %swap3A_55 = arith.constant 32 : index
      %swap3A_56 = tpu.vector_load %arg15[%swap3A_54, %swap3A_55] {strides = array<i32>} : memref<64x80xf32, #tpu.memory_space<vmem>>, vector<16xf32>,
      tpu.vector_store %arg15[%swap3A_54, %swap3A_55], %broadcast_in_dim3A_53 {strides = array<i32>} : memref<64x80xf32, #tpu.memory_space<vmem>>, vector<16xf32>,
      %broadcast_in_dim3A_57 = arith.constant 0.000000e+00 : f32
      %broadcast_in_dim3A_58 = vector.broadcast %broadcast_in_dim3A_57 : f32 to vector<16xf32>
      %swap3A_59 = arith.index_cast %scan3A_43 : i32 to index
      %swap3A_60 = arith.constant 48 : index
      %swap3A_61 = tpu.vector_load %arg15[%swap3A_59, %swap3A_60] {strides = array<i32>} : memref<64x80xf32, #tpu.memory_space<vmem>>, vector<16xf32>,
      tpu.vector_store %arg15[%swap3A_59, %swap3A_60], %broadcast_in_dim3A_58 {strides = array<i32>} : memref<64x80xf32, #tpu.memory_space<vmem>>, vector<16xf32>,
      %broadcast_in_dim3A_62 = arith.constant 0.000000e+00 : f32
      %broadcast_in_dim3A_63 = vector.broadcast %broadcast_in_dim3A_62 : f32 to vector<16xf32>
      %swap3A_64 = arith.index_cast %scan3A_43 : i32 to index
      %swap3A_65 = arith.constant 64 : index
      %swap3A_66 = tpu.vector_load %arg15[%swap3A_64, %swap3A_65] {strides = array<i32>} : memref<64x80xf32, #tpu.memory_space<vmem>>, vector<16xf32>,
      tpu.vector_store %arg15[%swap3A_64, %swap3A_65], %broadcast_in_dim3A_63 {strides = array<i32>} : memref<64x80xf32, #tpu.memory_space<vmem>>, vector<16xf32>,
    }
    %scan3A_5 = arith.constant 64 : i32
    %scan3A_6 = arith.constant 0 : i32
    %scan3A_7 = arith.constant 0 : i32
    %scan3A_8 = arith.constant 10 : i32
    %scan3A_9 = arith.addi %scan3A_7, %scan3A_8 : i32
    %scan3A_10 = arith.constant 1 : i32
    scf.for %scan3A_43 = %scan3A_7 to %scan3A_9 step %scan3A_10  : i32 {
      %mul3A_44 = arith.constant 640 : i32
      %mul3A_45 = arith.muli %arg1, %mul3A_44 : i32
      %mul3A_46 = arith.constant 64 : i32
      %mul3A_47 = arith.muli %scan3A_43, %mul3A_46 : i32
      %add3A_48 = arith.addi %mul3A_45, %mul3A_47 : i32
      "tpu.region"() ({
        %run_scoped3A = tpu.sem_alloc : memref<!tpu.dma_semaphore, #tpu.memory_space<semaphore_mem>>
        %dma_start3A_49 = arith.constant 0 : i32
        %dma_start3A_50 = tpu.memref_slice %arg8[%add3A_48, %dma_start3A_49] : memref<10240x80xf32, #tpu.memory_space<vmem_shared>> -> memref<64x80xf32, #tpu.memory_space<vmem_shared>>
        %dma_start3A_51 = arith.constant 0 : i32
        %dma_start3A_52 = tpu.memref_slice %arg8[%add3A_48, %dma_start3A_51] : memref<10240x80xf32, #tpu.memory_space<vmem_shared>> -> memref<64x80xf32, #tpu.memory_space<vmem_shared>>
        tpu.enqueue_dma source(%arg15 : memref<64x80xf32, #tpu.memory_space<vmem>>) target(%dma_start3A_52 : memref<64x80xf32, #tpu.memory_space<vmem_shared>>) target_semaphore(%run_scoped3A : memref<!tpu.dma_semaphore, #tpu.memory_space<semaphore_mem>>)
        %dma_wait3A = arith.constant 0 : i32
        %dma_wait3A_53 = tpu.memref_slice %arg8[%add3A_48, %dma_wait3A] : memref<10240x80xf32, #tpu.memory_space<vmem_shared>> -> memref<64x80xf32, #tpu.memory_space<vmem_shared>>
        %dma_wait3A_54 = arith.constant 0 : i32
        %dma_wait3A_55 = tpu.memref_slice %arg8[%add3A_48, %dma_wait3A_54] : memref<10240x80xf32, #tpu.memory_space<vmem_shared>> -> memref<64x80xf32, #tpu.memory_space<vmem_shared>>
        tpu.wait_dma2 semaphore(%run_scoped3A : memref<!tpu.dma_semaphore, #tpu.memory_space<semaphore_mem>>) src(%arg15 : memref<64x80xf32, #tpu.memory_space<vmem>>) dst(%dma_wait3A_55 : memref<64x80xf32, #tpu.memory_space<vmem_shared>>)
        tpu.yield
      }) : () -> ()
    }
    %scan3A_11 = arith.constant 10 : i32
    %barrier3A = arith.constant 0 : index
    tpu.barrier barrier_id(%barrier3A)
    %iota3A = tpu.iota {dimensions = array<i32: 0>} : vector<16xi32>
    %lt3A = arith.constant 8 : i32
    %lt3A_12 = vector.broadcast %lt3A : i32 to vector<16xi32>
    %lt3A_13 = arith.cmpi slt, %iota3A, %lt3A_12 : vector<16xi32>
    %dma_start3A = arith.constant 0 : i32
    %dma_start3A_14 = arith.constant 0 : i32
    %dma_start3A_15 = tpu.memref_slice %arg9[%dma_start3A, %dma_start3A_14] : memref<80x128xi32, #tpu.memory_space<vmem>> -> memref<1x128xi32, #tpu.memory_space<vmem>>
    %dma_start3A_16 = tpu.memref_squeeze %dma_start3A_15 : memref<1x128xi32, #tpu.memory_space<vmem>> -> memref<128xi32, #tpu.memory_space<vmem>>
    %dma_start3A_17 = arith.constant 0 : i32
    %dma_start3A_18 = arith.constant 0 : i32
    %dma_start3A_19 = tpu.memref_slice %arg2[%dma_start3A_17, %dma_start3A_18] : memref<10240x80xf32, #tpu.memory_space<hbm>> -> memref<10240x80xf32, #tpu.memory_space<hbm>>
    tpu.enqueue_indirect_dma source(%dma_start3A_19 : memref<10240x80xf32, #tpu.memory_space<hbm>>) target(%arg11 : memref<128x80xf32, #tpu.memory_space<vmem>>) offsets(%dma_start3A_16 : memref<128xi32, #tpu.memory_space<vmem>>) semaphore(%arg16 : memref<!tpu.dma_semaphore, #tpu.memory_space<semaphore_mem>>)
    %dma_start3A_20 = arith.constant 0 : i32
    %dma_start3A_21 = arith.constant 0 : i32
    %dma_start3A_22 = tpu.memref_slice %arg10[%dma_start3A_20, %dma_start3A_21] : memref<80x128xi32, #tpu.memory_space<vmem>> -> memref<1x128xi32, #tpu.memory_space<vmem>>
    %dma_start3A_23 = tpu.memref_squeeze %dma_start3A_22 : memref<1x128xi32, #tpu.memory_space<vmem>> -> memref<128xi32, #tpu.memory_space<vmem>>
    %dma_start3A_24 = arith.constant 0 : i32
    %dma_start3A_25 = arith.constant 0 : i32
    %dma_start3A_26 = tpu.memref_slice %arg3[%dma_start3A_24, %dma_start3A_25] : memref<10240x16xf32, #tpu.memory_space<hbm>> -> memref<10240x16xf32, #tpu.memory_space<hbm>>
    tpu.enqueue_indirect_dma source(%dma_start3A_26 : memref<10240x16xf32, #tpu.memory_space<hbm>>) target(%arg13 : memref<128x16xf32, #tpu.memory_space<vmem>>) offsets(%dma_start3A_23 : memref<128xi32, #tpu.memory_space<vmem>>) semaphore(%arg17 : memref<!tpu.dma_semaphore, #tpu.memory_space<semaphore_mem>>)
    %scan3A_27 = arith.constant 0 : i32
    %scan3A_28 = arith.constant 0 : i32
    %scan3A_29 = arith.constant 40 : i32
    %scan3A_30 = arith.addi %scan3A_28, %scan3A_29 : i32
    %scan3A_31 = arith.constant 1 : i32
    scf.for %scan3A_43 = %scan3A_28 to %scan3A_30 step %scan3A_31  : i32 {
      %mul3A_44 = arith.constant 2 : i32
      %mul3A_45 = arith.muli %mul3A_44, %scan3A_43 : i32
      %add3A_46 = arith.constant 0 : i32
      %add3A_47 = arith.addi %mul3A_45, %add3A_46 : i32
      %add3A_48 = arith.constant 1 : i32
      %add3A_49 = arith.addi %add3A_47, %add3A_48 : i32
      %lt3A_50 = arith.constant 80 : i32
      %lt3A_51 = arith.cmpi slt, %add3A_49, %lt3A_50 : i32
      %convert_element_type3A_52 = arith.extui %lt3A_51 : i1 to i32
      %cond3A_53 = arith.constant 0 : i32
      %cond3A_54 = arith.cmpi ne, %convert_element_type3A_52, %cond3A_53 : i32
      scf.if %cond3A_54 {
        %add3A_94 = arith.constant 1 : i32
        %add3A_95 = arith.addi %add3A_47, %add3A_94 : i32
        %dma_start3A_96 = arith.constant 0 : i32
        %dma_start3A_97 = tpu.memref_slice %arg9[%add3A_95, %dma_start3A_96] : memref<80x128xi32, #tpu.memory_space<vmem>> -> memref<1x128xi32, #tpu.memory_space<vmem>>
        %dma_start3A_98 = tpu.memref_squeeze %dma_start3A_97 : memref<1x128xi32, #tpu.memory_space<vmem>> -> memref<128xi32, #tpu.memory_space<vmem>>
        %dma_start3A_99 = arith.constant 0 : i32
        %dma_start3A_100 = arith.constant 0 : i32
        %dma_start3A_101 = tpu.memref_slice %arg2[%dma_start3A_99, %dma_start3A_100] : memref<10240x80xf32, #tpu.memory_space<hbm>> -> memref<10240x80xf32, #tpu.memory_space<hbm>>
        tpu.enqueue_indirect_dma source(%dma_start3A_101 : memref<10240x80xf32, #tpu.memory_space<hbm>>) target(%arg12 : memref<128x80xf32, #tpu.memory_space<vmem>>) offsets(%dma_start3A_98 : memref<128xi32, #tpu.memory_space<vmem>>) semaphore(%arg18 : memref<!tpu.dma_semaphore, #tpu.memory_space<semaphore_mem>>)
        %dma_start3A_102 = arith.constant 0 : i32
        %dma_start3A_103 = tpu.memref_slice %arg10[%add3A_95, %dma_start3A_102] : memref<80x128xi32, #tpu.memory_space<vmem>> -> memref<1x128xi32, #tpu.memory_space<vmem>>
        %dma_start3A_104 = tpu.memref_squeeze %dma_start3A_103 : memref<1x128xi32, #tpu.memory_space<vmem>> -> memref<128xi32, #tpu.memory_space<vmem>>
        %dma_start3A_105 = arith.constant 0 : i32
        %dma_start3A_106 = arith.constant 0 : i32
        %dma_start3A_107 = tpu.memref_slice %arg3[%dma_start3A_105, %dma_start3A_106] : memref<10240x16xf32, #tpu.memory_space<hbm>> -> memref<10240x16xf32, #tpu.memory_space<hbm>>
        tpu.enqueue_indirect_dma source(%dma_start3A_107 : memref<10240x16xf32, #tpu.memory_space<hbm>>) target(%arg14 : memref<128x16xf32, #tpu.memory_space<vmem>>) offsets(%dma_start3A_104 : memref<128xi32, #tpu.memory_space<vmem>>) semaphore(%arg19 : memref<!tpu.dma_semaphore, #tpu.memory_space<semaphore_mem>>)
      } else {
      }
      %dma_wait3A = arith.constant 0 : i32
      %dma_wait3A_55 = tpu.memref_slice %arg9[%add3A_47, %dma_wait3A] : memref<80x128xi32, #tpu.memory_space<vmem>> -> memref<1x128xi32, #tpu.memory_space<vmem>>
      %dma_wait3A_56 = tpu.memref_squeeze %dma_wait3A_55 : memref<1x128xi32, #tpu.memory_space<vmem>> -> memref<128xi32, #tpu.memory_space<vmem>>
      %dma_wait3A_57 = arith.constant 0 : i32
      %dma_wait3A_58 = arith.constant 0 : i32
      %dma_wait3A_59 = tpu.memref_slice %arg2[%dma_wait3A_57, %dma_wait3A_58] : memref<10240x80xf32, #tpu.memory_space<hbm>> -> memref<10240x80xf32, #tpu.memory_space<hbm>>
      tpu.wait_indirect_dma semaphore(%arg16 : memref<!tpu.dma_semaphore, #tpu.memory_space<semaphore_mem>>) src(%dma_wait3A_59 : memref<10240x80xf32, #tpu.memory_space<hbm>>) dst(%arg11 : memref<128x80xf32, #tpu.memory_space<vmem>>)
      %dma_wait3A_60 = arith.constant 0 : i32
      %dma_wait3A_61 = tpu.memref_slice %arg10[%add3A_47, %dma_wait3A_60] : memref<80x128xi32, #tpu.memory_space<vmem>> -> memref<1x128xi32, #tpu.memory_space<vmem>>
      %dma_wait3A_62 = tpu.memref_squeeze %dma_wait3A_61 : memref<1x128xi32, #tpu.memory_space<vmem>> -> memref<128xi32, #tpu.memory_space<vmem>>
      %dma_wait3A_63 = arith.constant 0 : i32
      %dma_wait3A_64 = arith.constant 0 : i32
      %dma_wait3A_65 = tpu.memref_slice %arg3[%dma_wait3A_63, %dma_wait3A_64] : memref<10240x16xf32, #tpu.memory_space<hbm>> -> memref<10240x16xf32, #tpu.memory_space<hbm>>
      tpu.wait_indirect_dma semaphore(%arg17 : memref<!tpu.dma_semaphore, #tpu.memory_space<semaphore_mem>>) src(%dma_wait3A_65 : memref<10240x16xf32, #tpu.memory_space<hbm>>) dst(%arg13 : memref<128x16xf32, #tpu.memory_space<vmem>>)
      %parallel_loop3A = arith.constant 0 : i32
      %parallel_loop3A_66 = arith.constant 128 : i32
      %parallel_loop3A_67 = arith.constant 1 : i32
      scf.for %parallel_loop3A_94 = %parallel_loop3A to %parallel_loop3A_66 step %parallel_loop3A_67  : i32 {
        %parallel_loop3A_95 = arith.index_cast %parallel_loop3A_94 : i32 to index
        %parallel_loop3A_96 = arith.constant 64 : index
        %parallel_loop3A_97 = tpu.vector_load %arg11[%parallel_loop3A_95, %parallel_loop3A_96] {strides = array<i32>} : memref<128x80xf32, #tpu.memory_space<vmem>>, vector<16xf32>,
        %parallel_loop3A_98 = arith.index_cast %parallel_loop3A_94 : i32 to index
        %parallel_loop3A_99 = arith.constant 0 : index
        %parallel_loop3A_100 = tpu.vector_load %arg13[%parallel_loop3A_98, %parallel_loop3A_99] {strides = array<i32>} : memref<128x16xf32, #tpu.memory_space<vmem>>, vector<16xf32>,
        %parallel_loop3A_101 = arith.addf %parallel_loop3A_97, %parallel_loop3A_100 : vector<16xf32>
        %parallel_loop3A_102 = arith.constant 0.000000e+00 : f32
        %parallel_loop3A_103 = vector.broadcast %parallel_loop3A_102 : f32 to vector<16xf32>
        %parallel_loop3A_104 = arith.cmpf olt, %parallel_loop3A_101, %parallel_loop3A_103 : vector<16xf32>
        %parallel_loop3A_105 = arith.constant 2.000000e-01 : f32
        %parallel_loop3A_106 = vector.broadcast %parallel_loop3A_105 : f32 to vector<16xf32>
        %parallel_loop3A_107 = arith.mulf %parallel_loop3A_101, %parallel_loop3A_106 : vector<16xf32>
        %parallel_loop3A_108 = arith.select %parallel_loop3A_104, %parallel_loop3A_107, %parallel_loop3A_101 : vector<16xi1>, vector<16xf32>
        %parallel_loop3A_109 = math.exp %parallel_loop3A_108 : vector<16xf32>
        %parallel_loop3A_110 = arith.index_cast %parallel_loop3A_94 : i32 to index
        %parallel_loop3A_111 = arith.constant 64 : index
        %parallel_loop3A_112 = tpu.vector_load %arg11[%parallel_loop3A_110, %parallel_loop3A_111] {strides = array<i32>} : memref<128x80xf32, #tpu.memory_space<vmem>>, vector<16xf32>,
        tpu.vector_store %arg11[%parallel_loop3A_110, %parallel_loop3A_111], %parallel_loop3A_109 {strides = array<i32>} : memref<128x80xf32, #tpu.memory_space<vmem>>, vector<16xf32>,
        %parallel_loop3A_113 = arith.index_cast %parallel_loop3A_94 : i32 to index
        %parallel_loop3A_114 = arith.constant 0 : index
        %parallel_loop3A_115 = tpu.vector_load %arg11[%parallel_loop3A_113, %parallel_loop3A_114] {strides = array<i32>} : memref<128x80xf32, #tpu.memory_space<vmem>>, vector<16xf32>,
        %parallel_loop3A_116 = vector.extract_strided_slice %parallel_loop3A_109 {offsets = [0], sizes = [1], strides = [1]} : vector<16xf32> to vector<1xf32>
        %parallel_loop3A_117 = vector.extract %parallel_loop3A_116[0] : f32 from vector<1xf32>
        %parallel_loop3A_118 = vector.extract_strided_slice %parallel_loop3A_109 {offsets = [1], sizes = [1], strides = [1]} : vector<16xf32> to vector<1xf32>
        %parallel_loop3A_119 = vector.extract %parallel_loop3A_118[0] : f32 from vector<1xf32>
        %parallel_loop3A_120 = vector.broadcast %parallel_loop3A_117 : f32 to vector<16xf32>
        %parallel_loop3A_121 = vector.broadcast %parallel_loop3A_119 : f32 to vector<16xf32>
        %parallel_loop3A_122 = arith.select %lt3A_13, %parallel_loop3A_120, %parallel_loop3A_121 : vector<16xi1>, vector<16xf32>
        %parallel_loop3A_123 = arith.mulf %parallel_loop3A_115, %parallel_loop3A_122 : vector<16xf32>
        %parallel_loop3A_124 = arith.index_cast %parallel_loop3A_94 : i32 to index
        %parallel_loop3A_125 = arith.constant 0 : index
        %parallel_loop3A_126 = tpu.vector_load %arg11[%parallel_loop3A_124, %parallel_loop3A_125] {strides = array<i32>} : memref<128x80xf32, #tpu.memory_space<vmem>>, vector<16xf32>,
        tpu.vector_store %arg11[%parallel_loop3A_124, %parallel_loop3A_125], %parallel_loop3A_123 {strides = array<i32>} : memref<128x80xf32, #tpu.memory_space<vmem>>, vector<16xf32>,
        %parallel_loop3A_127 = arith.index_cast %parallel_loop3A_94 : i32 to index
        %parallel_loop3A_128 = arith.constant 16 : index
        %parallel_loop3A_129 = tpu.vector_load %arg11[%parallel_loop3A_127, %parallel_loop3A_128] {strides = array<i32>} : memref<128x80xf32, #tpu.memory_space<vmem>>, vector<16xf32>,
        %parallel_loop3A_130 = vector.extract_strided_slice %parallel_loop3A_109 {offsets = [2], sizes = [1], strides = [1]} : vector<16xf32> to vector<1xf32>
        %parallel_loop3A_131 = vector.extract %parallel_loop3A_130[0] : f32 from vector<1xf32>
        %parallel_loop3A_132 = vector.extract_strided_slice %parallel_loop3A_109 {offsets = [3], sizes = [1], strides = [1]} : vector<16xf32> to vector<1xf32>
        %parallel_loop3A_133 = vector.extract %parallel_loop3A_132[0] : f32 from vector<1xf32>
        %parallel_loop3A_134 = vector.broadcast %parallel_loop3A_131 : f32 to vector<16xf32>
        %parallel_loop3A_135 = vector.broadcast %parallel_loop3A_133 : f32 to vector<16xf32>
        %parallel_loop3A_136 = arith.select %lt3A_13, %parallel_loop3A_134, %parallel_loop3A_135 : vector<16xi1>, vector<16xf32>
        %parallel_loop3A_137 = arith.mulf %parallel_loop3A_129, %parallel_loop3A_136 : vector<16xf32>
        %parallel_loop3A_138 = arith.index_cast %parallel_loop3A_94 : i32 to index
        %parallel_loop3A_139 = arith.constant 16 : index
        %parallel_loop3A_140 = tpu.vector_load %arg11[%parallel_loop3A_138, %parallel_loop3A_139] {strides = array<i32>} : memref<128x80xf32, #tpu.memory_space<vmem>>, vector<16xf32>,
        tpu.vector_store %arg11[%parallel_loop3A_138, %parallel_loop3A_139], %parallel_loop3A_137 {strides = array<i32>} : memref<128x80xf32, #tpu.memory_space<vmem>>, vector<16xf32>,
        %parallel_loop3A_141 = arith.index_cast %parallel_loop3A_94 : i32 to index
        %parallel_loop3A_142 = arith.constant 32 : index
        %parallel_loop3A_143 = tpu.vector_load %arg11[%parallel_loop3A_141, %parallel_loop3A_142] {strides = array<i32>} : memref<128x80xf32, #tpu.memory_space<vmem>>, vector<16xf32>,
        %parallel_loop3A_144 = vector.extract_strided_slice %parallel_loop3A_109 {offsets = [4], sizes = [1], strides = [1]} : vector<16xf32> to vector<1xf32>
        %parallel_loop3A_145 = vector.extract %parallel_loop3A_144[0] : f32 from vector<1xf32>
        %parallel_loop3A_146 = vector.extract_strided_slice %parallel_loop3A_109 {offsets = [5], sizes = [1], strides = [1]} : vector<16xf32> to vector<1xf32>
        %parallel_loop3A_147 = vector.extract %parallel_loop3A_146[0] : f32 from vector<1xf32>
        %parallel_loop3A_148 = vector.broadcast %parallel_loop3A_145 : f32 to vector<16xf32>
        %parallel_loop3A_149 = vector.broadcast %parallel_loop3A_147 : f32 to vector<16xf32>
        %parallel_loop3A_150 = arith.select %lt3A_13, %parallel_loop3A_148, %parallel_loop3A_149 : vector<16xi1>, vector<16xf32>
        %parallel_loop3A_151 = arith.mulf %parallel_loop3A_143, %parallel_loop3A_150 : vector<16xf32>
        %parallel_loop3A_152 = arith.index_cast %parallel_loop3A_94 : i32 to index
        %parallel_loop3A_153 = arith.constant 32 : index
        %parallel_loop3A_154 = tpu.vector_load %arg11[%parallel_loop3A_152, %parallel_loop3A_153] {strides = array<i32>} : memref<128x80xf32, #tpu.memory_space<vmem>>, vector<16xf32>,
        tpu.vector_store %arg11[%parallel_loop3A_152, %parallel_loop3A_153], %parallel_loop3A_151 {strides = array<i32>} : memref<128x80xf32, #tpu.memory_space<vmem>>, vector<16xf32>,
        %parallel_loop3A_155 = arith.index_cast %parallel_loop3A_94 : i32 to index
        %parallel_loop3A_156 = arith.constant 48 : index
        %parallel_loop3A_157 = tpu.vector_load %arg11[%parallel_loop3A_155, %parallel_loop3A_156] {strides = array<i32>} : memref<128x80xf32, #tpu.memory_space<vmem>>, vector<16xf32>,
        %parallel_loop3A_158 = vector.extract_strided_slice %parallel_loop3A_109 {offsets = [6], sizes = [1], strides = [1]} : vector<16xf32> to vector<1xf32>
        %parallel_loop3A_159 = vector.extract %parallel_loop3A_158[0] : f32 from vector<1xf32>
        %parallel_loop3A_160 = vector.extract_strided_slice %parallel_loop3A_109 {offsets = [7], sizes = [1], strides = [1]} : vector<16xf32> to vector<1xf32>
        %parallel_loop3A_161 = vector.extract %parallel_loop3A_160[0] : f32 from vector<1xf32>
        %parallel_loop3A_162 = vector.broadcast %parallel_loop3A_159 : f32 to vector<16xf32>
        %parallel_loop3A_163 = vector.broadcast %parallel_loop3A_161 : f32 to vector<16xf32>
        %parallel_loop3A_164 = arith.select %lt3A_13, %parallel_loop3A_162, %parallel_loop3A_163 : vector<16xi1>, vector<16xf32>
        %parallel_loop3A_165 = arith.mulf %parallel_loop3A_157, %parallel_loop3A_164 : vector<16xf32>
        %parallel_loop3A_166 = arith.index_cast %parallel_loop3A_94 : i32 to index
        %parallel_loop3A_167 = arith.constant 48 : index
        %parallel_loop3A_168 = tpu.vector_load %arg11[%parallel_loop3A_166, %parallel_loop3A_167] {strides = array<i32>} : memref<128x80xf32, #tpu.memory_space<vmem>>, vector<16xf32>,
        tpu.vector_store %arg11[%parallel_loop3A_166, %parallel_loop3A_167], %parallel_loop3A_165 {strides = array<i32>} : memref<128x80xf32, #tpu.memory_space<vmem>>, vector<16xf32>,
      } {sc.loop_unroll_factor = 8 : i64, sc.parallel_access}
      "tpu.region"() ({
        %run_scoped3A = tpu.sem_alloc : memref<!tpu.dma_semaphore, #tpu.memory_space<semaphore_mem>>
        %dma_start3A_94 = arith.constant 0 : i32
        %dma_start3A_95 = tpu.memref_slice %arg10[%add3A_47, %dma_start3A_94] : memref<80x128xi32, #tpu.memory_space<vmem>> -> memref<1x128xi32, #tpu.memory_space<vmem>>
        %dma_start3A_96 = tpu.memref_squeeze %dma_start3A_95 : memref<1x128xi32, #tpu.memory_space<vmem>> -> memref<128xi32, #tpu.memory_space<vmem>>
        %dma_start3A_97 = arith.constant 0 : i32
        %dma_start3A_98 = arith.constant 0 : i32
        %dma_start3A_99 = tpu.memref_slice %arg8[%dma_start3A_97, %dma_start3A_98] : memref<10240x80xf32, #tpu.memory_space<vmem_shared>> -> memref<10240x80xf32, #tpu.memory_space<vmem_shared>>
        tpu.enqueue_indirect_dma source(%arg11 : memref<128x80xf32, #tpu.memory_space<vmem>>) target(%dma_start3A_99 : memref<10240x80xf32, #tpu.memory_space<vmem_shared>>) offsets(%dma_start3A_96 : memref<128xi32, #tpu.memory_space<vmem>>) semaphore(%run_scoped3A : memref<!tpu.dma_semaphore, #tpu.memory_space<semaphore_mem>>) {add = true}
        %dma_wait3A_100 = arith.constant 0 : i32
        %dma_wait3A_101 = tpu.memref_slice %arg10[%add3A_47, %dma_wait3A_100] : memref<80x128xi32, #tpu.memory_space<vmem>> -> memref<1x128xi32, #tpu.memory_space<vmem>>
        %dma_wait3A_102 = tpu.memref_squeeze %dma_wait3A_101 : memref<1x128xi32, #tpu.memory_space<vmem>> -> memref<128xi32, #tpu.memory_space<vmem>>
        %dma_wait3A_103 = arith.constant 0 : i32
        %dma_wait3A_104 = arith.constant 0 : i32
        %dma_wait3A_105 = tpu.memref_slice %arg8[%dma_wait3A_103, %dma_wait3A_104] : memref<10240x80xf32, #tpu.memory_space<vmem_shared>> -> memref<10240x80xf32, #tpu.memory_space<vmem_shared>>
        tpu.wait_indirect_dma semaphore(%run_scoped3A : memref<!tpu.dma_semaphore, #tpu.memory_space<semaphore_mem>>) src(%arg11 : memref<128x80xf32, #tpu.memory_space<vmem>>) dst(%dma_wait3A_105 : memref<10240x80xf32, #tpu.memory_space<vmem_shared>>)
        tpu.yield
      }) : () -> ()
      %mul3A_68 = arith.constant 2 : i32
      %mul3A_69 = arith.muli %mul3A_68, %scan3A_43 : i32
      %add3A_70 = arith.constant 1 : i32
      %add3A_71 = arith.addi %mul3A_69, %add3A_70 : i32
      %add3A_72 = arith.constant 1 : i32
      %add3A_73 = arith.addi %add3A_71, %add3A_72 : i32
      %lt3A_74 = arith.constant 80 : i32
      %lt3A_75 = arith.cmpi slt, %add3A_73, %lt3A_74 : i32
      %convert_element_type3A_76 = arith.extui %lt3A_75 : i1 to i32
      %cond3A_77 = arith.constant 0 : i32
      %cond3A_78 = arith.cmpi ne, %convert_element_type3A_76, %cond3A_77 : i32
      scf.if %cond3A_78 {
        %add3A_94 = arith.constant 1 : i32
        %add3A_95 = arith.addi %add3A_71, %add3A_94 : i32
        %dma_start3A_96 = arith.constant 0 : i32
        %dma_start3A_97 = tpu.memref_slice %arg9[%add3A_95, %dma_start3A_96] : memref<80x128xi32, #tpu.memory_space<vmem>> -> memref<1x128xi32, #tpu.memory_space<vmem>>
        %dma_start3A_98 = tpu.memref_squeeze %dma_start3A_97 : memref<1x128xi32, #tpu.memory_space<vmem>> -> memref<128xi32, #tpu.memory_space<vmem>>
        %dma_start3A_99 = arith.constant 0 : i32
        %dma_start3A_100 = arith.constant 0 : i32
        %dma_start3A_101 = tpu.memref_slice %arg2[%dma_start3A_99, %dma_start3A_100] : memref<10240x80xf32, #tpu.memory_space<hbm>> -> memref<10240x80xf32, #tpu.memory_space<hbm>>
        tpu.enqueue_indirect_dma source(%dma_start3A_101 : memref<10240x80xf32, #tpu.memory_space<hbm>>) target(%arg11 : memref<128x80xf32, #tpu.memory_space<vmem>>) offsets(%dma_start3A_98 : memref<128xi32, #tpu.memory_space<vmem>>) semaphore(%arg16 : memref<!tpu.dma_semaphore, #tpu.memory_space<semaphore_mem>>)
        %dma_start3A_102 = arith.constant 0 : i32
        %dma_start3A_103 = tpu.memref_slice %arg10[%add3A_95, %dma_start3A_102] : memref<80x128xi32, #tpu.memory_space<vmem>> -> memref<1x128xi32, #tpu.memory_space<vmem>>
        %dma_start3A_104 = tpu.memref_squeeze %dma_start3A_103 : memref<1x128xi32, #tpu.memory_space<vmem>> -> memref<128xi32, #tpu.memory_space<vmem>>
        %dma_start3A_105 = arith.constant 0 : i32
        %dma_start3A_106 = arith.constant 0 : i32
        %dma_start3A_107 = tpu.memref_slice %arg3[%dma_start3A_105, %dma_start3A_106] : memref<10240x16xf32, #tpu.memory_space<hbm>> -> memref<10240x16xf32, #tpu.memory_space<hbm>>
        tpu.enqueue_indirect_dma source(%dma_start3A_107 : memref<10240x16xf32, #tpu.memory_space<hbm>>) target(%arg13 : memref<128x16xf32, #tpu.memory_space<vmem>>) offsets(%dma_start3A_104 : memref<128xi32, #tpu.memory_space<vmem>>) semaphore(%arg17 : memref<!tpu.dma_semaphore, #tpu.memory_space<semaphore_mem>>)
      } else {
      }
      %dma_wait3A_79 = arith.constant 0 : i32
      %dma_wait3A_80 = tpu.memref_slice %arg9[%add3A_71, %dma_wait3A_79] : memref<80x128xi32, #tpu.memory_space<vmem>> -> memref<1x128xi32, #tpu.memory_space<vmem>>
      %dma_wait3A_81 = tpu.memref_squeeze %dma_wait3A_80 : memref<1x128xi32, #tpu.memory_space<vmem>> -> memref<128xi32, #tpu.memory_space<vmem>>
      %dma_wait3A_82 = arith.constant 0 : i32
      %dma_wait3A_83 = arith.constant 0 : i32
      %dma_wait3A_84 = tpu.memref_slice %arg2[%dma_wait3A_82, %dma_wait3A_83] : memref<10240x80xf32, #tpu.memory_space<hbm>> -> memref<10240x80xf32, #tpu.memory_space<hbm>>
      tpu.wait_indirect_dma semaphore(%arg18 : memref<!tpu.dma_semaphore, #tpu.memory_space<semaphore_mem>>) src(%dma_wait3A_84 : memref<10240x80xf32, #tpu.memory_space<hbm>>) dst(%arg12 : memref<128x80xf32, #tpu.memory_space<vmem>>)
      %dma_wait3A_85 = arith.constant 0 : i32
      %dma_wait3A_86 = tpu.memref_slice %arg10[%add3A_71, %dma_wait3A_85] : memref<80x128xi32, #tpu.memory_space<vmem>> -> memref<1x128xi32, #tpu.memory_space<vmem>>
      %dma_wait3A_87 = tpu.memref_squeeze %dma_wait3A_86 : memref<1x128xi32, #tpu.memory_space<vmem>> -> memref<128xi32, #tpu.memory_space<vmem>>
      %dma_wait3A_88 = arith.constant 0 : i32
      %dma_wait3A_89 = arith.constant 0 : i32
      %dma_wait3A_90 = tpu.memref_slice %arg3[%dma_wait3A_88, %dma_wait3A_89] : memref<10240x16xf32, #tpu.memory_space<hbm>> -> memref<10240x16xf32, #tpu.memory_space<hbm>>
      tpu.wait_indirect_dma semaphore(%arg19 : memref<!tpu.dma_semaphore, #tpu.memory_space<semaphore_mem>>) src(%dma_wait3A_90 : memref<10240x16xf32, #tpu.memory_space<hbm>>) dst(%arg14 : memref<128x16xf32, #tpu.memory_space<vmem>>)
      %parallel_loop3A_91 = arith.constant 0 : i32
      %parallel_loop3A_92 = arith.constant 128 : i32
      %parallel_loop3A_93 = arith.constant 1 : i32
      scf.for %parallel_loop3A_94 = %parallel_loop3A_91 to %parallel_loop3A_92 step %parallel_loop3A_93  : i32 {
        %parallel_loop3A_95 = arith.index_cast %parallel_loop3A_94 : i32 to index
        %parallel_loop3A_96 = arith.constant 64 : index
        %parallel_loop3A_97 = tpu.vector_load %arg12[%parallel_loop3A_95, %parallel_loop3A_96] {strides = array<i32>} : memref<128x80xf32, #tpu.memory_space<vmem>>, vector<16xf32>,
        %parallel_loop3A_98 = arith.index_cast %parallel_loop3A_94 : i32 to index
        %parallel_loop3A_99 = arith.constant 0 : index
        %parallel_loop3A_100 = tpu.vector_load %arg14[%parallel_loop3A_98, %parallel_loop3A_99] {strides = array<i32>} : memref<128x16xf32, #tpu.memory_space<vmem>>, vector<16xf32>,
        %parallel_loop3A_101 = arith.addf %parallel_loop3A_97, %parallel_loop3A_100 : vector<16xf32>
        %parallel_loop3A_102 = arith.constant 0.000000e+00 : f32
        %parallel_loop3A_103 = vector.broadcast %parallel_loop3A_102 : f32 to vector<16xf32>
        %parallel_loop3A_104 = arith.cmpf olt, %parallel_loop3A_101, %parallel_loop3A_103 : vector<16xf32>
        %parallel_loop3A_105 = arith.constant 2.000000e-01 : f32
        %parallel_loop3A_106 = vector.broadcast %parallel_loop3A_105 : f32 to vector<16xf32>
        %parallel_loop3A_107 = arith.mulf %parallel_loop3A_101, %parallel_loop3A_106 : vector<16xf32>
        %parallel_loop3A_108 = arith.select %parallel_loop3A_104, %parallel_loop3A_107, %parallel_loop3A_101 : vector<16xi1>, vector<16xf32>
        %parallel_loop3A_109 = math.exp %parallel_loop3A_108 : vector<16xf32>
        %parallel_loop3A_110 = arith.index_cast %parallel_loop3A_94 : i32 to index
        %parallel_loop3A_111 = arith.constant 64 : index
        %parallel_loop3A_112 = tpu.vector_load %arg12[%parallel_loop3A_110, %parallel_loop3A_111] {strides = array<i32>} : memref<128x80xf32, #tpu.memory_space<vmem>>, vector<16xf32>,
        tpu.vector_store %arg12[%parallel_loop3A_110, %parallel_loop3A_111], %parallel_loop3A_109 {strides = array<i32>} : memref<128x80xf32, #tpu.memory_space<vmem>>, vector<16xf32>,
        %parallel_loop3A_113 = arith.index_cast %parallel_loop3A_94 : i32 to index
        %parallel_loop3A_114 = arith.constant 0 : index
        %parallel_loop3A_115 = tpu.vector_load %arg12[%parallel_loop3A_113, %parallel_loop3A_114] {strides = array<i32>} : memref<128x80xf32, #tpu.memory_space<vmem>>, vector<16xf32>,
        %parallel_loop3A_116 = vector.extract_strided_slice %parallel_loop3A_109 {offsets = [0], sizes = [1], strides = [1]} : vector<16xf32> to vector<1xf32>
        %parallel_loop3A_117 = vector.extract %parallel_loop3A_116[0] : f32 from vector<1xf32>
        %parallel_loop3A_118 = vector.extract_strided_slice %parallel_loop3A_109 {offsets = [1], sizes = [1], strides = [1]} : vector<16xf32> to vector<1xf32>
        %parallel_loop3A_119 = vector.extract %parallel_loop3A_118[0] : f32 from vector<1xf32>
        %parallel_loop3A_120 = vector.broadcast %parallel_loop3A_117 : f32 to vector<16xf32>
        %parallel_loop3A_121 = vector.broadcast %parallel_loop3A_119 : f32 to vector<16xf32>
        %parallel_loop3A_122 = arith.select %lt3A_13, %parallel_loop3A_120, %parallel_loop3A_121 : vector<16xi1>, vector<16xf32>
        %parallel_loop3A_123 = arith.mulf %parallel_loop3A_115, %parallel_loop3A_122 : vector<16xf32>
        %parallel_loop3A_124 = arith.index_cast %parallel_loop3A_94 : i32 to index
        %parallel_loop3A_125 = arith.constant 0 : index
        %parallel_loop3A_126 = tpu.vector_load %arg12[%parallel_loop3A_124, %parallel_loop3A_125] {strides = array<i32>} : memref<128x80xf32, #tpu.memory_space<vmem>>, vector<16xf32>,
        tpu.vector_store %arg12[%parallel_loop3A_124, %parallel_loop3A_125], %parallel_loop3A_123 {strides = array<i32>} : memref<128x80xf32, #tpu.memory_space<vmem>>, vector<16xf32>,
        %parallel_loop3A_127 = arith.index_cast %parallel_loop3A_94 : i32 to index
        %parallel_loop3A_128 = arith.constant 16 : index
        %parallel_loop3A_129 = tpu.vector_load %arg12[%parallel_loop3A_127, %parallel_loop3A_128] {strides = array<i32>} : memref<128x80xf32, #tpu.memory_space<vmem>>, vector<16xf32>,
        %parallel_loop3A_130 = vector.extract_strided_slice %parallel_loop3A_109 {offsets = [2], sizes = [1], strides = [1]} : vector<16xf32> to vector<1xf32>
        %parallel_loop3A_131 = vector.extract %parallel_loop3A_130[0] : f32 from vector<1xf32>
        %parallel_loop3A_132 = vector.extract_strided_slice %parallel_loop3A_109 {offsets = [3], sizes = [1], strides = [1]} : vector<16xf32> to vector<1xf32>
        %parallel_loop3A_133 = vector.extract %parallel_loop3A_132[0] : f32 from vector<1xf32>
        %parallel_loop3A_134 = vector.broadcast %parallel_loop3A_131 : f32 to vector<16xf32>
        %parallel_loop3A_135 = vector.broadcast %parallel_loop3A_133 : f32 to vector<16xf32>
        %parallel_loop3A_136 = arith.select %lt3A_13, %parallel_loop3A_134, %parallel_loop3A_135 : vector<16xi1>, vector<16xf32>
        %parallel_loop3A_137 = arith.mulf %parallel_loop3A_129, %parallel_loop3A_136 : vector<16xf32>
        %parallel_loop3A_138 = arith.index_cast %parallel_loop3A_94 : i32 to index
        %parallel_loop3A_139 = arith.constant 16 : index
        %parallel_loop3A_140 = tpu.vector_load %arg12[%parallel_loop3A_138, %parallel_loop3A_139] {strides = array<i32>} : memref<128x80xf32, #tpu.memory_space<vmem>>, vector<16xf32>,
        tpu.vector_store %arg12[%parallel_loop3A_138, %parallel_loop3A_139], %parallel_loop3A_137 {strides = array<i32>} : memref<128x80xf32, #tpu.memory_space<vmem>>, vector<16xf32>,
        %parallel_loop3A_141 = arith.index_cast %parallel_loop3A_94 : i32 to index
        %parallel_loop3A_142 = arith.constant 32 : index
        %parallel_loop3A_143 = tpu.vector_load %arg12[%parallel_loop3A_141, %parallel_loop3A_142] {strides = array<i32>} : memref<128x80xf32, #tpu.memory_space<vmem>>, vector<16xf32>,
        %parallel_loop3A_144 = vector.extract_strided_slice %parallel_loop3A_109 {offsets = [4], sizes = [1], strides = [1]} : vector<16xf32> to vector<1xf32>
        %parallel_loop3A_145 = vector.extract %parallel_loop3A_144[0] : f32 from vector<1xf32>
        %parallel_loop3A_146 = vector.extract_strided_slice %parallel_loop3A_109 {offsets = [5], sizes = [1], strides = [1]} : vector<16xf32> to vector<1xf32>
        %parallel_loop3A_147 = vector.extract %parallel_loop3A_146[0] : f32 from vector<1xf32>
        %parallel_loop3A_148 = vector.broadcast %parallel_loop3A_145 : f32 to vector<16xf32>
        %parallel_loop3A_149 = vector.broadcast %parallel_loop3A_147 : f32 to vector<16xf32>
        %parallel_loop3A_150 = arith.select %lt3A_13, %parallel_loop3A_148, %parallel_loop3A_149 : vector<16xi1>, vector<16xf32>
        %parallel_loop3A_151 = arith.mulf %parallel_loop3A_143, %parallel_loop3A_150 : vector<16xf32>
        %parallel_loop3A_152 = arith.index_cast %parallel_loop3A_94 : i32 to index
        %parallel_loop3A_153 = arith.constant 32 : index
        %parallel_loop3A_154 = tpu.vector_load %arg12[%parallel_loop3A_152, %parallel_loop3A_153] {strides = array<i32>} : memref<128x80xf32, #tpu.memory_space<vmem>>, vector<16xf32>,
        tpu.vector_store %arg12[%parallel_loop3A_152, %parallel_loop3A_153], %parallel_loop3A_151 {strides = array<i32>} : memref<128x80xf32, #tpu.memory_space<vmem>>, vector<16xf32>,
        %parallel_loop3A_155 = arith.index_cast %parallel_loop3A_94 : i32 to index
        %parallel_loop3A_156 = arith.constant 48 : index
        %parallel_loop3A_157 = tpu.vector_load %arg12[%parallel_loop3A_155, %parallel_loop3A_156] {strides = array<i32>} : memref<128x80xf32, #tpu.memory_space<vmem>>, vector<16xf32>,
        %parallel_loop3A_158 = vector.extract_strided_slice %parallel_loop3A_109 {offsets = [6], sizes = [1], strides = [1]} : vector<16xf32> to vector<1xf32>
        %parallel_loop3A_159 = vector.extract %parallel_loop3A_158[0] : f32 from vector<1xf32>
        %parallel_loop3A_160 = vector.extract_strided_slice %parallel_loop3A_109 {offsets = [7], sizes = [1], strides = [1]} : vector<16xf32> to vector<1xf32>
        %parallel_loop3A_161 = vector.extract %parallel_loop3A_160[0] : f32 from vector<1xf32>
        %parallel_loop3A_162 = vector.broadcast %parallel_loop3A_159 : f32 to vector<16xf32>
        %parallel_loop3A_163 = vector.broadcast %parallel_loop3A_161 : f32 to vector<16xf32>
        %parallel_loop3A_164 = arith.select %lt3A_13, %parallel_loop3A_162, %parallel_loop3A_163 : vector<16xi1>, vector<16xf32>
        %parallel_loop3A_165 = arith.mulf %parallel_loop3A_157, %parallel_loop3A_164 : vector<16xf32>
        %parallel_loop3A_166 = arith.index_cast %parallel_loop3A_94 : i32 to index
        %parallel_loop3A_167 = arith.constant 48 : index
        %parallel_loop3A_168 = tpu.vector_load %arg12[%parallel_loop3A_166, %parallel_loop3A_167] {strides = array<i32>} : memref<128x80xf32, #tpu.memory_space<vmem>>, vector<16xf32>,
        tpu.vector_store %arg12[%parallel_loop3A_166, %parallel_loop3A_167], %parallel_loop3A_165 {strides = array<i32>} : memref<128x80xf32, #tpu.memory_space<vmem>>, vector<16xf32>,
      } {sc.loop_unroll_factor = 8 : i64, sc.parallel_access}
      "tpu.region"() ({
        %run_scoped3A = tpu.sem_alloc : memref<!tpu.dma_semaphore, #tpu.memory_space<semaphore_mem>>
        %dma_start3A_94 = arith.constant 0 : i32
        %dma_start3A_95 = tpu.memref_slice %arg10[%add3A_71, %dma_start3A_94] : memref<80x128xi32, #tpu.memory_space<vmem>> -> memref<1x128xi32, #tpu.memory_space<vmem>>
        %dma_start3A_96 = tpu.memref_squeeze %dma_start3A_95 : memref<1x128xi32, #tpu.memory_space<vmem>> -> memref<128xi32, #tpu.memory_space<vmem>>
        %dma_start3A_97 = arith.constant 0 : i32
        %dma_start3A_98 = arith.constant 0 : i32
        %dma_start3A_99 = tpu.memref_slice %arg8[%dma_start3A_97, %dma_start3A_98] : memref<10240x80xf32, #tpu.memory_space<vmem_shared>> -> memref<10240x80xf32, #tpu.memory_space<vmem_shared>>
        tpu.enqueue_indirect_dma source(%arg12 : memref<128x80xf32, #tpu.memory_space<vmem>>) target(%dma_start3A_99 : memref<10240x80xf32, #tpu.memory_space<vmem_shared>>) offsets(%dma_start3A_96 : memref<128xi32, #tpu.memory_space<vmem>>) semaphore(%run_scoped3A : memref<!tpu.dma_semaphore, #tpu.memory_space<semaphore_mem>>) {add = true}
        %dma_wait3A_100 = arith.constant 0 : i32
        %dma_wait3A_101 = tpu.memref_slice %arg10[%add3A_71, %dma_wait3A_100] : memref<80x128xi32, #tpu.memory_space<vmem>> -> memref<1x128xi32, #tpu.memory_space<vmem>>
        %dma_wait3A_102 = tpu.memref_squeeze %dma_wait3A_101 : memref<1x128xi32, #tpu.memory_space<vmem>> -> memref<128xi32, #tpu.memory_space<vmem>>
        %dma_wait3A_103 = arith.constant 0 : i32
        %dma_wait3A_104 = arith.constant 0 : i32
        %dma_wait3A_105 = tpu.memref_slice %arg8[%dma_wait3A_103, %dma_wait3A_104] : memref<10240x80xf32, #tpu.memory_space<vmem_shared>> -> memref<10240x80xf32, #tpu.memory_space<vmem_shared>>
        tpu.wait_indirect_dma semaphore(%run_scoped3A : memref<!tpu.dma_semaphore, #tpu.memory_space<semaphore_mem>>) src(%arg12 : memref<128x80xf32, #tpu.memory_space<vmem>>) dst(%dma_wait3A_105 : memref<10240x80xf32, #tpu.memory_space<vmem_shared>>)
        tpu.yield
      }) : () -> ()
    }
    %scan3A_32 = arith.constant 40 : i32
    %barrier3A_33 = arith.constant 0 : index
    tpu.barrier barrier_id(%barrier3A_33)
    %mul3A_34 = arith.constant 640 : i32
    %mul3A_35 = arith.muli %arg1, %mul3A_34 : i32
    %eq3A = arith.constant 0 : i32
    %eq3A_36 = arith.cmpi eq, %arg0, %eq3A : i32
    %convert_element_type3A = arith.extui %eq3A_36 : i1 to i32
    %cond3A = arith.constant 0 : i32
    %cond3A_37 = arith.cmpi ne, %convert_element_type3A, %cond3A : i32
    scf.if %cond3A_37 {
      "tpu.region"() ({
        %run_scoped3A = tpu.sem_alloc : memref<!tpu.dma_semaphore, #tpu.memory_space<semaphore_mem>>
        %dma_start3A_43 = arith.constant 0 : i32
        %dma_start3A_44 = tpu.memref_slice %arg6[%mul3A_35, %dma_start3A_43] : memref<10240x80xf32, #tpu.memory_space<hbm>> -> memref<640x80xf32, #tpu.memory_space<hbm>>
        %dma_start3A_45 = arith.constant 0 : i32
        %dma_start3A_46 = tpu.memref_slice %arg8[%mul3A_35, %dma_start3A_45] : memref<10240x80xf32, #tpu.memory_space<vmem_shared>> -> memref<640x80xf32, #tpu.memory_space<vmem_shared>>
        tpu.enqueue_dma source(%dma_start3A_46 : memref<640x80xf32, #tpu.memory_space<vmem_shared>>) target(%dma_start3A_44 : memref<640x80xf32, #tpu.memory_space<hbm>>) target_semaphore(%run_scoped3A : memref<!tpu.dma_semaphore, #tpu.memory_space<semaphore_mem>>)
        %dma_wait3A = arith.constant 0 : i32
        %dma_wait3A_47 = tpu.memref_slice %arg6[%mul3A_35, %dma_wait3A] : memref<10240x80xf32, #tpu.memory_space<hbm>> -> memref<640x80xf32, #tpu.memory_space<hbm>>
        %dma_wait3A_48 = arith.constant 0 : i32
        %dma_wait3A_49 = tpu.memref_slice %arg8[%mul3A_35, %dma_wait3A_48] : memref<10240x80xf32, #tpu.memory_space<vmem_shared>> -> memref<640x80xf32, #tpu.memory_space<vmem_shared>>
        tpu.wait_dma2 semaphore(%run_scoped3A : memref<!tpu.dma_semaphore, #tpu.memory_space<semaphore_mem>>) src(%dma_wait3A_49 : memref<640x80xf32, #tpu.memory_space<vmem_shared>>) dst(%dma_wait3A_47 : memref<640x80xf32, #tpu.memory_space<hbm>>)
        tpu.yield
      }) : () -> ()
    } else {
    }
    %eq3A_38 = arith.constant 1 : i32
    %eq3A_39 = arith.cmpi eq, %arg0, %eq3A_38 : i32
    %convert_element_type3A_40 = arith.extui %eq3A_39 : i1 to i32
    %cond3A_41 = arith.constant 0 : i32
    %cond3A_42 = arith.cmpi ne, %convert_element_type3A_40, %cond3A_41 : i32
    scf.if %cond3A_42 {
      "tpu.region"() ({
        %run_scoped3A = tpu.sem_alloc : memref<!tpu.dma_semaphore, #tpu.memory_space<semaphore_mem>>
        %dma_start3A_43 = arith.constant 0 : i32
        %dma_start3A_44 = tpu.memref_slice %arg7[%mul3A_35, %dma_start3A_43] : memref<10240x80xf32, #tpu.memory_space<hbm>> -> memref<640x80xf32, #tpu.memory_space<hbm>>
        %dma_start3A_45 = arith.constant 0 : i32
        %dma_start3A_46 = tpu.memref_slice %arg8[%mul3A_35, %dma_start3A_45] : memref<10240x80xf32, #tpu.memory_space<vmem_shared>> -> memref<640x80xf32, #tpu.memory_space<vmem_shared>>
        tpu.enqueue_dma source(%dma_start3A_46 : memref<640x80xf32, #tpu.memory_space<vmem_shared>>) target(%dma_start3A_44 : memref<640x80xf32, #tpu.memory_space<hbm>>) target_semaphore(%run_scoped3A : memref<!tpu.dma_semaphore, #tpu.memory_space<semaphore_mem>>)
        %dma_wait3A = arith.constant 0 : i32
        %dma_wait3A_47 = tpu.memref_slice %arg7[%mul3A_35, %dma_wait3A] : memref<10240x80xf32, #tpu.memory_space<hbm>> -> memref<640x80xf32, #tpu.memory_space<hbm>>
        %dma_wait3A_48 = arith.constant 0 : i32
        %dma_wait3A_49 = tpu.memref_slice %arg8[%mul3A_35, %dma_wait3A_48] : memref<10240x80xf32, #tpu.memory_space<vmem_shared>> -> memref<640x80xf32, #tpu.memory_space<vmem_shared>>
        tpu.wait_dma2 semaphore(%run_scoped3A : memref<!tpu.dma_semaphore, #tpu.memory_space<semaphore_mem>>) src(%dma_wait3A_49 : memref<640x80xf32, #tpu.memory_space<vmem_shared>>) dst(%dma_wait3A_47 : memref<640x80xf32, #tpu.memory_space<hbm>>)
        tpu.yield
      }) : () -> ()
    } else {
    }
    return
  }
}

#map = affine_map<(d0, d1) -> (0, 0)>
#map1 = affine_map<(d0, d1) -> (0, 0, 0)>
module attributes {stable_mosaic.version = 14 : i64} {
  func.func @_edge_body(%arg0: i32, %arg1: i32, %arg2: memref<10240x80xf32, #tpu.memory_space<hbm>>, %arg3: memref<10240x16xf32, #tpu.memory_space<hbm>>, %arg4: memref<32x80x128xi32, #tpu.memory_space<hbm>>, %arg5: memref<32x80x128xi32, #tpu.memory_space<hbm>>, %arg6: memref<10240x80xf32, #tpu.memory_space<hbm>>, %arg7: memref<10240x80xf32, #tpu.memory_space<hbm>>, %arg8: memref<10240x80xf32, #tpu.memory_space<vmem_shared>>, %arg9: memref<80x128xi32, #tpu.memory_space<vmem>>, %arg10: memref<80x128xi32, #tpu.memory_space<vmem>>, %arg11: memref<128x80xf32, #tpu.memory_space<vmem>>, %arg12: memref<128x80xf32, #tpu.memory_space<vmem>>, %arg13: memref<128x16xf32, #tpu.memory_space<vmem>>, %arg14: memref<128x16xf32, #tpu.memory_space<vmem>>, %arg15: memref<64x80xf32, #tpu.memory_space<vmem>>, %arg16: memref<!tpu.dma_semaphore, #tpu.memory_space<semaphore_mem>>, %arg17: memref<!tpu.dma_semaphore, #tpu.memory_space<semaphore_mem>>, %arg18: memref<!tpu.dma_semaphore, #tpu.memory_space<semaphore_mem>>, %arg19: memref<!tpu.dma_semaphore, #tpu.memory_space<semaphore_mem>>, %arg20: memref<!tpu.dma_semaphore, #tpu.memory_space<semaphore_mem>>, %arg21: memref<!tpu.dma_semaphore, #tpu.memory_space<semaphore_mem>>) attributes {dimension_semantics = [#tpu.dimension_semantics<core_parallel>, #tpu.dimension_semantics<subcore_parallel>], iteration_bounds = array<i64: 2, 16>, scalar_prefetch = 0 : i64, scratch_operands = 14 : i64, tpu.core_type = #tpu.core_type<sc_vector_subcore>, window_params = [{transform_indices = #map}, {transform_indices = #map}, {transform_indices = #map1}, {transform_indices = #map1}, {transform_indices = #map}, {transform_indices = #map}]} {
    %mul3A = arith.constant 2 : i32
    %mul3A_0 = arith.muli %arg1, %mul3A : i32
    %add3A = arith.addi %mul3A_0, %arg0 : i32
    "tpu.region"() ({
      %run_scoped3A = tpu.sem_alloc : memref<!tpu.dma_semaphore, #tpu.memory_space<semaphore_mem>>
      %dma_start3A_43 = arith.constant 0 : i32
      %dma_start3A_44 = arith.constant 0 : i32
      %dma_start3A_45 = tpu.memref_slice %arg4[%add3A, %dma_start3A_43, %dma_start3A_44] : memref<32x80x128xi32, #tpu.memory_space<hbm>> -> memref<1x80x128xi32, #tpu.memory_space<hbm>>
      %dma_start3A_46 = tpu.memref_squeeze %dma_start3A_45 : memref<1x80x128xi32, #tpu.memory_space<hbm>> -> memref<80x128xi32, #tpu.memory_space<hbm>>
      %dma_start3A_47 = arith.constant 0 : i32
      %dma_start3A_48 = arith.constant 0 : i32
      %dma_start3A_49 = tpu.memref_slice %arg4[%add3A, %dma_start3A_47, %dma_start3A_48] : memref<32x80x128xi32, #tpu.memory_space<hbm>> -> memref<1x80x128xi32, #tpu.memory_space<hbm>>
      %dma_start3A_50 = tpu.memref_squeeze %dma_start3A_49 : memref<1x80x128xi32, #tpu.memory_space<hbm>> -> memref<80x128xi32, #tpu.memory_space<hbm>>
      tpu.enqueue_dma source(%dma_start3A_50 : memref<80x128xi32, #tpu.memory_space<hbm>>) target(%arg9 : memref<80x128xi32, #tpu.memory_space<vmem>>) target_semaphore(%run_scoped3A : memref<!tpu.dma_semaphore, #tpu.memory_space<semaphore_mem>>)
      %dma_wait3A = arith.constant 0 : i32
      %dma_wait3A_51 = arith.constant 0 : i32
      %dma_wait3A_52 = tpu.memref_slice %arg4[%add3A, %dma_wait3A, %dma_wait3A_51] : memref<32x80x128xi32, #tpu.memory_space<hbm>> -> memref<1x80x128xi32, #tpu.memory_space<hbm>>
      %dma_wait3A_53 = tpu.memref_squeeze %dma_wait3A_52 : memref<1x80x128xi32, #tpu.memory_space<hbm>> -> memref<80x128xi32, #tpu.memory_space<hbm>>
      %dma_wait3A_54 = arith.constant 0 : i32
      %dma_wait3A_55 = arith.constant 0 : i32
      %dma_wait3A_56 = tpu.memref_slice %arg4[%add3A, %dma_wait3A_54, %dma_wait3A_55] : memref<32x80x128xi32, #tpu.memory_space<hbm>> -> memref<1x80x128xi32, #tpu.memory_space<hbm>>
      %dma_wait3A_57 = tpu.memref_squeeze %dma_wait3A_56 : memref<1x80x128xi32, #tpu.memory_space<hbm>> -> memref<80x128xi32, #tpu.memory_space<hbm>>
      tpu.wait_dma2 semaphore(%run_scoped3A : memref<!tpu.dma_semaphore, #tpu.memory_space<semaphore_mem>>) src(%dma_wait3A_57 : memref<80x128xi32, #tpu.memory_space<hbm>>) dst(%arg9 : memref<80x128xi32, #tpu.memory_space<vmem>>)
      tpu.yield
    }) : () -> ()
    "tpu.region"() ({
      %run_scoped3A = tpu.sem_alloc : memref<!tpu.dma_semaphore, #tpu.memory_space<semaphore_mem>>
      %dma_start3A_43 = arith.constant 0 : i32
      %dma_start3A_44 = arith.constant 0 : i32
      %dma_start3A_45 = tpu.memref_slice %arg5[%add3A, %dma_start3A_43, %dma_start3A_44] : memref<32x80x128xi32, #tpu.memory_space<hbm>> -> memref<1x80x128xi32, #tpu.memory_space<hbm>>
      %dma_start3A_46 = tpu.memref_squeeze %dma_start3A_45 : memref<1x80x128xi32, #tpu.memory_space<hbm>> -> memref<80x128xi32, #tpu.memory_space<hbm>>
      %dma_start3A_47 = arith.constant 0 : i32
      %dma_start3A_48 = arith.constant 0 : i32
      %dma_start3A_49 = tpu.memref_slice %arg5[%add3A, %dma_start3A_47, %dma_start3A_48] : memref<32x80x128xi32, #tpu.memory_space<hbm>> -> memref<1x80x128xi32, #tpu.memory_space<hbm>>
      %dma_start3A_50 = tpu.memref_squeeze %dma_start3A_49 : memref<1x80x128xi32, #tpu.memory_space<hbm>> -> memref<80x128xi32, #tpu.memory_space<hbm>>
      tpu.enqueue_dma source(%dma_start3A_50 : memref<80x128xi32, #tpu.memory_space<hbm>>) target(%arg10 : memref<80x128xi32, #tpu.memory_space<vmem>>) target_semaphore(%run_scoped3A : memref<!tpu.dma_semaphore, #tpu.memory_space<semaphore_mem>>)
      %dma_wait3A = arith.constant 0 : i32
      %dma_wait3A_51 = arith.constant 0 : i32
      %dma_wait3A_52 = tpu.memref_slice %arg5[%add3A, %dma_wait3A, %dma_wait3A_51] : memref<32x80x128xi32, #tpu.memory_space<hbm>> -> memref<1x80x128xi32, #tpu.memory_space<hbm>>
      %dma_wait3A_53 = tpu.memref_squeeze %dma_wait3A_52 : memref<1x80x128xi32, #tpu.memory_space<hbm>> -> memref<80x128xi32, #tpu.memory_space<hbm>>
      %dma_wait3A_54 = arith.constant 0 : i32
      %dma_wait3A_55 = arith.constant 0 : i32
      %dma_wait3A_56 = tpu.memref_slice %arg5[%add3A, %dma_wait3A_54, %dma_wait3A_55] : memref<32x80x128xi32, #tpu.memory_space<hbm>> -> memref<1x80x128xi32, #tpu.memory_space<hbm>>
      %dma_wait3A_57 = tpu.memref_squeeze %dma_wait3A_56 : memref<1x80x128xi32, #tpu.memory_space<hbm>> -> memref<80x128xi32, #tpu.memory_space<hbm>>
      tpu.wait_dma2 semaphore(%run_scoped3A : memref<!tpu.dma_semaphore, #tpu.memory_space<semaphore_mem>>) src(%dma_wait3A_57 : memref<80x128xi32, #tpu.memory_space<hbm>>) dst(%arg10 : memref<80x128xi32, #tpu.memory_space<vmem>>)
      tpu.yield
    }) : () -> ()
    %scan3A = arith.constant 0 : i32
    %scan3A_1 = arith.constant 0 : i32
    %scan3A_2 = arith.constant 64 : i32
    %scan3A_3 = arith.addi %scan3A_1, %scan3A_2 : i32
    %scan3A_4 = arith.constant 1 : i32
    scf.for %scan3A_43 = %scan3A_1 to %scan3A_3 step %scan3A_4  : i32 {
      %broadcast_in_dim3A = arith.constant 0.000000e+00 : f32
      %broadcast_in_dim3A_44 = vector.broadcast %broadcast_in_dim3A : f32 to vector<16xf32>
      %swap3A = arith.index_cast %scan3A_43 : i32 to index
      %swap3A_45 = arith.constant 0 : index
      %swap3A_46 = tpu.vector_load %arg15[%swap3A, %swap3A_45] {strides = array<i32>} : memref<64x80xf32, #tpu.memory_space<vmem>>, vector<16xf32>,
      tpu.vector_store %arg15[%swap3A, %swap3A_45], %broadcast_in_dim3A_44 {strides = array<i32>} : memref<64x80xf32, #tpu.memory_space<vmem>>, vector<16xf32>,
      %broadcast_in_dim3A_47 = arith.constant 0.000000e+00 : f32
      %broadcast_in_dim3A_48 = vector.broadcast %broadcast_in_dim3A_47 : f32 to vector<16xf32>
      %swap3A_49 = arith.index_cast %scan3A_43 : i32 to index
      %swap3A_50 = arith.constant 16 : index
      %swap3A_51 = tpu.vector_load %arg15[%swap3A_49, %swap3A_50] {strides = array<i32>} : memref<64x80xf32, #tpu.memory_space<vmem>>, vector<16xf32>,
      tpu.vector_store %arg15[%swap3A_49, %swap3A_50], %broadcast_in_dim3A_48 {strides = array<i32>} : memref<64x80xf32, #tpu.memory_space<vmem>>, vector<16xf32>,
      %broadcast_in_dim3A_52 = arith.constant 0.000000e+00 : f32
      %broadcast_in_dim3A_53 = vector.broadcast %broadcast_in_dim3A_52 : f32 to vector<16xf32>
      %swap3A_54 = arith.index_cast %scan3A_43 : i32 to index
      %swap3A_55 = arith.constant 32 : index
      %swap3A_56 = tpu.vector_load %arg15[%swap3A_54, %swap3A_55] {strides = array<i32>} : memref<64x80xf32, #tpu.memory_space<vmem>>, vector<16xf32>,
      tpu.vector_store %arg15[%swap3A_54, %swap3A_55], %broadcast_in_dim3A_53 {strides = array<i32>} : memref<64x80xf32, #tpu.memory_space<vmem>>, vector<16xf32>,
      %broadcast_in_dim3A_57 = arith.constant 0.000000e+00 : f32
      %broadcast_in_dim3A_58 = vector.broadcast %broadcast_in_dim3A_57 : f32 to vector<16xf32>
      %swap3A_59 = arith.index_cast %scan3A_43 : i32 to index
      %swap3A_60 = arith.constant 48 : index
      %swap3A_61 = tpu.vector_load %arg15[%swap3A_59, %swap3A_60] {strides = array<i32>} : memref<64x80xf32, #tpu.memory_space<vmem>>, vector<16xf32>,
      tpu.vector_store %arg15[%swap3A_59, %swap3A_60], %broadcast_in_dim3A_58 {strides = array<i32>} : memref<64x80xf32, #tpu.memory_space<vmem>>, vector<16xf32>,
      %broadcast_in_dim3A_62 = arith.constant 0.000000e+00 : f32
      %broadcast_in_dim3A_63 = vector.broadcast %broadcast_in_dim3A_62 : f32 to vector<16xf32>
      %swap3A_64 = arith.index_cast %scan3A_43 : i32 to index
      %swap3A_65 = arith.constant 64 : index
      %swap3A_66 = tpu.vector_load %arg15[%swap3A_64, %swap3A_65] {strides = array<i32>} : memref<64x80xf32, #tpu.memory_space<vmem>>, vector<16xf32>,
      tpu.vector_store %arg15[%swap3A_64, %swap3A_65], %broadcast_in_dim3A_63 {strides = array<i32>} : memref<64x80xf32, #tpu.memory_space<vmem>>, vector<16xf32>,
    }
    %scan3A_5 = arith.constant 64 : i32
    %scan3A_6 = arith.constant 0 : i32
    %scan3A_7 = arith.constant 0 : i32
    %scan3A_8 = arith.constant 10 : i32
    %scan3A_9 = arith.addi %scan3A_7, %scan3A_8 : i32
    %scan3A_10 = arith.constant 1 : i32
    scf.for %scan3A_43 = %scan3A_7 to %scan3A_9 step %scan3A_10  : i32 {
      %mul3A_44 = arith.constant 640 : i32
      %mul3A_45 = arith.muli %arg1, %mul3A_44 : i32
      %mul3A_46 = arith.constant 64 : i32
      %mul3A_47 = arith.muli %scan3A_43, %mul3A_46 : i32
      %add3A_48 = arith.addi %mul3A_45, %mul3A_47 : i32
      "tpu.region"() ({
        %run_scoped3A = tpu.sem_alloc : memref<!tpu.dma_semaphore, #tpu.memory_space<semaphore_mem>>
        %dma_start3A_49 = arith.constant 0 : i32
        %dma_start3A_50 = tpu.memref_slice %arg8[%add3A_48, %dma_start3A_49] : memref<10240x80xf32, #tpu.memory_space<vmem_shared>> -> memref<64x80xf32, #tpu.memory_space<vmem_shared>>
        %dma_start3A_51 = arith.constant 0 : i32
        %dma_start3A_52 = tpu.memref_slice %arg8[%add3A_48, %dma_start3A_51] : memref<10240x80xf32, #tpu.memory_space<vmem_shared>> -> memref<64x80xf32, #tpu.memory_space<vmem_shared>>
        tpu.enqueue_dma source(%arg15 : memref<64x80xf32, #tpu.memory_space<vmem>>) target(%dma_start3A_52 : memref<64x80xf32, #tpu.memory_space<vmem_shared>>) target_semaphore(%run_scoped3A : memref<!tpu.dma_semaphore, #tpu.memory_space<semaphore_mem>>)
        %dma_wait3A = arith.constant 0 : i32
        %dma_wait3A_53 = tpu.memref_slice %arg8[%add3A_48, %dma_wait3A] : memref<10240x80xf32, #tpu.memory_space<vmem_shared>> -> memref<64x80xf32, #tpu.memory_space<vmem_shared>>
        %dma_wait3A_54 = arith.constant 0 : i32
        %dma_wait3A_55 = tpu.memref_slice %arg8[%add3A_48, %dma_wait3A_54] : memref<10240x80xf32, #tpu.memory_space<vmem_shared>> -> memref<64x80xf32, #tpu.memory_space<vmem_shared>>
        tpu.wait_dma2 semaphore(%run_scoped3A : memref<!tpu.dma_semaphore, #tpu.memory_space<semaphore_mem>>) src(%arg15 : memref<64x80xf32, #tpu.memory_space<vmem>>) dst(%dma_wait3A_55 : memref<64x80xf32, #tpu.memory_space<vmem_shared>>)
        tpu.yield
      }) : () -> ()
    }
    %scan3A_11 = arith.constant 10 : i32
    %barrier3A = arith.constant 0 : index
    tpu.barrier barrier_id(%barrier3A)
    %iota3A = tpu.iota {dimensions = array<i32: 0>} : vector<16xi32>
    %lt3A = arith.constant 8 : i32
    %lt3A_12 = vector.broadcast %lt3A : i32 to vector<16xi32>
    %lt3A_13 = arith.cmpi slt, %iota3A, %lt3A_12 : vector<16xi32>
    %dma_start3A = arith.constant 0 : i32
    %dma_start3A_14 = arith.constant 0 : i32
    %dma_start3A_15 = tpu.memref_slice %arg9[%dma_start3A, %dma_start3A_14] : memref<80x128xi32, #tpu.memory_space<vmem>> -> memref<1x128xi32, #tpu.memory_space<vmem>>
    %dma_start3A_16 = tpu.memref_squeeze %dma_start3A_15 : memref<1x128xi32, #tpu.memory_space<vmem>> -> memref<128xi32, #tpu.memory_space<vmem>>
    %dma_start3A_17 = arith.constant 0 : i32
    %dma_start3A_18 = arith.constant 0 : i32
    %dma_start3A_19 = tpu.memref_slice %arg2[%dma_start3A_17, %dma_start3A_18] : memref<10240x80xf32, #tpu.memory_space<hbm>> -> memref<10240x80xf32, #tpu.memory_space<hbm>>
    tpu.enqueue_indirect_dma source(%dma_start3A_19 : memref<10240x80xf32, #tpu.memory_space<hbm>>) target(%arg11 : memref<128x80xf32, #tpu.memory_space<vmem>>) offsets(%dma_start3A_16 : memref<128xi32, #tpu.memory_space<vmem>>) semaphore(%arg16 : memref<!tpu.dma_semaphore, #tpu.memory_space<semaphore_mem>>)
    %dma_start3A_20 = arith.constant 0 : i32
    %dma_start3A_21 = arith.constant 0 : i32
    %dma_start3A_22 = tpu.memref_slice %arg10[%dma_start3A_20, %dma_start3A_21] : memref<80x128xi32, #tpu.memory_space<vmem>> -> memref<1x128xi32, #tpu.memory_space<vmem>>
    %dma_start3A_23 = tpu.memref_squeeze %dma_start3A_22 : memref<1x128xi32, #tpu.memory_space<vmem>> -> memref<128xi32, #tpu.memory_space<vmem>>
    %dma_start3A_24 = arith.constant 0 : i32
    %dma_start3A_25 = arith.constant 0 : i32
    %dma_start3A_26 = tpu.memref_slice %arg3[%dma_start3A_24, %dma_start3A_25] : memref<10240x16xf32, #tpu.memory_space<hbm>> -> memref<10240x16xf32, #tpu.memory_space<hbm>>
    tpu.enqueue_indirect_dma source(%dma_start3A_26 : memref<10240x16xf32, #tpu.memory_space<hbm>>) target(%arg13 : memref<128x16xf32, #tpu.memory_space<vmem>>) offsets(%dma_start3A_23 : memref<128xi32, #tpu.memory_space<vmem>>) semaphore(%arg17 : memref<!tpu.dma_semaphore, #tpu.memory_space<semaphore_mem>>)
    %scan3A_27 = arith.constant 0 : i32
    %scan3A_28 = arith.constant 0 : i32
    %scan3A_29 = arith.constant 40 : i32
    %scan3A_30 = arith.addi %scan3A_28, %scan3A_29 : i32
    %scan3A_31 = arith.constant 1 : i32
    scf.for %scan3A_43 = %scan3A_28 to %scan3A_30 step %scan3A_31  : i32 {
      %mul3A_44 = arith.constant 2 : i32
      %mul3A_45 = arith.muli %mul3A_44, %scan3A_43 : i32
      %add3A_46 = arith.constant 0 : i32
      %add3A_47 = arith.addi %mul3A_45, %add3A_46 : i32
      %add3A_48 = arith.constant 1 : i32
      %add3A_49 = arith.addi %add3A_47, %add3A_48 : i32
      %lt3A_50 = arith.constant 80 : i32
      %lt3A_51 = arith.cmpi slt, %add3A_49, %lt3A_50 : i32
      %convert_element_type3A_52 = arith.extui %lt3A_51 : i1 to i32
      %cond3A_53 = arith.constant 0 : i32
      %cond3A_54 = arith.cmpi ne, %convert_element_type3A_52, %cond3A_53 : i32
      scf.if %cond3A_54 {
        %add3A_94 = arith.constant 1 : i32
        %add3A_95 = arith.addi %add3A_47, %add3A_94 : i32
        %dma_start3A_96 = arith.constant 0 : i32
        %dma_start3A_97 = tpu.memref_slice %arg9[%add3A_95, %dma_start3A_96] : memref<80x128xi32, #tpu.memory_space<vmem>> -> memref<1x128xi32, #tpu.memory_space<vmem>>
        %dma_start3A_98 = tpu.memref_squeeze %dma_start3A_97 : memref<1x128xi32, #tpu.memory_space<vmem>> -> memref<128xi32, #tpu.memory_space<vmem>>
        %dma_start3A_99 = arith.constant 0 : i32
        %dma_start3A_100 = arith.constant 0 : i32
        %dma_start3A_101 = tpu.memref_slice %arg2[%dma_start3A_99, %dma_start3A_100] : memref<10240x80xf32, #tpu.memory_space<hbm>> -> memref<10240x80xf32, #tpu.memory_space<hbm>>
        tpu.enqueue_indirect_dma source(%dma_start3A_101 : memref<10240x80xf32, #tpu.memory_space<hbm>>) target(%arg12 : memref<128x80xf32, #tpu.memory_space<vmem>>) offsets(%dma_start3A_98 : memref<128xi32, #tpu.memory_space<vmem>>) semaphore(%arg18 : memref<!tpu.dma_semaphore, #tpu.memory_space<semaphore_mem>>)
        %dma_start3A_102 = arith.constant 0 : i32
        %dma_start3A_103 = tpu.memref_slice %arg10[%add3A_95, %dma_start3A_102] : memref<80x128xi32, #tpu.memory_space<vmem>> -> memref<1x128xi32, #tpu.memory_space<vmem>>
        %dma_start3A_104 = tpu.memref_squeeze %dma_start3A_103 : memref<1x128xi32, #tpu.memory_space<vmem>> -> memref<128xi32, #tpu.memory_space<vmem>>
        %dma_start3A_105 = arith.constant 0 : i32
        %dma_start3A_106 = arith.constant 0 : i32
        %dma_start3A_107 = tpu.memref_slice %arg3[%dma_start3A_105, %dma_start3A_106] : memref<10240x16xf32, #tpu.memory_space<hbm>> -> memref<10240x16xf32, #tpu.memory_space<hbm>>
        tpu.enqueue_indirect_dma source(%dma_start3A_107 : memref<10240x16xf32, #tpu.memory_space<hbm>>) target(%arg14 : memref<128x16xf32, #tpu.memory_space<vmem>>) offsets(%dma_start3A_104 : memref<128xi32, #tpu.memory_space<vmem>>) semaphore(%arg19 : memref<!tpu.dma_semaphore, #tpu.memory_space<semaphore_mem>>)
      } else {
      }
      %dma_wait3A = arith.constant 0 : i32
      %dma_wait3A_55 = tpu.memref_slice %arg9[%add3A_47, %dma_wait3A] : memref<80x128xi32, #tpu.memory_space<vmem>> -> memref<1x128xi32, #tpu.memory_space<vmem>>
      %dma_wait3A_56 = tpu.memref_squeeze %dma_wait3A_55 : memref<1x128xi32, #tpu.memory_space<vmem>> -> memref<128xi32, #tpu.memory_space<vmem>>
      %dma_wait3A_57 = arith.constant 0 : i32
      %dma_wait3A_58 = arith.constant 0 : i32
      %dma_wait3A_59 = tpu.memref_slice %arg2[%dma_wait3A_57, %dma_wait3A_58] : memref<10240x80xf32, #tpu.memory_space<hbm>> -> memref<10240x80xf32, #tpu.memory_space<hbm>>
      tpu.wait_indirect_dma semaphore(%arg16 : memref<!tpu.dma_semaphore, #tpu.memory_space<semaphore_mem>>) src(%dma_wait3A_59 : memref<10240x80xf32, #tpu.memory_space<hbm>>) dst(%arg11 : memref<128x80xf32, #tpu.memory_space<vmem>>)
      %dma_wait3A_60 = arith.constant 0 : i32
      %dma_wait3A_61 = tpu.memref_slice %arg10[%add3A_47, %dma_wait3A_60] : memref<80x128xi32, #tpu.memory_space<vmem>> -> memref<1x128xi32, #tpu.memory_space<vmem>>
      %dma_wait3A_62 = tpu.memref_squeeze %dma_wait3A_61 : memref<1x128xi32, #tpu.memory_space<vmem>> -> memref<128xi32, #tpu.memory_space<vmem>>
      %dma_wait3A_63 = arith.constant 0 : i32
      %dma_wait3A_64 = arith.constant 0 : i32
      %dma_wait3A_65 = tpu.memref_slice %arg3[%dma_wait3A_63, %dma_wait3A_64] : memref<10240x16xf32, #tpu.memory_space<hbm>> -> memref<10240x16xf32, #tpu.memory_space<hbm>>
      tpu.wait_indirect_dma semaphore(%arg17 : memref<!tpu.dma_semaphore, #tpu.memory_space<semaphore_mem>>) src(%dma_wait3A_65 : memref<10240x16xf32, #tpu.memory_space<hbm>>) dst(%arg13 : memref<128x16xf32, #tpu.memory_space<vmem>>)
      %parallel_loop3A = arith.constant 0 : i32
      %parallel_loop3A_66 = arith.constant 128 : i32
      %parallel_loop3A_67 = arith.constant 1 : i32
      scf.for %parallel_loop3A_94 = %parallel_loop3A to %parallel_loop3A_66 step %parallel_loop3A_67  : i32 {
        %parallel_loop3A_95 = arith.index_cast %parallel_loop3A_94 : i32 to index
        %parallel_loop3A_96 = arith.constant 64 : index
        %parallel_loop3A_97 = tpu.vector_load %arg11[%parallel_loop3A_95, %parallel_loop3A_96] {strides = array<i32>} : memref<128x80xf32, #tpu.memory_space<vmem>>, vector<16xf32>,
        %parallel_loop3A_98 = arith.index_cast %parallel_loop3A_94 : i32 to index
        %parallel_loop3A_99 = arith.constant 0 : index
        %parallel_loop3A_100 = tpu.vector_load %arg13[%parallel_loop3A_98, %parallel_loop3A_99] {strides = array<i32>} : memref<128x16xf32, #tpu.memory_space<vmem>>, vector<16xf32>,
        %parallel_loop3A_101 = arith.addf %parallel_loop3A_97, %parallel_loop3A_100 : vector<16xf32>
        %parallel_loop3A_102 = arith.constant 0.000000e+00 : f32
        %parallel_loop3A_103 = vector.broadcast %parallel_loop3A_102 : f32 to vector<16xf32>
        %parallel_loop3A_104 = arith.cmpf olt, %parallel_loop3A_101, %parallel_loop3A_103 : vector<16xf32>
        %parallel_loop3A_105 = arith.constant 2.000000e-01 : f32
        %parallel_loop3A_106 = vector.broadcast %parallel_loop3A_105 : f32 to vector<16xf32>
        %parallel_loop3A_107 = arith.mulf %parallel_loop3A_101, %parallel_loop3A_106 : vector<16xf32>
        %parallel_loop3A_108 = arith.select %parallel_loop3A_104, %parallel_loop3A_107, %parallel_loop3A_101 : vector<16xi1>, vector<16xf32>
        %parallel_loop3A_109 = math.exp %parallel_loop3A_108 : vector<16xf32>
        %parallel_loop3A_110 = arith.index_cast %parallel_loop3A_94 : i32 to index
        %parallel_loop3A_111 = arith.constant 64 : index
        %parallel_loop3A_112 = tpu.vector_load %arg11[%parallel_loop3A_110, %parallel_loop3A_111] {strides = array<i32>} : memref<128x80xf32, #tpu.memory_space<vmem>>, vector<16xf32>,
        tpu.vector_store %arg11[%parallel_loop3A_110, %parallel_loop3A_111], %parallel_loop3A_109 {strides = array<i32>} : memref<128x80xf32, #tpu.memory_space<vmem>>, vector<16xf32>,
        %parallel_loop3A_113 = arith.index_cast %parallel_loop3A_94 : i32 to index
        %parallel_loop3A_114 = arith.constant 0 : index
        %parallel_loop3A_115 = tpu.vector_load %arg11[%parallel_loop3A_113, %parallel_loop3A_114] {strides = array<i32>} : memref<128x80xf32, #tpu.memory_space<vmem>>, vector<16xf32>,
        %parallel_loop3A_116 = vector.extract_strided_slice %parallel_loop3A_109 {offsets = [0], sizes = [1], strides = [1]} : vector<16xf32> to vector<1xf32>
        %parallel_loop3A_117 = vector.extract %parallel_loop3A_116[0] : f32 from vector<1xf32>
        %parallel_loop3A_118 = vector.extract_strided_slice %parallel_loop3A_109 {offsets = [1], sizes = [1], strides = [1]} : vector<16xf32> to vector<1xf32>
        %parallel_loop3A_119 = vector.extract %parallel_loop3A_118[0] : f32 from vector<1xf32>
        %parallel_loop3A_120 = vector.broadcast %parallel_loop3A_117 : f32 to vector<16xf32>
        %parallel_loop3A_121 = vector.broadcast %parallel_loop3A_119 : f32 to vector<16xf32>
        %parallel_loop3A_122 = arith.select %lt3A_13, %parallel_loop3A_120, %parallel_loop3A_121 : vector<16xi1>, vector<16xf32>
        %parallel_loop3A_123 = arith.mulf %parallel_loop3A_115, %parallel_loop3A_122 : vector<16xf32>
        %parallel_loop3A_124 = arith.index_cast %parallel_loop3A_94 : i32 to index
        %parallel_loop3A_125 = arith.constant 0 : index
        %parallel_loop3A_126 = tpu.vector_load %arg11[%parallel_loop3A_124, %parallel_loop3A_125] {strides = array<i32>} : memref<128x80xf32, #tpu.memory_space<vmem>>, vector<16xf32>,
        tpu.vector_store %arg11[%parallel_loop3A_124, %parallel_loop3A_125], %parallel_loop3A_123 {strides = array<i32>} : memref<128x80xf32, #tpu.memory_space<vmem>>, vector<16xf32>,
        %parallel_loop3A_127 = arith.index_cast %parallel_loop3A_94 : i32 to index
        %parallel_loop3A_128 = arith.constant 16 : index
        %parallel_loop3A_129 = tpu.vector_load %arg11[%parallel_loop3A_127, %parallel_loop3A_128] {strides = array<i32>} : memref<128x80xf32, #tpu.memory_space<vmem>>, vector<16xf32>,
        %parallel_loop3A_130 = vector.extract_strided_slice %parallel_loop3A_109 {offsets = [2], sizes = [1], strides = [1]} : vector<16xf32> to vector<1xf32>
        %parallel_loop3A_131 = vector.extract %parallel_loop3A_130[0] : f32 from vector<1xf32>
        %parallel_loop3A_132 = vector.extract_strided_slice %parallel_loop3A_109 {offsets = [3], sizes = [1], strides = [1]} : vector<16xf32> to vector<1xf32>
        %parallel_loop3A_133 = vector.extract %parallel_loop3A_132[0] : f32 from vector<1xf32>
        %parallel_loop3A_134 = vector.broadcast %parallel_loop3A_131 : f32 to vector<16xf32>
        %parallel_loop3A_135 = vector.broadcast %parallel_loop3A_133 : f32 to vector<16xf32>
        %parallel_loop3A_136 = arith.select %lt3A_13, %parallel_loop3A_134, %parallel_loop3A_135 : vector<16xi1>, vector<16xf32>
        %parallel_loop3A_137 = arith.mulf %parallel_loop3A_129, %parallel_loop3A_136 : vector<16xf32>
        %parallel_loop3A_138 = arith.index_cast %parallel_loop3A_94 : i32 to index
        %parallel_loop3A_139 = arith.constant 16 : index
        %parallel_loop3A_140 = tpu.vector_load %arg11[%parallel_loop3A_138, %parallel_loop3A_139] {strides = array<i32>} : memref<128x80xf32, #tpu.memory_space<vmem>>, vector<16xf32>,
        tpu.vector_store %arg11[%parallel_loop3A_138, %parallel_loop3A_139], %parallel_loop3A_137 {strides = array<i32>} : memref<128x80xf32, #tpu.memory_space<vmem>>, vector<16xf32>,
        %parallel_loop3A_141 = arith.index_cast %parallel_loop3A_94 : i32 to index
        %parallel_loop3A_142 = arith.constant 32 : index
        %parallel_loop3A_143 = tpu.vector_load %arg11[%parallel_loop3A_141, %parallel_loop3A_142] {strides = array<i32>} : memref<128x80xf32, #tpu.memory_space<vmem>>, vector<16xf32>,
        %parallel_loop3A_144 = vector.extract_strided_slice %parallel_loop3A_109 {offsets = [4], sizes = [1], strides = [1]} : vector<16xf32> to vector<1xf32>
        %parallel_loop3A_145 = vector.extract %parallel_loop3A_144[0] : f32 from vector<1xf32>
        %parallel_loop3A_146 = vector.extract_strided_slice %parallel_loop3A_109 {offsets = [5], sizes = [1], strides = [1]} : vector<16xf32> to vector<1xf32>
        %parallel_loop3A_147 = vector.extract %parallel_loop3A_146[0] : f32 from vector<1xf32>
        %parallel_loop3A_148 = vector.broadcast %parallel_loop3A_145 : f32 to vector<16xf32>
        %parallel_loop3A_149 = vector.broadcast %parallel_loop3A_147 : f32 to vector<16xf32>
        %parallel_loop3A_150 = arith.select %lt3A_13, %parallel_loop3A_148, %parallel_loop3A_149 : vector<16xi1>, vector<16xf32>
        %parallel_loop3A_151 = arith.mulf %parallel_loop3A_143, %parallel_loop3A_150 : vector<16xf32>
        %parallel_loop3A_152 = arith.index_cast %parallel_loop3A_94 : i32 to index
        %parallel_loop3A_153 = arith.constant 32 : index
        %parallel_loop3A_154 = tpu.vector_load %arg11[%parallel_loop3A_152, %parallel_loop3A_153] {strides = array<i32>} : memref<128x80xf32, #tpu.memory_space<vmem>>, vector<16xf32>,
        tpu.vector_store %arg11[%parallel_loop3A_152, %parallel_loop3A_153], %parallel_loop3A_151 {strides = array<i32>} : memref<128x80xf32, #tpu.memory_space<vmem>>, vector<16xf32>,
        %parallel_loop3A_155 = arith.index_cast %parallel_loop3A_94 : i32 to index
        %parallel_loop3A_156 = arith.constant 48 : index
        %parallel_loop3A_157 = tpu.vector_load %arg11[%parallel_loop3A_155, %parallel_loop3A_156] {strides = array<i32>} : memref<128x80xf32, #tpu.memory_space<vmem>>, vector<16xf32>,
        %parallel_loop3A_158 = vector.extract_strided_slice %parallel_loop3A_109 {offsets = [6], sizes = [1], strides = [1]} : vector<16xf32> to vector<1xf32>
        %parallel_loop3A_159 = vector.extract %parallel_loop3A_158[0] : f32 from vector<1xf32>
        %parallel_loop3A_160 = vector.extract_strided_slice %parallel_loop3A_109 {offsets = [7], sizes = [1], strides = [1]} : vector<16xf32> to vector<1xf32>
        %parallel_loop3A_161 = vector.extract %parallel_loop3A_160[0] : f32 from vector<1xf32>
        %parallel_loop3A_162 = vector.broadcast %parallel_loop3A_159 : f32 to vector<16xf32>
        %parallel_loop3A_163 = vector.broadcast %parallel_loop3A_161 : f32 to vector<16xf32>
        %parallel_loop3A_164 = arith.select %lt3A_13, %parallel_loop3A_162, %parallel_loop3A_163 : vector<16xi1>, vector<16xf32>
        %parallel_loop3A_165 = arith.mulf %parallel_loop3A_157, %parallel_loop3A_164 : vector<16xf32>
        %parallel_loop3A_166 = arith.index_cast %parallel_loop3A_94 : i32 to index
        %parallel_loop3A_167 = arith.constant 48 : index
        %parallel_loop3A_168 = tpu.vector_load %arg11[%parallel_loop3A_166, %parallel_loop3A_167] {strides = array<i32>} : memref<128x80xf32, #tpu.memory_space<vmem>>, vector<16xf32>,
        tpu.vector_store %arg11[%parallel_loop3A_166, %parallel_loop3A_167], %parallel_loop3A_165 {strides = array<i32>} : memref<128x80xf32, #tpu.memory_space<vmem>>, vector<16xf32>,
      } {sc.loop_unroll_factor = 8 : i64, sc.parallel_access}
      "tpu.region"() ({
        %run_scoped3A = tpu.sem_alloc : memref<!tpu.dma_semaphore, #tpu.memory_space<semaphore_mem>>
        %dma_start3A_94 = arith.constant 0 : i32
        %dma_start3A_95 = tpu.memref_slice %arg10[%add3A_47, %dma_start3A_94] : memref<80x128xi32, #tpu.memory_space<vmem>> -> memref<1x128xi32, #tpu.memory_space<vmem>>
        %dma_start3A_96 = tpu.memref_squeeze %dma_start3A_95 : memref<1x128xi32, #tpu.memory_space<vmem>> -> memref<128xi32, #tpu.memory_space<vmem>>
        %dma_start3A_97 = arith.constant 0 : i32
        %dma_start3A_98 = arith.constant 0 : i32
        %dma_start3A_99 = tpu.memref_slice %arg8[%dma_start3A_97, %dma_start3A_98] : memref<10240x80xf32, #tpu.memory_space<vmem_shared>> -> memref<10240x80xf32, #tpu.memory_space<vmem_shared>>
        tpu.enqueue_indirect_dma source(%arg11 : memref<128x80xf32, #tpu.memory_space<vmem>>) target(%dma_start3A_99 : memref<10240x80xf32, #tpu.memory_space<vmem_shared>>) offsets(%dma_start3A_96 : memref<128xi32, #tpu.memory_space<vmem>>) semaphore(%run_scoped3A : memref<!tpu.dma_semaphore, #tpu.memory_space<semaphore_mem>>) {add = true}
        %dma_wait3A_100 = arith.constant 0 : i32
        %dma_wait3A_101 = tpu.memref_slice %arg10[%add3A_47, %dma_wait3A_100] : memref<80x128xi32, #tpu.memory_space<vmem>> -> memref<1x128xi32, #tpu.memory_space<vmem>>
        %dma_wait3A_102 = tpu.memref_squeeze %dma_wait3A_101 : memref<1x128xi32, #tpu.memory_space<vmem>> -> memref<128xi32, #tpu.memory_space<vmem>>
        %dma_wait3A_103 = arith.constant 0 : i32
        %dma_wait3A_104 = arith.constant 0 : i32
        %dma_wait3A_105 = tpu.memref_slice %arg8[%dma_wait3A_103, %dma_wait3A_104] : memref<10240x80xf32, #tpu.memory_space<vmem_shared>> -> memref<10240x80xf32, #tpu.memory_space<vmem_shared>>
        tpu.wait_indirect_dma semaphore(%run_scoped3A : memref<!tpu.dma_semaphore, #tpu.memory_space<semaphore_mem>>) src(%arg11 : memref<128x80xf32, #tpu.memory_space<vmem>>) dst(%dma_wait3A_105 : memref<10240x80xf32, #tpu.memory_space<vmem_shared>>)
        tpu.yield
      }) : () -> ()
      %mul3A_68 = arith.constant 2 : i32
      %mul3A_69 = arith.muli %mul3A_68, %scan3A_43 : i32
      %add3A_70 = arith.constant 1 : i32
      %add3A_71 = arith.addi %mul3A_69, %add3A_70 : i32
      %add3A_72 = arith.constant 1 : i32
      %add3A_73 = arith.addi %add3A_71, %add3A_72 : i32
      %lt3A_74 = arith.constant 80 : i32
      %lt3A_75 = arith.cmpi slt, %add3A_73, %lt3A_74 : i32
      %convert_element_type3A_76 = arith.extui %lt3A_75 : i1 to i32
      %cond3A_77 = arith.constant 0 : i32
      %cond3A_78 = arith.cmpi ne, %convert_element_type3A_76, %cond3A_77 : i32
      scf.if %cond3A_78 {
        %add3A_94 = arith.constant 1 : i32
        %add3A_95 = arith.addi %add3A_71, %add3A_94 : i32
        %dma_start3A_96 = arith.constant 0 : i32
        %dma_start3A_97 = tpu.memref_slice %arg9[%add3A_95, %dma_start3A_96] : memref<80x128xi32, #tpu.memory_space<vmem>> -> memref<1x128xi32, #tpu.memory_space<vmem>>
        %dma_start3A_98 = tpu.memref_squeeze %dma_start3A_97 : memref<1x128xi32, #tpu.memory_space<vmem>> -> memref<128xi32, #tpu.memory_space<vmem>>
        %dma_start3A_99 = arith.constant 0 : i32
        %dma_start3A_100 = arith.constant 0 : i32
        %dma_start3A_101 = tpu.memref_slice %arg2[%dma_start3A_99, %dma_start3A_100] : memref<10240x80xf32, #tpu.memory_space<hbm>> -> memref<10240x80xf32, #tpu.memory_space<hbm>>
        tpu.enqueue_indirect_dma source(%dma_start3A_101 : memref<10240x80xf32, #tpu.memory_space<hbm>>) target(%arg11 : memref<128x80xf32, #tpu.memory_space<vmem>>) offsets(%dma_start3A_98 : memref<128xi32, #tpu.memory_space<vmem>>) semaphore(%arg16 : memref<!tpu.dma_semaphore, #tpu.memory_space<semaphore_mem>>)
        %dma_start3A_102 = arith.constant 0 : i32
        %dma_start3A_103 = tpu.memref_slice %arg10[%add3A_95, %dma_start3A_102] : memref<80x128xi32, #tpu.memory_space<vmem>> -> memref<1x128xi32, #tpu.memory_space<vmem>>
        %dma_start3A_104 = tpu.memref_squeeze %dma_start3A_103 : memref<1x128xi32, #tpu.memory_space<vmem>> -> memref<128xi32, #tpu.memory_space<vmem>>
        %dma_start3A_105 = arith.constant 0 : i32
        %dma_start3A_106 = arith.constant 0 : i32
        %dma_start3A_107 = tpu.memref_slice %arg3[%dma_start3A_105, %dma_start3A_106] : memref<10240x16xf32, #tpu.memory_space<hbm>> -> memref<10240x16xf32, #tpu.memory_space<hbm>>
        tpu.enqueue_indirect_dma source(%dma_start3A_107 : memref<10240x16xf32, #tpu.memory_space<hbm>>) target(%arg13 : memref<128x16xf32, #tpu.memory_space<vmem>>) offsets(%dma_start3A_104 : memref<128xi32, #tpu.memory_space<vmem>>) semaphore(%arg17 : memref<!tpu.dma_semaphore, #tpu.memory_space<semaphore_mem>>)
      } else {
      }
      %dma_wait3A_79 = arith.constant 0 : i32
      %dma_wait3A_80 = tpu.memref_slice %arg9[%add3A_71, %dma_wait3A_79] : memref<80x128xi32, #tpu.memory_space<vmem>> -> memref<1x128xi32, #tpu.memory_space<vmem>>
      %dma_wait3A_81 = tpu.memref_squeeze %dma_wait3A_80 : memref<1x128xi32, #tpu.memory_space<vmem>> -> memref<128xi32, #tpu.memory_space<vmem>>
      %dma_wait3A_82 = arith.constant 0 : i32
      %dma_wait3A_83 = arith.constant 0 : i32
      %dma_wait3A_84 = tpu.memref_slice %arg2[%dma_wait3A_82, %dma_wait3A_83] : memref<10240x80xf32, #tpu.memory_space<hbm>> -> memref<10240x80xf32, #tpu.memory_space<hbm>>
      tpu.wait_indirect_dma semaphore(%arg18 : memref<!tpu.dma_semaphore, #tpu.memory_space<semaphore_mem>>) src(%dma_wait3A_84 : memref<10240x80xf32, #tpu.memory_space<hbm>>) dst(%arg12 : memref<128x80xf32, #tpu.memory_space<vmem>>)
      %dma_wait3A_85 = arith.constant 0 : i32
      %dma_wait3A_86 = tpu.memref_slice %arg10[%add3A_71, %dma_wait3A_85] : memref<80x128xi32, #tpu.memory_space<vmem>> -> memref<1x128xi32, #tpu.memory_space<vmem>>
      %dma_wait3A_87 = tpu.memref_squeeze %dma_wait3A_86 : memref<1x128xi32, #tpu.memory_space<vmem>> -> memref<128xi32, #tpu.memory_space<vmem>>
      %dma_wait3A_88 = arith.constant 0 : i32
      %dma_wait3A_89 = arith.constant 0 : i32
      %dma_wait3A_90 = tpu.memref_slice %arg3[%dma_wait3A_88, %dma_wait3A_89] : memref<10240x16xf32, #tpu.memory_space<hbm>> -> memref<10240x16xf32, #tpu.memory_space<hbm>>
      tpu.wait_indirect_dma semaphore(%arg19 : memref<!tpu.dma_semaphore, #tpu.memory_space<semaphore_mem>>) src(%dma_wait3A_90 : memref<10240x16xf32, #tpu.memory_space<hbm>>) dst(%arg14 : memref<128x16xf32, #tpu.memory_space<vmem>>)
      %parallel_loop3A_91 = arith.constant 0 : i32
      %parallel_loop3A_92 = arith.constant 128 : i32
      %parallel_loop3A_93 = arith.constant 1 : i32
      scf.for %parallel_loop3A_94 = %parallel_loop3A_91 to %parallel_loop3A_92 step %parallel_loop3A_93  : i32 {
        %parallel_loop3A_95 = arith.index_cast %parallel_loop3A_94 : i32 to index
        %parallel_loop3A_96 = arith.constant 64 : index
        %parallel_loop3A_97 = tpu.vector_load %arg12[%parallel_loop3A_95, %parallel_loop3A_96] {strides = array<i32>} : memref<128x80xf32, #tpu.memory_space<vmem>>, vector<16xf32>,
        %parallel_loop3A_98 = arith.index_cast %parallel_loop3A_94 : i32 to index
        %parallel_loop3A_99 = arith.constant 0 : index
        %parallel_loop3A_100 = tpu.vector_load %arg14[%parallel_loop3A_98, %parallel_loop3A_99] {strides = array<i32>} : memref<128x16xf32, #tpu.memory_space<vmem>>, vector<16xf32>,
        %parallel_loop3A_101 = arith.addf %parallel_loop3A_97, %parallel_loop3A_100 : vector<16xf32>
        %parallel_loop3A_102 = arith.constant 0.000000e+00 : f32
        %parallel_loop3A_103 = vector.broadcast %parallel_loop3A_102 : f32 to vector<16xf32>
        %parallel_loop3A_104 = arith.cmpf olt, %parallel_loop3A_101, %parallel_loop3A_103 : vector<16xf32>
        %parallel_loop3A_105 = arith.constant 2.000000e-01 : f32
        %parallel_loop3A_106 = vector.broadcast %parallel_loop3A_105 : f32 to vector<16xf32>
        %parallel_loop3A_107 = arith.mulf %parallel_loop3A_101, %parallel_loop3A_106 : vector<16xf32>
        %parallel_loop3A_108 = arith.select %parallel_loop3A_104, %parallel_loop3A_107, %parallel_loop3A_101 : vector<16xi1>, vector<16xf32>
        %parallel_loop3A_109 = math.exp %parallel_loop3A_108 : vector<16xf32>
        %parallel_loop3A_110 = arith.index_cast %parallel_loop3A_94 : i32 to index
        %parallel_loop3A_111 = arith.constant 64 : index
        %parallel_loop3A_112 = tpu.vector_load %arg12[%parallel_loop3A_110, %parallel_loop3A_111] {strides = array<i32>} : memref<128x80xf32, #tpu.memory_space<vmem>>, vector<16xf32>,
        tpu.vector_store %arg12[%parallel_loop3A_110, %parallel_loop3A_111], %parallel_loop3A_109 {strides = array<i32>} : memref<128x80xf32, #tpu.memory_space<vmem>>, vector<16xf32>,
        %parallel_loop3A_113 = arith.index_cast %parallel_loop3A_94 : i32 to index
        %parallel_loop3A_114 = arith.constant 0 : index
        %parallel_loop3A_115 = tpu.vector_load %arg12[%parallel_loop3A_113, %parallel_loop3A_114] {strides = array<i32>} : memref<128x80xf32, #tpu.memory_space<vmem>>, vector<16xf32>,
        %parallel_loop3A_116 = vector.extract_strided_slice %parallel_loop3A_109 {offsets = [0], sizes = [1], strides = [1]} : vector<16xf32> to vector<1xf32>
        %parallel_loop3A_117 = vector.extract %parallel_loop3A_116[0] : f32 from vector<1xf32>
        %parallel_loop3A_118 = vector.extract_strided_slice %parallel_loop3A_109 {offsets = [1], sizes = [1], strides = [1]} : vector<16xf32> to vector<1xf32>
        %parallel_loop3A_119 = vector.extract %parallel_loop3A_118[0] : f32 from vector<1xf32>
        %parallel_loop3A_120 = vector.broadcast %parallel_loop3A_117 : f32 to vector<16xf32>
        %parallel_loop3A_121 = vector.broadcast %parallel_loop3A_119 : f32 to vector<16xf32>
        %parallel_loop3A_122 = arith.select %lt3A_13, %parallel_loop3A_120, %parallel_loop3A_121 : vector<16xi1>, vector<16xf32>
        %parallel_loop3A_123 = arith.mulf %parallel_loop3A_115, %parallel_loop3A_122 : vector<16xf32>
        %parallel_loop3A_124 = arith.index_cast %parallel_loop3A_94 : i32 to index
        %parallel_loop3A_125 = arith.constant 0 : index
        %parallel_loop3A_126 = tpu.vector_load %arg12[%parallel_loop3A_124, %parallel_loop3A_125] {strides = array<i32>} : memref<128x80xf32, #tpu.memory_space<vmem>>, vector<16xf32>,
        tpu.vector_store %arg12[%parallel_loop3A_124, %parallel_loop3A_125], %parallel_loop3A_123 {strides = array<i32>} : memref<128x80xf32, #tpu.memory_space<vmem>>, vector<16xf32>,
        %parallel_loop3A_127 = arith.index_cast %parallel_loop3A_94 : i32 to index
        %parallel_loop3A_128 = arith.constant 16 : index
        %parallel_loop3A_129 = tpu.vector_load %arg12[%parallel_loop3A_127, %parallel_loop3A_128] {strides = array<i32>} : memref<128x80xf32, #tpu.memory_space<vmem>>, vector<16xf32>,
        %parallel_loop3A_130 = vector.extract_strided_slice %parallel_loop3A_109 {offsets = [2], sizes = [1], strides = [1]} : vector<16xf32> to vector<1xf32>
        %parallel_loop3A_131 = vector.extract %parallel_loop3A_130[0] : f32 from vector<1xf32>
        %parallel_loop3A_132 = vector.extract_strided_slice %parallel_loop3A_109 {offsets = [3], sizes = [1], strides = [1]} : vector<16xf32> to vector<1xf32>
        %parallel_loop3A_133 = vector.extract %parallel_loop3A_132[0] : f32 from vector<1xf32>
        %parallel_loop3A_134 = vector.broadcast %parallel_loop3A_131 : f32 to vector<16xf32>
        %parallel_loop3A_135 = vector.broadcast %parallel_loop3A_133 : f32 to vector<16xf32>
        %parallel_loop3A_136 = arith.select %lt3A_13, %parallel_loop3A_134, %parallel_loop3A_135 : vector<16xi1>, vector<16xf32>
        %parallel_loop3A_137 = arith.mulf %parallel_loop3A_129, %parallel_loop3A_136 : vector<16xf32>
        %parallel_loop3A_138 = arith.index_cast %parallel_loop3A_94 : i32 to index
        %parallel_loop3A_139 = arith.constant 16 : index
        %parallel_loop3A_140 = tpu.vector_load %arg12[%parallel_loop3A_138, %parallel_loop3A_139] {strides = array<i32>} : memref<128x80xf32, #tpu.memory_space<vmem>>, vector<16xf32>,
        tpu.vector_store %arg12[%parallel_loop3A_138, %parallel_loop3A_139], %parallel_loop3A_137 {strides = array<i32>} : memref<128x80xf32, #tpu.memory_space<vmem>>, vector<16xf32>,
        %parallel_loop3A_141 = arith.index_cast %parallel_loop3A_94 : i32 to index
        %parallel_loop3A_142 = arith.constant 32 : index
        %parallel_loop3A_143 = tpu.vector_load %arg12[%parallel_loop3A_141, %parallel_loop3A_142] {strides = array<i32>} : memref<128x80xf32, #tpu.memory_space<vmem>>, vector<16xf32>,
        %parallel_loop3A_144 = vector.extract_strided_slice %parallel_loop3A_109 {offsets = [4], sizes = [1], strides = [1]} : vector<16xf32> to vector<1xf32>
        %parallel_loop3A_145 = vector.extract %parallel_loop3A_144[0] : f32 from vector<1xf32>
        %parallel_loop3A_146 = vector.extract_strided_slice %parallel_loop3A_109 {offsets = [5], sizes = [1], strides = [1]} : vector<16xf32> to vector<1xf32>
        %parallel_loop3A_147 = vector.extract %parallel_loop3A_146[0] : f32 from vector<1xf32>
        %parallel_loop3A_148 = vector.broadcast %parallel_loop3A_145 : f32 to vector<16xf32>
        %parallel_loop3A_149 = vector.broadcast %parallel_loop3A_147 : f32 to vector<16xf32>
        %parallel_loop3A_150 = arith.select %lt3A_13, %parallel_loop3A_148, %parallel_loop3A_149 : vector<16xi1>, vector<16xf32>
        %parallel_loop3A_151 = arith.mulf %parallel_loop3A_143, %parallel_loop3A_150 : vector<16xf32>
        %parallel_loop3A_152 = arith.index_cast %parallel_loop3A_94 : i32 to index
        %parallel_loop3A_153 = arith.constant 32 : index
        %parallel_loop3A_154 = tpu.vector_load %arg12[%parallel_loop3A_152, %parallel_loop3A_153] {strides = array<i32>} : memref<128x80xf32, #tpu.memory_space<vmem>>, vector<16xf32>,
        tpu.vector_store %arg12[%parallel_loop3A_152, %parallel_loop3A_153], %parallel_loop3A_151 {strides = array<i32>} : memref<128x80xf32, #tpu.memory_space<vmem>>, vector<16xf32>,
        %parallel_loop3A_155 = arith.index_cast %parallel_loop3A_94 : i32 to index
        %parallel_loop3A_156 = arith.constant 48 : index
        %parallel_loop3A_157 = tpu.vector_load %arg12[%parallel_loop3A_155, %parallel_loop3A_156] {strides = array<i32>} : memref<128x80xf32, #tpu.memory_space<vmem>>, vector<16xf32>,
        %parallel_loop3A_158 = vector.extract_strided_slice %parallel_loop3A_109 {offsets = [6], sizes = [1], strides = [1]} : vector<16xf32> to vector<1xf32>
        %parallel_loop3A_159 = vector.extract %parallel_loop3A_158[0] : f32 from vector<1xf32>
        %parallel_loop3A_160 = vector.extract_strided_slice %parallel_loop3A_109 {offsets = [7], sizes = [1], strides = [1]} : vector<16xf32> to vector<1xf32>
        %parallel_loop3A_161 = vector.extract %parallel_loop3A_160[0] : f32 from vector<1xf32>
        %parallel_loop3A_162 = vector.broadcast %parallel_loop3A_159 : f32 to vector<16xf32>
        %parallel_loop3A_163 = vector.broadcast %parallel_loop3A_161 : f32 to vector<16xf32>
        %parallel_loop3A_164 = arith.select %lt3A_13, %parallel_loop3A_162, %parallel_loop3A_163 : vector<16xi1>, vector<16xf32>
        %parallel_loop3A_165 = arith.mulf %parallel_loop3A_157, %parallel_loop3A_164 : vector<16xf32>
        %parallel_loop3A_166 = arith.index_cast %parallel_loop3A_94 : i32 to index
        %parallel_loop3A_167 = arith.constant 48 : index
        %parallel_loop3A_168 = tpu.vector_load %arg12[%parallel_loop3A_166, %parallel_loop3A_167] {strides = array<i32>} : memref<128x80xf32, #tpu.memory_space<vmem>>, vector<16xf32>,
        tpu.vector_store %arg12[%parallel_loop3A_166, %parallel_loop3A_167], %parallel_loop3A_165 {strides = array<i32>} : memref<128x80xf32, #tpu.memory_space<vmem>>, vector<16xf32>,
      } {sc.loop_unroll_factor = 8 : i64, sc.parallel_access}
      "tpu.region"() ({
        %run_scoped3A = tpu.sem_alloc : memref<!tpu.dma_semaphore, #tpu.memory_space<semaphore_mem>>
        %dma_start3A_94 = arith.constant 0 : i32
        %dma_start3A_95 = tpu.memref_slice %arg10[%add3A_71, %dma_start3A_94] : memref<80x128xi32, #tpu.memory_space<vmem>> -> memref<1x128xi32, #tpu.memory_space<vmem>>
        %dma_start3A_96 = tpu.memref_squeeze %dma_start3A_95 : memref<1x128xi32, #tpu.memory_space<vmem>> -> memref<128xi32, #tpu.memory_space<vmem>>
        %dma_start3A_97 = arith.constant 0 : i32
        %dma_start3A_98 = arith.constant 0 : i32
        %dma_start3A_99 = tpu.memref_slice %arg8[%dma_start3A_97, %dma_start3A_98] : memref<10240x80xf32, #tpu.memory_space<vmem_shared>> -> memref<10240x80xf32, #tpu.memory_space<vmem_shared>>
        tpu.enqueue_indirect_dma source(%arg12 : memref<128x80xf32, #tpu.memory_space<vmem>>) target(%dma_start3A_99 : memref<10240x80xf32, #tpu.memory_space<vmem_shared>>) offsets(%dma_start3A_96 : memref<128xi32, #tpu.memory_space<vmem>>) semaphore(%run_scoped3A : memref<!tpu.dma_semaphore, #tpu.memory_space<semaphore_mem>>) {add = true}
        %dma_wait3A_100 = arith.constant 0 : i32
        %dma_wait3A_101 = tpu.memref_slice %arg10[%add3A_71, %dma_wait3A_100] : memref<80x128xi32, #tpu.memory_space<vmem>> -> memref<1x128xi32, #tpu.memory_space<vmem>>
        %dma_wait3A_102 = tpu.memref_squeeze %dma_wait3A_101 : memref<1x128xi32, #tpu.memory_space<vmem>> -> memref<128xi32, #tpu.memory_space<vmem>>
        %dma_wait3A_103 = arith.constant 0 : i32
        %dma_wait3A_104 = arith.constant 0 : i32
        %dma_wait3A_105 = tpu.memref_slice %arg8[%dma_wait3A_103, %dma_wait3A_104] : memref<10240x80xf32, #tpu.memory_space<vmem_shared>> -> memref<10240x80xf32, #tpu.memory_space<vmem_shared>>
        tpu.wait_indirect_dma semaphore(%run_scoped3A : memref<!tpu.dma_semaphore, #tpu.memory_space<semaphore_mem>>) src(%arg12 : memref<128x80xf32, #tpu.memory_space<vmem>>) dst(%dma_wait3A_105 : memref<10240x80xf32, #tpu.memory_space<vmem_shared>>)
        tpu.yield
      }) : () -> ()
    }
    %scan3A_32 = arith.constant 40 : i32
    %barrier3A_33 = arith.constant 0 : index
    tpu.barrier barrier_id(%barrier3A_33)
    %mul3A_34 = arith.constant 640 : i32
    %mul3A_35 = arith.muli %arg1, %mul3A_34 : i32
    %eq3A = arith.constant 0 : i32
    %eq3A_36 = arith.cmpi eq, %arg0, %eq3A : i32
    %convert_element_type3A = arith.extui %eq3A_36 : i1 to i32
    %cond3A = arith.constant 0 : i32
    %cond3A_37 = arith.cmpi ne, %convert_element_type3A, %cond3A : i32
    scf.if %cond3A_37 {
      "tpu.region"() ({
        %run_scoped3A = tpu.sem_alloc : memref<!tpu.dma_semaphore, #tpu.memory_space<semaphore_mem>>
        %dma_start3A_43 = arith.constant 0 : i32
        %dma_start3A_44 = tpu.memref_slice %arg6[%mul3A_35, %dma_start3A_43] : memref<10240x80xf32, #tpu.memory_space<hbm>> -> memref<640x80xf32, #tpu.memory_space<hbm>>
        %dma_start3A_45 = arith.constant 0 : i32
        %dma_start3A_46 = tpu.memref_slice %arg8[%mul3A_35, %dma_start3A_45] : memref<10240x80xf32, #tpu.memory_space<vmem_shared>> -> memref<640x80xf32, #tpu.memory_space<vmem_shared>>
        tpu.enqueue_dma source(%dma_start3A_46 : memref<640x80xf32, #tpu.memory_space<vmem_shared>>) target(%dma_start3A_44 : memref<640x80xf32, #tpu.memory_space<hbm>>) target_semaphore(%run_scoped3A : memref<!tpu.dma_semaphore, #tpu.memory_space<semaphore_mem>>)
        %dma_wait3A = arith.constant 0 : i32
        %dma_wait3A_47 = tpu.memref_slice %arg6[%mul3A_35, %dma_wait3A] : memref<10240x80xf32, #tpu.memory_space<hbm>> -> memref<640x80xf32, #tpu.memory_space<hbm>>
        %dma_wait3A_48 = arith.constant 0 : i32
        %dma_wait3A_49 = tpu.memref_slice %arg8[%mul3A_35, %dma_wait3A_48] : memref<10240x80xf32, #tpu.memory_space<vmem_shared>> -> memref<640x80xf32, #tpu.memory_space<vmem_shared>>
        tpu.wait_dma2 semaphore(%run_scoped3A : memref<!tpu.dma_semaphore, #tpu.memory_space<semaphore_mem>>) src(%dma_wait3A_49 : memref<640x80xf32, #tpu.memory_space<vmem_shared>>) dst(%dma_wait3A_47 : memref<640x80xf32, #tpu.memory_space<hbm>>)
        tpu.yield
      }) : () -> ()
    } else {
    }
    %eq3A_38 = arith.constant 1 : i32
    %eq3A_39 = arith.cmpi eq, %arg0, %eq3A_38 : i32
    %convert_element_type3A_40 = arith.extui %eq3A_39 : i1 to i32
    %cond3A_41 = arith.constant 0 : i32
    %cond3A_42 = arith.cmpi ne, %convert_element_type3A_40, %cond3A_41 : i32
    scf.if %cond3A_42 {
      "tpu.region"() ({
        %run_scoped3A = tpu.sem_alloc : memref<!tpu.dma_semaphore, #tpu.memory_space<semaphore_mem>>
        %dma_start3A_43 = arith.constant 0 : i32
        %dma_start3A_44 = tpu.memref_slice %arg7[%mul3A_35, %dma_start3A_43] : memref<10240x80xf32, #tpu.memory_space<hbm>> -> memref<640x80xf32, #tpu.memory_space<hbm>>
        %dma_start3A_45 = arith.constant 0 : i32
        %dma_start3A_46 = tpu.memref_slice %arg8[%mul3A_35, %dma_start3A_45] : memref<10240x80xf32, #tpu.memory_space<vmem_shared>> -> memref<640x80xf32, #tpu.memory_space<vmem_shared>>
        tpu.enqueue_dma source(%dma_start3A_46 : memref<640x80xf32, #tpu.memory_space<vmem_shared>>) target(%dma_start3A_44 : memref<640x80xf32, #tpu.memory_space<hbm>>) target_semaphore(%run_scoped3A : memref<!tpu.dma_semaphore, #tpu.memory_space<semaphore_mem>>)
        %dma_wait3A = arith.constant 0 : i32
        %dma_wait3A_47 = tpu.memref_slice %arg7[%mul3A_35, %dma_wait3A] : memref<10240x80xf32, #tpu.memory_space<hbm>> -> memref<640x80xf32, #tpu.memory_space<hbm>>
        %dma_wait3A_48 = arith.constant 0 : i32
        %dma_wait3A_49 = tpu.memref_slice %arg8[%mul3A_35, %dma_wait3A_48] : memref<10240x80xf32, #tpu.memory_space<vmem_shared>> -> memref<640x80xf32, #tpu.memory_space<vmem_shared>>
        tpu.wait_dma2 semaphore(%run_scoped3A : memref<!tpu.dma_semaphore, #tpu.memory_space<semaphore_mem>>) src(%dma_wait3A_49 : memref<640x80xf32, #tpu.memory_space<vmem_shared>>) dst(%dma_wait3A_47 : memref<640x80xf32, #tpu.memory_space<hbm>>)
        tpu.yield
      }) : () -> ()
    } else {
    }
    return
  }
}

module attributes {stable_mosaic.version = 14 : i64} {
  func.func @_prep1_body(%arg0: i32, %arg1: memref<1024x128xf32, #tpu.memory_space<vmem>>, %arg2: memref<128x64xf32, #tpu.memory_space<vmem>>, %arg3: memref<128x64xf32, #tpu.memory_space<vmem>>, %arg4: memref<64x8xf32, #tpu.memory_space<vmem>>, %arg5: memref<64x8xf32, #tpu.memory_space<vmem>>, %arg6: memref<1024x80xf32, #tpu.memory_space<vmem>>, %arg7: memref<1024x16xf32, #tpu.memory_space<vmem>>, %arg8: memref<1024x64xf32, #tpu.memory_space<vmem>>) attributes {dimension_semantics = [#tpu.dimension_semantics<arbitrary>], iteration_bounds = array<i64: 10>, scalar_prefetch = 0 : i64, scratch_operands = 0 : i64, tpu.core_type = #tpu.core_type<tc>, window_params = [{transform_indices = @transform_0, window_bounds = array<i64: 1024, 128>}, {pipeline_mode = #tpu.pipeline_mode<synchronous>, transform_indices = @transform_1, window_bounds = array<i64: 128, 64>}, {pipeline_mode = #tpu.pipeline_mode<synchronous>, transform_indices = @transform_2, window_bounds = array<i64: 128, 64>}, {pipeline_mode = #tpu.pipeline_mode<synchronous>, transform_indices = @transform_3, window_bounds = array<i64: 64, 8>}, {pipeline_mode = #tpu.pipeline_mode<synchronous>, transform_indices = @transform_4, window_bounds = array<i64: 64, 8>}, {transform_indices = @transform_5, window_bounds = array<i64: 1024, 80>}, {transform_indices = @transform_6, window_bounds = array<i64: 1024, 16>}, {transform_indices = @transform_7, window_bounds = array<i64: 1024, 64>}]} {
    %get3A = arith.constant 0 : index
    %get3A_0 = arith.constant 0 : index
    %get3A_1 = vector.load %arg1[%get3A, %get3A_0] : memref<1024x128xf32, #tpu.memory_space<vmem>>, vector<1024x128xf32>
    %get3A_2 = arith.constant 0 : index
    %get3A_3 = arith.constant 0 : index
    %get3A_4 = vector.load %arg2[%get3A_2, %get3A_3] : memref<128x64xf32, #tpu.memory_space<vmem>>, vector<128x64xf32>
    %dot_general3A = arith.constant dense<0.000000e+00> : vector<1024x64xf32>
    %dot_general3A_5 = tpu.matmul %get3A_1, %get3A_4, %dot_general3A {dimension_numbers = #tpu.dot_dimension_numbers<[1], [0], [0], [1], [0, 0, 1, 1], [], []>, transpose_lhs_hint = false} : vector<1024x128xf32>, vector<128x64xf32>, vector<1024x64xf32> -> vector<1024x64xf32>
    %get3A_6 = arith.constant 0 : index
    %get3A_7 = arith.constant 0 : index
    %get3A_8 = vector.load %arg4[%get3A_6, %get3A_7] : memref<64x8xf32, #tpu.memory_space<vmem>>, vector<64x8xf32>
    %dot_general3A_9 = arith.constant dense<0.000000e+00> : vector<1024x8xf32>
    %dot_general3A_10 = tpu.matmul %dot_general3A_5, %get3A_8, %dot_general3A_9 {dimension_numbers = #tpu.dot_dimension_numbers<[1], [0], [0], [1], [0, 0, 1, 1], [], []>, precision = #tpu.contract_precision<fp32>, transpose_lhs_hint = false} : vector<1024x64xf32>, vector<64x8xf32>, vector<1024x8xf32> -> vector<1024x8xf32>
    %get3A_11 = arith.constant 0 : index
    %get3A_12 = arith.constant 0 : index
    %get3A_13 = vector.load %arg5[%get3A_11, %get3A_12] : memref<64x8xf32, #tpu.memory_space<vmem>>, vector<64x8xf32>
    %dot_general3A_14 = arith.constant dense<0.000000e+00> : vector<1024x8xf32>
    %dot_general3A_15 = tpu.matmul %dot_general3A_5, %get3A_13, %dot_general3A_14 {dimension_numbers = #tpu.dot_dimension_numbers<[1], [0], [0], [1], [0, 0, 1, 1], [], []>, precision = #tpu.contract_precision<fp32>, transpose_lhs_hint = false} : vector<1024x64xf32>, vector<64x8xf32>, vector<1024x8xf32> -> vector<1024x8xf32>
    %broadcast_in_dim3A = arith.constant 0.000000e+00 : f32
    %broadcast_in_dim3A_16 = vector.broadcast %broadcast_in_dim3A : f32 to vector<1024x8xf32>
    %concatenate3A = tpu.concatenate %dot_general3A_5, %dot_general3A_10, %broadcast_in_dim3A_16 in 1 : vector<1024x64xf32>, vector<1024x8xf32>, vector<1024x8xf32> -> vector<1024x80xf32>
    %swap3A = arith.constant 0 : index
    %swap3A_17 = arith.constant 0 : index
    %swap3A_18 = vector.load %arg6[%swap3A, %swap3A_17] : memref<1024x80xf32, #tpu.memory_space<vmem>>, vector<1024x80xf32>
    tpu.vector_store %arg6[%swap3A, %swap3A_17], %concatenate3A {strides = array<i32>} : memref<1024x80xf32, #tpu.memory_space<vmem>>, vector<1024x80xf32>,
    %concatenate3A_19 = tpu.concatenate %dot_general3A_15, %broadcast_in_dim3A_16 in 1 : vector<1024x8xf32>, vector<1024x8xf32> -> vector<1024x16xf32>
    %swap3A_20 = arith.constant 0 : index
    %swap3A_21 = arith.constant 0 : index
    %swap3A_22 = vector.load %arg7[%swap3A_20, %swap3A_21] : memref<1024x16xf32, #tpu.memory_space<vmem>>, vector<1024x16xf32>
    tpu.vector_store %arg7[%swap3A_20, %swap3A_21], %concatenate3A_19 {strides = array<i32>} : memref<1024x16xf32, #tpu.memory_space<vmem>>, vector<1024x16xf32>,
    %get3A_23 = arith.constant 0 : index
    %get3A_24 = arith.constant 0 : index
    %get3A_25 = vector.load %arg3[%get3A_23, %get3A_24] : memref<128x64xf32, #tpu.memory_space<vmem>>, vector<128x64xf32>
    %dot_general3A_26 = arith.constant dense<0.000000e+00> : vector<1024x64xf32>
    %dot_general3A_27 = tpu.matmul %get3A_1, %get3A_25, %dot_general3A_26 {dimension_numbers = #tpu.dot_dimension_numbers<[1], [0], [0], [1], [0, 0, 1, 1], [], []>, transpose_lhs_hint = false} : vector<1024x128xf32>, vector<128x64xf32>, vector<1024x64xf32> -> vector<1024x64xf32>
    %swap3A_28 = arith.constant 0 : index
    %swap3A_29 = arith.constant 0 : index
    %swap3A_30 = vector.load %arg8[%swap3A_28, %swap3A_29] : memref<1024x64xf32, #tpu.memory_space<vmem>>, vector<1024x64xf32>
    tpu.vector_store %arg8[%swap3A_28, %swap3A_29], %dot_general3A_27 {strides = array<i32>} : memref<1024x64xf32, #tpu.memory_space<vmem>>, vector<1024x64xf32>,
    return
  }
  func.func @transform_0(%arg0: i32) -> (i32, i32) {
    %c0_i32 = arith.constant 0 : i32
    %c0_i32_0 = arith.constant 0 : i32
    return %arg0, %c0_i32 : i32, i32
  }
  func.func @transform_1(%arg0: i32) -> (i32, i32) {
    %c0_i32 = arith.constant 0 : i32
    %c0_i32_0 = arith.constant 0 : i32
    %c0_i32_1 = arith.constant 0 : i32
    return %c0_i32, %c0_i32_0 : i32, i32
  }
  func.func @transform_2(%arg0: i32) -> (i32, i32) {
    %c0_i32 = arith.constant 0 : i32
    %c0_i32_0 = arith.constant 0 : i32
    %c0_i32_1 = arith.constant 0 : i32
    return %c0_i32, %c0_i32_0 : i32, i32
  }
  func.func @transform_3(%arg0: i32) -> (i32, i32) {
    %c0_i32 = arith.constant 0 : i32
    %c0_i32_0 = arith.constant 0 : i32
    %c0_i32_1 = arith.constant 0 : i32
    return %c0_i32, %c0_i32_0 : i32, i32
  }
  func.func @transform_4(%arg0: i32) -> (i32, i32) {
    %c0_i32 = arith.constant 0 : i32
    %c0_i32_0 = arith.constant 0 : i32
    %c0_i32_1 = arith.constant 0 : i32
    return %c0_i32, %c0_i32_0 : i32, i32
  }
  func.func @transform_5(%arg0: i32) -> (i32, i32) {
    %c0_i32 = arith.constant 0 : i32
    %c0_i32_0 = arith.constant 0 : i32
    return %arg0, %c0_i32 : i32, i32
  }
  func.func @transform_6(%arg0: i32) -> (i32, i32) {
    %c0_i32 = arith.constant 0 : i32
    %c0_i32_0 = arith.constant 0 : i32
    return %arg0, %c0_i32 : i32, i32
  }
  func.func @transform_7(%arg0: i32) -> (i32, i32) {
    %c0_i32 = arith.constant 0 : i32
    %c0_i32_0 = arith.constant 0 : i32
    return %arg0, %c0_i32 : i32, i32
  }
}

module attributes {stable_mosaic.version = 14 : i64} {
  func.func @_mid_body(%arg0: i32, %arg1: memref<1024x80xf32, #tpu.memory_space<vmem>>, %arg2: memref<1024x80xf32, #tpu.memory_space<vmem>>, %arg3: memref<1024x64xf32, #tpu.memory_space<vmem>>, %arg4: memref<1x64xf32, #tpu.memory_space<vmem>>, %arg5: memref<64x64xf32, #tpu.memory_space<vmem>>, %arg6: memref<64x8xf32, #tpu.memory_space<vmem>>, %arg7: memref<64x8xf32, #tpu.memory_space<vmem>>, %arg8: memref<8x64xf32, #tpu.memory_space<vmem>>, %arg9: memref<1024x80xf32, #tpu.memory_space<vmem>>, %arg10: memref<1024x16xf32, #tpu.memory_space<vmem>>, %arg11: memref<1024x64xf32, #tpu.memory_space<vmem>>) attributes {dimension_semantics = [#tpu.dimension_semantics<arbitrary>], iteration_bounds = array<i64: 10>, scalar_prefetch = 0 : i64, scratch_operands = 0 : i64, tpu.core_type = #tpu.core_type<tc>, window_params = [{transform_indices = @transform_0, window_bounds = array<i64: 1024, 80>}, {transform_indices = @transform_1, window_bounds = array<i64: 1024, 80>}, {transform_indices = @transform_2, window_bounds = array<i64: 1024, 64>}, {pipeline_mode = #tpu.pipeline_mode<synchronous>, transform_indices = @transform_3, window_bounds = array<i64: 1, 64>}, {pipeline_mode = #tpu.pipeline_mode<synchronous>, transform_indices = @transform_4, window_bounds = array<i64: 64, 64>}, {pipeline_mode = #tpu.pipeline_mode<synchronous>, transform_indices = @transform_5, window_bounds = array<i64: 64, 8>}, {pipeline_mode = #tpu.pipeline_mode<synchronous>, transform_indices = @transform_6, window_bounds = array<i64: 64, 8>}, {pipeline_mode = #tpu.pipeline_mode<synchronous>, transform_indices = @transform_7, window_bounds = array<i64: 8, 64>}, {transform_indices = @transform_8, window_bounds = array<i64: 1024, 80>}, {transform_indices = @transform_9, window_bounds = array<i64: 1024, 16>}, {transform_indices = @transform_10, window_bounds = array<i64: 1024, 64>}]} {
    %get3A = arith.constant 0 : index
    %get3A_0 = arith.constant 0 : index
    %get3A_1 = vector.load %arg1[%get3A, %get3A_0] : memref<1024x80xf32, #tpu.memory_space<vmem>>, vector<1024x80xf32>
    %get3A_2 = arith.constant 0 : index
    %get3A_3 = arith.constant 0 : index
    %get3A_4 = vector.load %arg2[%get3A_2, %get3A_3] : memref<1024x80xf32, #tpu.memory_space<vmem>>, vector<1024x80xf32>
    %add3A = arith.addf %get3A_1, %get3A_4 : vector<1024x80xf32>
    %slice3A = vector.extract_strided_slice %add3A {offsets = [0, 64], sizes = [1024, 8], strides = [1, 1]} : vector<1024x80xf32> to vector<1024x8xf32>
    %get3A_5 = arith.constant 0 : index
    %get3A_6 = arith.constant 0 : index
    %get3A_7 = vector.load %arg8[%get3A_5, %get3A_6] : memref<8x64xf32, #tpu.memory_space<vmem>>, vector<8x64xf32>
    %dot_general3A = arith.constant dense<0.000000e+00> : vector<1024x64xf32>
    %dot_general3A_8 = tpu.matmul %slice3A, %get3A_7, %dot_general3A {dimension_numbers = #tpu.dot_dimension_numbers<[1], [0], [0], [1], [0, 0, 1, 1], [], []>, precision = #tpu.contract_precision<fp32>, transpose_lhs_hint = false} : vector<1024x8xf32>, vector<8x64xf32>, vector<1024x64xf32> -> vector<1024x64xf32>
    %slice3A_9 = vector.extract_strided_slice %add3A {offsets = [0, 0], sizes = [1024, 64], strides = [1, 1]} : vector<1024x80xf32> to vector<1024x64xf32>
    %add3A_10 = arith.constant 9.99999971E-10 : f32
    %add3A_11 = vector.broadcast %add3A_10 : f32 to vector<1024x64xf32>
    %add3A_12 = arith.addf %dot_general3A_8, %add3A_11 : vector<1024x64xf32>
    %div3A = arith.divf %slice3A_9, %add3A_12 : vector<1024x64xf32>
    %get3A_13 = arith.constant 0 : index
    %get3A_14 = arith.constant 0 : index
    %get3A_15 = vector.load %arg3[%get3A_13, %get3A_14] : memref<1024x64xf32, #tpu.memory_space<vmem>>, vector<1024x64xf32>
    %add3A_16 = arith.addf %div3A, %get3A_15 : vector<1024x64xf32>
    %get3A_17 = arith.constant 0 : index
    %get3A_18 = arith.constant 0 : index
    %get3A_19 = vector.load %arg4[%get3A_17, %get3A_18] : memref<1x64xf32, #tpu.memory_space<vmem>>, vector<1x64xf32>
    %add3A_20 = vector.broadcast %get3A_19 : vector<1x64xf32> to vector<1024x64xf32>
    %add3A_21 = arith.addf %add3A_16, %add3A_20 : vector<1024x64xf32>
    %gt3A = arith.constant 0.000000e+00 : f32
    %gt3A_22 = vector.broadcast %gt3A : f32 to vector<1024x64xf32>
    %gt3A_23 = arith.cmpf ogt, %add3A_21, %gt3A_22 : vector<1024x64xf32>
    %exp3A = math.exp %add3A_21 : vector<1024x64xf32>
    %sub3A = arith.constant 1.000000e+00 : f32
    %sub3A_24 = vector.broadcast %sub3A : f32 to vector<1024x64xf32>
    %sub3A_25 = arith.subf %exp3A, %sub3A_24 : vector<1024x64xf32>
    %select_n3A = arith.select %gt3A_23, %add3A_21, %sub3A_25 : vector<1024x64xi1>, vector<1024x64xf32>
    %get3A_26 = arith.constant 0 : index
    %get3A_27 = arith.constant 0 : index
    %get3A_28 = vector.load %arg5[%get3A_26, %get3A_27] : memref<64x64xf32, #tpu.memory_space<vmem>>, vector<64x64xf32>
    %dot_general3A_29 = arith.constant dense<0.000000e+00> : vector<1024x64xf32>
    %dot_general3A_30 = tpu.matmul %select_n3A, %get3A_28, %dot_general3A_29 {dimension_numbers = #tpu.dot_dimension_numbers<[1], [0], [0], [1], [0, 0, 1, 1], [], []>, transpose_lhs_hint = false} : vector<1024x64xf32>, vector<64x64xf32>, vector<1024x64xf32> -> vector<1024x64xf32>
    %get3A_31 = arith.constant 0 : index
    %get3A_32 = arith.constant 0 : index
    %get3A_33 = vector.load %arg6[%get3A_31, %get3A_32] : memref<64x8xf32, #tpu.memory_space<vmem>>, vector<64x8xf32>
    %dot_general3A_34 = arith.constant dense<0.000000e+00> : vector<1024x8xf32>
    %dot_general3A_35 = tpu.matmul %dot_general3A_30, %get3A_33, %dot_general3A_34 {dimension_numbers = #tpu.dot_dimension_numbers<[1], [0], [0], [1], [0, 0, 1, 1], [], []>, precision = #tpu.contract_precision<fp32>, transpose_lhs_hint = false} : vector<1024x64xf32>, vector<64x8xf32>, vector<1024x8xf32> -> vector<1024x8xf32>
    %get3A_36 = arith.constant 0 : index
    %get3A_37 = arith.constant 0 : index
    %get3A_38 = vector.load %arg7[%get3A_36, %get3A_37] : memref<64x8xf32, #tpu.memory_space<vmem>>, vector<64x8xf32>
    %dot_general3A_39 = arith.constant dense<0.000000e+00> : vector<1024x8xf32>
    %dot_general3A_40 = tpu.matmul %dot_general3A_30, %get3A_38, %dot_general3A_39 {dimension_numbers = #tpu.dot_dimension_numbers<[1], [0], [0], [1], [0, 0, 1, 1], [], []>, precision = #tpu.contract_precision<fp32>, transpose_lhs_hint = false} : vector<1024x64xf32>, vector<64x8xf32>, vector<1024x8xf32> -> vector<1024x8xf32>
    %broadcast_in_dim3A = arith.constant 0.000000e+00 : f32
    %broadcast_in_dim3A_41 = vector.broadcast %broadcast_in_dim3A : f32 to vector<1024x8xf32>
    %concatenate3A = tpu.concatenate %dot_general3A_30, %dot_general3A_35, %broadcast_in_dim3A_41 in 1 : vector<1024x64xf32>, vector<1024x8xf32>, vector<1024x8xf32> -> vector<1024x80xf32>
    %swap3A = arith.constant 0 : index
    %swap3A_42 = arith.constant 0 : index
    %swap3A_43 = vector.load %arg9[%swap3A, %swap3A_42] : memref<1024x80xf32, #tpu.memory_space<vmem>>, vector<1024x80xf32>
    tpu.vector_store %arg9[%swap3A, %swap3A_42], %concatenate3A {strides = array<i32>} : memref<1024x80xf32, #tpu.memory_space<vmem>>, vector<1024x80xf32>,
    %concatenate3A_44 = tpu.concatenate %dot_general3A_40, %broadcast_in_dim3A_41 in 1 : vector<1024x8xf32>, vector<1024x8xf32> -> vector<1024x16xf32>
    %swap3A_45 = arith.constant 0 : index
    %swap3A_46 = arith.constant 0 : index
    %swap3A_47 = vector.load %arg10[%swap3A_45, %swap3A_46] : memref<1024x16xf32, #tpu.memory_space<vmem>>, vector<1024x16xf32>
    tpu.vector_store %arg10[%swap3A_45, %swap3A_46], %concatenate3A_44 {strides = array<i32>} : memref<1024x16xf32, #tpu.memory_space<vmem>>, vector<1024x16xf32>,
    %swap3A_48 = arith.constant 0 : index
    %swap3A_49 = arith.constant 0 : index
    %swap3A_50 = vector.load %arg11[%swap3A_48, %swap3A_49] : memref<1024x64xf32, #tpu.memory_space<vmem>>, vector<1024x64xf32>
    tpu.vector_store %arg11[%swap3A_48, %swap3A_49], %select_n3A {strides = array<i32>} : memref<1024x64xf32, #tpu.memory_space<vmem>>, vector<1024x64xf32>,
    return
  }
  func.func @transform_0(%arg0: i32) -> (i32, i32) {
    %c0_i32 = arith.constant 0 : i32
    %c0_i32_0 = arith.constant 0 : i32
    return %arg0, %c0_i32 : i32, i32
  }
  func.func @transform_1(%arg0: i32) -> (i32, i32) {
    %c0_i32 = arith.constant 0 : i32
    %c0_i32_0 = arith.constant 0 : i32
    return %arg0, %c0_i32 : i32, i32
  }
  func.func @transform_2(%arg0: i32) -> (i32, i32) {
    %c0_i32 = arith.constant 0 : i32
    %c0_i32_0 = arith.constant 0 : i32
    return %arg0, %c0_i32 : i32, i32
  }
  func.func @transform_3(%arg0: i32) -> (i32, i32) {
    %c0_i32 = arith.constant 0 : i32
    %c0_i32_0 = arith.constant 0 : i32
    %c0_i32_1 = arith.constant 0 : i32
    return %c0_i32, %c0_i32_0 : i32, i32
  }
  func.func @transform_4(%arg0: i32) -> (i32, i32) {
    %c0_i32 = arith.constant 0 : i32
    %c0_i32_0 = arith.constant 0 : i32
    %c0_i32_1 = arith.constant 0 : i32
    return %c0_i32, %c0_i32_0 : i32, i32
  }
  func.func @transform_5(%arg0: i32) -> (i32, i32) {
    %c0_i32 = arith.constant 0 : i32
    %c0_i32_0 = arith.constant 0 : i32
    %c0_i32_1 = arith.constant 0 : i32
    return %c0_i32, %c0_i32_0 : i32, i32
  }
  func.func @transform_6(%arg0: i32) -> (i32, i32) {
    %c0_i32 = arith.constant 0 : i32
    %c0_i32_0 = arith.constant 0 : i32
    %c0_i32_1 = arith.constant 0 : i32
    return %c0_i32, %c0_i32_0 : i32, i32
  }
  func.func @transform_7(%arg0: i32) -> (i32, i32) {
    %c0_i32 = arith.constant 0 : i32
    %c0_i32_0 = arith.constant 0 : i32
    %c0_i32_1 = arith.constant 0 : i32
    return %c0_i32, %c0_i32_0 : i32, i32
  }
  func.func @transform_8(%arg0: i32) -> (i32, i32) {
    %c0_i32 = arith.constant 0 : i32
    %c0_i32_0 = arith.constant 0 : i32
    return %arg0, %c0_i32 : i32, i32
  }
  func.func @transform_9(%arg0: i32) -> (i32, i32) {
    %c0_i32 = arith.constant 0 : i32
    %c0_i32_0 = arith.constant 0 : i32
    return %arg0, %c0_i32 : i32, i32
  }
  func.func @transform_10(%arg0: i32) -> (i32, i32) {
    %c0_i32 = arith.constant 0 : i32
    %c0_i32_0 = arith.constant 0 : i32
    return %arg0, %c0_i32 : i32, i32
  }
}

module attributes {stable_mosaic.version = 14 : i64} {
  func.func @_readout_body(%arg0: i32, %arg1: memref<1000x80xf32, #tpu.memory_space<vmem>>, %arg2: memref<1000x80xf32, #tpu.memory_space<vmem>>, %arg3: memref<1000x64xf32, #tpu.memory_space<vmem>>, %arg4: memref<1000x1xi32, #tpu.memory_space<vmem>>, %arg5: memref<1x64xf32, #tpu.memory_space<vmem>>, %arg6: memref<8x64xf32, #tpu.memory_space<vmem>>, %arg7: memref<64x8xf32, #tpu.memory_space<vmem>>, %arg8: memref<8x1xf32, #tpu.memory_space<vmem>>, %arg9: memref<1x1xf32, #tpu.memory_space<vmem>>, %arg10: memref<16x128xf32, #tpu.memory_space<vmem>>, %arg11: memref<1x128xf32, #tpu.memory_space<vmem>>, %arg12: memref<1x128xf32, #tpu.memory_space<vmem>>, %arg13: memref<1x128xf32, #tpu.memory_space<vmem>>, %arg14: memref<128x1xf32, #tpu.memory_space<vmem>>, %arg15: memref<1x1xf32, #tpu.memory_space<vmem>>, %arg16: memref<128x1xf32, #tpu.memory_space<vmem>>, %arg17: memref<128x8xf32, #tpu.memory_space<vmem>>, %arg18: memref<8x128xf32, #tpu.memory_space<vmem>>) attributes {dimension_semantics = [#tpu.dimension_semantics<arbitrary>], iteration_bounds = array<i64: 10>, scalar_prefetch = 0 : i64, scratch_operands = 2 : i64, tpu.core_type = #tpu.core_type<tc>, window_params = [{transform_indices = @transform_0, window_bounds = array<i64: 1000, 80>}, {transform_indices = @transform_1, window_bounds = array<i64: 1000, 80>}, {transform_indices = @transform_2, window_bounds = array<i64: 1000, 64>}, {transform_indices = @transform_3, window_bounds = array<i64: 1000, 1>}, {pipeline_mode = #tpu.pipeline_mode<synchronous>, transform_indices = @transform_4, window_bounds = array<i64: 1, 64>}, {pipeline_mode = #tpu.pipeline_mode<synchronous>, transform_indices = @transform_5, window_bounds = array<i64: 8, 64>}, {pipeline_mode = #tpu.pipeline_mode<synchronous>, transform_indices = @transform_6, window_bounds = array<i64: 64, 8>}, {pipeline_mode = #tpu.pipeline_mode<synchronous>, transform_indices = @transform_7, window_bounds = array<i64: 8, 1>}, {pipeline_mode = #tpu.pipeline_mode<synchronous>, transform_indices = @transform_8, window_bounds = array<i64: 1, 1>}, {pipeline_mode = #tpu.pipeline_mode<synchronous>, transform_indices = @transform_9, window_bounds = array<i64: 16, 128>}, {pipeline_mode = #tpu.pipeline_mode<synchronous>, transform_indices = @transform_10, window_bounds = array<i64: 1, 128>}, {pipeline_mode = #tpu.pipeline_mode<synchronous>, transform_indices = @transform_11, window_bounds = array<i64: 1, 128>}, {pipeline_mode = #tpu.pipeline_mode<synchronous>, transform_indices = @transform_12, window_bounds = array<i64: 1, 128>}, {pipeline_mode = #tpu.pipeline_mode<synchronous>, transform_indices = @transform_13, window_bounds = array<i64: 128, 1>}, {pipeline_mode = #tpu.pipeline_mode<synchronous>, transform_indices = @transform_14, window_bounds = array<i64: 1, 1>}, {pipeline_mode = #tpu.pipeline_mode<synchronous>, transform_indices = @transform_15, window_bounds = array<i64: 128, 1>}]} {
    %eq3A = arith.constant 0 : i32
    %eq3A_0 = arith.cmpi eq, %arg0, %eq3A : i32
    %convert_element_type3A = arith.extui %eq3A_0 : i1 to i32
    %cond3A = arith.constant 0 : i32
    %cond3A_1 = arith.cmpi ne, %convert_element_type3A, %cond3A : i32
    scf.if %cond3A_1 {
      %broadcast_in_dim3A_214 = arith.constant 0.000000e+00 : f32
      %broadcast_in_dim3A_215 = vector.broadcast %broadcast_in_dim3A_214 : f32 to vector<128x8xf32>
      %swap3A_216 = arith.constant 0 : index
      %swap3A_217 = arith.constant 0 : index
      %swap3A_218 = vector.load %arg17[%swap3A_216, %swap3A_217] : memref<128x8xf32, #tpu.memory_space<vmem>>, vector<128x8xf32>
      tpu.vector_store %arg17[%swap3A_216, %swap3A_217], %broadcast_in_dim3A_215 {strides = array<i32>} : memref<128x8xf32, #tpu.memory_space<vmem>>, vector<128x8xf32>,
      %broadcast_in_dim3A_219 = arith.constant -3.000000e+38 : f32
      %broadcast_in_dim3A_220 = vector.broadcast %broadcast_in_dim3A_219 : f32 to vector<8x128xf32>
      %swap3A_221 = arith.constant 0 : index
      %swap3A_222 = arith.constant 0 : index
      %swap3A_223 = vector.load %arg18[%swap3A_221, %swap3A_222] : memref<8x128xf32, #tpu.memory_space<vmem>>, vector<8x128xf32>
      tpu.vector_store %arg18[%swap3A_221, %swap3A_222], %broadcast_in_dim3A_220 {strides = array<i32>} : memref<8x128xf32, #tpu.memory_space<vmem>>, vector<8x128xf32>,
    } else {
    }
    %get3A = arith.constant 0 : index
    %get3A_2 = arith.constant 0 : index
    %get3A_3 = vector.load %arg1[%get3A, %get3A_2] : memref<1000x80xf32, #tpu.memory_space<vmem>>, vector<1000x80xf32>
    %get3A_4 = arith.constant 0 : index
    %get3A_5 = arith.constant 0 : index
    %get3A_6 = vector.load %arg2[%get3A_4, %get3A_5] : memref<1000x80xf32, #tpu.memory_space<vmem>>, vector<1000x80xf32>
    %add3A = arith.addf %get3A_3, %get3A_6 : vector<1000x80xf32>
    %slice3A = vector.extract_strided_slice %add3A {offsets = [0, 64], sizes = [1000, 8], strides = [1, 1]} : vector<1000x80xf32> to vector<1000x8xf32>
    %get3A_7 = arith.constant 0 : index
    %get3A_8 = arith.constant 0 : index
    %get3A_9 = vector.load %arg6[%get3A_7, %get3A_8] : memref<8x64xf32, #tpu.memory_space<vmem>>, vector<8x64xf32>
    %dot_general3A = arith.constant dense<0.000000e+00> : vector<1000x64xf32>
    %dot_general3A_10 = tpu.matmul %slice3A, %get3A_9, %dot_general3A {dimension_numbers = #tpu.dot_dimension_numbers<[1], [0], [0], [1], [0, 0, 1, 1], [], []>, precision = #tpu.contract_precision<fp32>, transpose_lhs_hint = false} : vector<1000x8xf32>, vector<8x64xf32>, vector<1000x64xf32> -> vector<1000x64xf32>
    %slice3A_11 = vector.extract_strided_slice %add3A {offsets = [0, 0], sizes = [1000, 64], strides = [1, 1]} : vector<1000x80xf32> to vector<1000x64xf32>
    %add3A_12 = arith.constant 9.99999971E-10 : f32
    %add3A_13 = vector.broadcast %add3A_12 : f32 to vector<1000x64xf32>
    %add3A_14 = arith.addf %dot_general3A_10, %add3A_13 : vector<1000x64xf32>
    %div3A = arith.divf %slice3A_11, %add3A_14 : vector<1000x64xf32>
    %get3A_15 = arith.constant 0 : index
    %get3A_16 = arith.constant 0 : index
    %get3A_17 = vector.load %arg3[%get3A_15, %get3A_16] : memref<1000x64xf32, #tpu.memory_space<vmem>>, vector<1000x64xf32>
    %add3A_18 = arith.addf %div3A, %get3A_17 : vector<1000x64xf32>
    %get3A_19 = arith.constant 0 : index
    %get3A_20 = arith.constant 0 : index
    %get3A_21 = vector.load %arg5[%get3A_19, %get3A_20] : memref<1x64xf32, #tpu.memory_space<vmem>>, vector<1x64xf32>
    %add3A_22 = vector.broadcast %get3A_21 : vector<1x64xf32> to vector<1000x64xf32>
    %add3A_23 = arith.addf %add3A_18, %add3A_22 : vector<1000x64xf32>
    %get3A_24 = arith.constant 0 : index
    %get3A_25 = arith.constant 0 : index
    %get3A_26 = vector.load %arg7[%get3A_24, %get3A_25] : memref<64x8xf32, #tpu.memory_space<vmem>>, vector<64x8xf32>
    %dot_general3A_27 = arith.constant dense<0.000000e+00> : vector<1000x8xf32>
    %dot_general3A_28 = tpu.matmul %add3A_23, %get3A_26, %dot_general3A_27 {dimension_numbers = #tpu.dot_dimension_numbers<[1], [0], [0], [1], [0, 0, 1, 1], [], []>, precision = #tpu.contract_precision<fp32>, transpose_lhs_hint = false} : vector<1000x64xf32>, vector<64x8xf32>, vector<1000x8xf32> -> vector<1000x8xf32>
    %gt3A = arith.constant 0.000000e+00 : f32
    %gt3A_29 = vector.broadcast %gt3A : f32 to vector<1000x8xf32>
    %gt3A_30 = arith.cmpf ogt, %dot_general3A_28, %gt3A_29 : vector<1000x8xf32>
    %exp3A = math.exp %dot_general3A_28 : vector<1000x8xf32>
    %sub3A = arith.constant 1.000000e+00 : f32
    %sub3A_31 = vector.broadcast %sub3A : f32 to vector<1000x8xf32>
    %sub3A_32 = arith.subf %exp3A, %sub3A_31 : vector<1000x8xf32>
    %select_n3A = arith.select %gt3A_30, %dot_general3A_28, %sub3A_32 : vector<1000x8xi1>, vector<1000x8xf32>
    %get3A_33 = arith.constant 0 : index
    %get3A_34 = arith.constant 0 : index
    %get3A_35 = vector.load %arg8[%get3A_33, %get3A_34] : memref<8x1xf32, #tpu.memory_space<vmem>>, vector<8x1xf32>
    %dot_general3A_36 = arith.constant dense<0.000000e+00> : vector<1000x1xf32>
    %dot_general3A_37 = tpu.matmul %select_n3A, %get3A_35, %dot_general3A_36 {dimension_numbers = #tpu.dot_dimension_numbers<[1], [0], [0], [1], [0, 0, 1, 1], [], []>, transpose_lhs_hint = false} : vector<1000x8xf32>, vector<8x1xf32>, vector<1000x1xf32> -> vector<1000x1xf32>
    %get3A_38 = arith.constant 0 : index
    %get3A_39 = arith.constant 0 : index
    %get3A_40 = vector.load %arg9[%get3A_38, %get3A_39] : memref<1x1xf32, #tpu.memory_space<vmem>>, vector<1x1xf32>
    %add3A_41 = vector.broadcast %get3A_40 : vector<1x1xf32> to vector<1000x1xf32>
    %add3A_42 = arith.addf %dot_general3A_37, %add3A_41 : vector<1000x1xf32>
    %neg3A = arith.constant 0.000000e+00 : f32
    %neg3A_43 = vector.broadcast %neg3A : f32 to vector<1000x1xf32>
    %neg3A_44 = arith.subf %neg3A_43, %add3A_42 : vector<1000x1xf32>
    %exp3A_45 = math.exp %neg3A_44 : vector<1000x1xf32>
    %add3A_46 = arith.constant 1.000000e+00 : f32
    %add3A_47 = vector.broadcast %add3A_46 : f32 to vector<1000x1xf32>
    %add3A_48 = arith.addf %add3A_47, %exp3A_45 : vector<1000x1xf32>
    %div3A_49 = arith.constant 1.000000e+00 : f32
    %div3A_50 = vector.broadcast %div3A_49 : f32 to vector<1000x1xf32>
    %div3A_51 = arith.divf %div3A_50, %add3A_48 : vector<1000x1xf32>
    %mul3A = vector.broadcast %div3A_51 : vector<1000x1xf32> to vector<1000x8xf32>
    %mul3A_52 = arith.mulf %select_n3A, %mul3A : vector<1000x8xf32>
    %get3A_53 = arith.constant 0 : index
    %get3A_54 = arith.constant 0 : index
    %get3A_55 = vector.load %arg4[%get3A_53, %get3A_54] : memref<1000x1xi32, #tpu.memory_space<vmem>>, vector<1000x1xi32>
    %iota3A = tpu.iota {dimensions = array<i32: 1>} : vector<1000x128xi32>
    %eq3A_56 = vector.broadcast %get3A_55 : vector<1000x1xi32> to vector<1000x128xi32>
    %eq3A_57 = arith.cmpi eq, %iota3A, %eq3A_56 : vector<1000x128xi32>
    %convert_element_type3A_58 = arith.extui %eq3A_57 : vector<1000x128xi1> to vector<1000x128xi32>
    %convert_element_type3A_59 = arith.sitofp %convert_element_type3A_58 : vector<1000x128xi32> to vector<1000x128xf32>
    %get3A_60 = arith.constant 0 : index
    %get3A_61 = arith.constant 0 : index
    %get3A_62 = vector.load %arg17[%get3A_60, %get3A_61] : memref<128x8xf32, #tpu.memory_space<vmem>>, vector<128x8xf32>
    %dot_general3A_63 = arith.constant dense<0.000000e+00> : vector<128x8xf32>
    %dot_general3A_64 = tpu.matmul %convert_element_type3A_59, %mul3A_52, %dot_general3A_63 {dimension_numbers = #tpu.dot_dimension_numbers<[0], [0], [1], [1], [0, 1, 1, 1], [], []>, precision = #tpu.contract_precision<fp32>, transpose_lhs_hint = false} : vector<1000x128xf32>, vector<1000x8xf32>, vector<128x8xf32> -> vector<128x8xf32>
    %add3A_65 = arith.addf %get3A_62, %dot_general3A_64 : vector<128x8xf32>
    %swap3A = arith.constant 0 : index
    %swap3A_66 = arith.constant 0 : index
    %swap3A_67 = vector.load %arg17[%swap3A, %swap3A_66] : memref<128x8xf32, #tpu.memory_space<vmem>>, vector<128x8xf32>
    tpu.vector_store %arg17[%swap3A, %swap3A_66], %add3A_65 {strides = array<i32>} : memref<128x8xf32, #tpu.memory_space<vmem>>, vector<128x8xf32>,
    %slice3A_68 = vector.extract_strided_slice %select_n3A {offsets = [0, 0], sizes = [1000, 1], strides = [1, 1]} : vector<1000x8xf32> to vector<1000x1xf32>
    %jit3A = arith.constant -3.000000e+38 : f32
    %broadcast_in_dim3A = vector.shape_cast %slice3A_68 : vector<1000x1xf32> to vector<1000x1xf32>
    %broadcast_in_dim3A_69 = vector.broadcast %broadcast_in_dim3A : vector<1000x1xf32> to vector<1000x128xf32>
    %broadcast_in_dim3A_70 = vector.broadcast %jit3A : f32 to vector<1000x128xf32>
    %select_n3A_71 = arith.select %eq3A_57, %broadcast_in_dim3A_69, %broadcast_in_dim3A_70 : vector<1000x128xi1>, vector<1000x128xf32>
    %reduce_max3A = arith.constant dense<0xFF800000> : vector<128xf32>
    %reduce_max3A_72 = vector.multi_reduction <maximumf>, %select_n3A_71, %reduce_max3A [0] : vector<1000x128xf32> to vector<128xf32>
    %broadcast_in_dim3A_73 = vector.shape_cast %reduce_max3A_72 : vector<128xf32> to vector<1x128xf32>
    %slice3A_74 = vector.extract_strided_slice %select_n3A {offsets = [0, 1], sizes = [1000, 1], strides = [1, 1]} : vector<1000x8xf32> to vector<1000x1xf32>
    %jit3A_75 = arith.constant -3.000000e+38 : f32
    %broadcast_in_dim3A_76 = vector.shape_cast %slice3A_74 : vector<1000x1xf32> to vector<1000x1xf32>
    %broadcast_in_dim3A_77 = vector.broadcast %broadcast_in_dim3A_76 : vector<1000x1xf32> to vector<1000x128xf32>
    %broadcast_in_dim3A_78 = vector.broadcast %jit3A_75 : f32 to vector<1000x128xf32>
    %select_n3A_79 = arith.select %eq3A_57, %broadcast_in_dim3A_77, %broadcast_in_dim3A_78 : vector<1000x128xi1>, vector<1000x128xf32>
    %reduce_max3A_80 = arith.constant dense<0xFF800000> : vector<128xf32>
    %reduce_max3A_81 = vector.multi_reduction <maximumf>, %select_n3A_79, %reduce_max3A_80 [0] : vector<1000x128xf32> to vector<128xf32>
    %broadcast_in_dim3A_82 = vector.shape_cast %reduce_max3A_81 : vector<128xf32> to vector<1x128xf32>
    %slice3A_83 = vector.extract_strided_slice %select_n3A {offsets = [0, 2], sizes = [1000, 1], strides = [1, 1]} : vector<1000x8xf32> to vector<1000x1xf32>
    %jit3A_84 = arith.constant -3.000000e+38 : f32
    %broadcast_in_dim3A_85 = vector.shape_cast %slice3A_83 : vector<1000x1xf32> to vector<1000x1xf32>
    %broadcast_in_dim3A_86 = vector.broadcast %broadcast_in_dim3A_85 : vector<1000x1xf32> to vector<1000x128xf32>
    %broadcast_in_dim3A_87 = vector.broadcast %jit3A_84 : f32 to vector<1000x128xf32>
    %select_n3A_88 = arith.select %eq3A_57, %broadcast_in_dim3A_86, %broadcast_in_dim3A_87 : vector<1000x128xi1>, vector<1000x128xf32>
    %reduce_max3A_89 = arith.constant dense<0xFF800000> : vector<128xf32>
    %reduce_max3A_90 = vector.multi_reduction <maximumf>, %select_n3A_88, %reduce_max3A_89 [0] : vector<1000x128xf32> to vector<128xf32>
    %broadcast_in_dim3A_91 = vector.shape_cast %reduce_max3A_90 : vector<128xf32> to vector<1x128xf32>
    %slice3A_92 = vector.extract_strided_slice %select_n3A {offsets = [0, 3], sizes = [1000, 1], strides = [1, 1]} : vector<1000x8xf32> to vector<1000x1xf32>
    %jit3A_93 = arith.constant -3.000000e+38 : f32
    %broadcast_in_dim3A_94 = vector.shape_cast %slice3A_92 : vector<1000x1xf32> to vector<1000x1xf32>
    %broadcast_in_dim3A_95 = vector.broadcast %broadcast_in_dim3A_94 : vector<1000x1xf32> to vector<1000x128xf32>
    %broadcast_in_dim3A_96 = vector.broadcast %jit3A_93 : f32 to vector<1000x128xf32>
    %select_n3A_97 = arith.select %eq3A_57, %broadcast_in_dim3A_95, %broadcast_in_dim3A_96 : vector<1000x128xi1>, vector<1000x128xf32>
    %reduce_max3A_98 = arith.constant dense<0xFF800000> : vector<128xf32>
    %reduce_max3A_99 = vector.multi_reduction <maximumf>, %select_n3A_97, %reduce_max3A_98 [0] : vector<1000x128xf32> to vector<128xf32>
    %broadcast_in_dim3A_100 = vector.shape_cast %reduce_max3A_99 : vector<128xf32> to vector<1x128xf32>
    %slice3A_101 = vector.extract_strided_slice %select_n3A {offsets = [0, 4], sizes = [1000, 1], strides = [1, 1]} : vector<1000x8xf32> to vector<1000x1xf32>
    %jit3A_102 = arith.constant -3.000000e+38 : f32
    %broadcast_in_dim3A_103 = vector.shape_cast %slice3A_101 : vector<1000x1xf32> to vector<1000x1xf32>
    %broadcast_in_dim3A_104 = vector.broadcast %broadcast_in_dim3A_103 : vector<1000x1xf32> to vector<1000x128xf32>
    %broadcast_in_dim3A_105 = vector.broadcast %jit3A_102 : f32 to vector<1000x128xf32>
    %select_n3A_106 = arith.select %eq3A_57, %broadcast_in_dim3A_104, %broadcast_in_dim3A_105 : vector<1000x128xi1>, vector<1000x128xf32>
    %reduce_max3A_107 = arith.constant dense<0xFF800000> : vector<128xf32>
    %reduce_max3A_108 = vector.multi_reduction <maximumf>, %select_n3A_106, %reduce_max3A_107 [0] : vector<1000x128xf32> to vector<128xf32>
    %broadcast_in_dim3A_109 = vector.shape_cast %reduce_max3A_108 : vector<128xf32> to vector<1x128xf32>
    %slice3A_110 = vector.extract_strided_slice %select_n3A {offsets = [0, 5], sizes = [1000, 1], strides = [1, 1]} : vector<1000x8xf32> to vector<1000x1xf32>
    %jit3A_111 = arith.constant -3.000000e+38 : f32
    %broadcast_in_dim3A_112 = vector.shape_cast %slice3A_110 : vector<1000x1xf32> to vector<1000x1xf32>
    %broadcast_in_dim3A_113 = vector.broadcast %broadcast_in_dim3A_112 : vector<1000x1xf32> to vector<1000x128xf32>
    %broadcast_in_dim3A_114 = vector.broadcast %jit3A_111 : f32 to vector<1000x128xf32>
    %select_n3A_115 = arith.select %eq3A_57, %broadcast_in_dim3A_113, %broadcast_in_dim3A_114 : vector<1000x128xi1>, vector<1000x128xf32>
    %reduce_max3A_116 = arith.constant dense<0xFF800000> : vector<128xf32>
    %reduce_max3A_117 = vector.multi_reduction <maximumf>, %select_n3A_115, %reduce_max3A_116 [0] : vector<1000x128xf32> to vector<128xf32>
    %broadcast_in_dim3A_118 = vector.shape_cast %reduce_max3A_117 : vector<128xf32> to vector<1x128xf32>
    %slice3A_119 = vector.extract_strided_slice %select_n3A {offsets = [0, 6], sizes = [1000, 1], strides = [1, 1]} : vector<1000x8xf32> to vector<1000x1xf32>
    %jit3A_120 = arith.constant -3.000000e+38 : f32
    %broadcast_in_dim3A_121 = vector.shape_cast %slice3A_119 : vector<1000x1xf32> to vector<1000x1xf32>
    %broadcast_in_dim3A_122 = vector.broadcast %broadcast_in_dim3A_121 : vector<1000x1xf32> to vector<1000x128xf32>
    %broadcast_in_dim3A_123 = vector.broadcast %jit3A_120 : f32 to vector<1000x128xf32>
    %select_n3A_124 = arith.select %eq3A_57, %broadcast_in_dim3A_122, %broadcast_in_dim3A_123 : vector<1000x128xi1>, vector<1000x128xf32>
    %reduce_max3A_125 = arith.constant dense<0xFF800000> : vector<128xf32>
    %reduce_max3A_126 = vector.multi_reduction <maximumf>, %select_n3A_124, %reduce_max3A_125 [0] : vector<1000x128xf32> to vector<128xf32>
    %broadcast_in_dim3A_127 = vector.shape_cast %reduce_max3A_126 : vector<128xf32> to vector<1x128xf32>
    %slice3A_128 = vector.extract_strided_slice %select_n3A {offsets = [0, 7], sizes = [1000, 1], strides = [1, 1]} : vector<1000x8xf32> to vector<1000x1xf32>
    %jit3A_129 = arith.constant -3.000000e+38 : f32
    %broadcast_in_dim3A_130 = vector.shape_cast %slice3A_128 : vector<1000x1xf32> to vector<1000x1xf32>
    %broadcast_in_dim3A_131 = vector.broadcast %broadcast_in_dim3A_130 : vector<1000x1xf32> to vector<1000x128xf32>
    %broadcast_in_dim3A_132 = vector.broadcast %jit3A_129 : f32 to vector<1000x128xf32>
    %select_n3A_133 = arith.select %eq3A_57, %broadcast_in_dim3A_131, %broadcast_in_dim3A_132 : vector<1000x128xi1>, vector<1000x128xf32>
    %reduce_max3A_134 = arith.constant dense<0xFF800000> : vector<128xf32>
    %reduce_max3A_135 = vector.multi_reduction <maximumf>, %select_n3A_133, %reduce_max3A_134 [0] : vector<1000x128xf32> to vector<128xf32>
    %broadcast_in_dim3A_136 = vector.shape_cast %reduce_max3A_135 : vector<128xf32> to vector<1x128xf32>
    %get3A_137 = arith.constant 0 : index
    %get3A_138 = arith.constant 0 : index
    %get3A_139 = vector.load %arg18[%get3A_137, %get3A_138] : memref<8x128xf32, #tpu.memory_space<vmem>>, vector<8x128xf32>
    %concatenate3A = tpu.concatenate %broadcast_in_dim3A_73, %broadcast_in_dim3A_82, %broadcast_in_dim3A_91, %broadcast_in_dim3A_100, %broadcast_in_dim3A_109, %broadcast_in_dim3A_118, %broadcast_in_dim3A_127, %broadcast_in_dim3A_136 in 0 : vector<1x128xf32>, vector<1x128xf32>, vector<1x128xf32>, vector<1x128xf32>, vector<1x128xf32>, vector<1x128xf32>, vector<1x128xf32>, vector<1x128xf32> -> vector<8x128xf32>
    %max3A = arith.maximumf %get3A_139, %concatenate3A : vector<8x128xf32>
    %swap3A_140 = arith.constant 0 : index
    %swap3A_141 = arith.constant 0 : index
    %swap3A_142 = vector.load %arg18[%swap3A_140, %swap3A_141] : memref<8x128xf32, #tpu.memory_space<vmem>>, vector<8x128xf32>
    tpu.vector_store %arg18[%swap3A_140, %swap3A_141], %max3A {strides = array<i32>} : memref<8x128xf32, #tpu.memory_space<vmem>>, vector<8x128xf32>,
    %get3A_143 = arith.constant 0 : index
    %get3A_144 = arith.constant 0 : index
    %get3A_145 = vector.load %arg17[%get3A_143, %get3A_144] : memref<128x8xf32, #tpu.memory_space<vmem>>, vector<128x8xf32>
    %get3A_146 = arith.constant 0 : index
    %get3A_147 = arith.constant 0 : index
    %get3A_148 = vector.load %arg18[%get3A_146, %get3A_147] : memref<8x128xf32, #tpu.memory_space<vmem>>, vector<8x128xf32>
    %le3A = arith.constant -9.99999993E+36 : f32
    %le3A_149 = vector.broadcast %le3A : f32 to vector<8x128xf32>
    %le3A_150 = arith.cmpf ole, %get3A_148, %le3A_149 : vector<8x128xf32>
    %jit3A_151 = arith.constant 0.000000e+00 : f32
    %broadcast_in_dim3A_152 = vector.broadcast %jit3A_151 : f32 to vector<8x128xf32>
    %select_n3A_153 = arith.select %le3A_150, %broadcast_in_dim3A_152, %get3A_148 : vector<8x128xi1>, vector<8x128xf32>
    %transpose3A = tpu.transpose %select_n3A_153, [1, 0] : vector<8x128xf32> -> vector<128x8xf32>
    %concatenate3A_154 = tpu.concatenate %get3A_145, %transpose3A in 1 : vector<128x8xf32>, vector<128x8xf32> -> vector<128x16xf32>
    %get3A_155 = arith.constant 0 : index
    %get3A_156 = arith.constant 0 : index
    %get3A_157 = vector.load %arg10[%get3A_155, %get3A_156] : memref<16x128xf32, #tpu.memory_space<vmem>>, vector<16x128xf32>
    %dot_general3A_158 = arith.constant dense<0.000000e+00> : vector<128x128xf32>
    %dot_general3A_159 = tpu.matmul %concatenate3A_154, %get3A_157, %dot_general3A_158 {dimension_numbers = #tpu.dot_dimension_numbers<[1], [0], [0], [1], [0, 0, 1, 1], [], []>, transpose_lhs_hint = false} : vector<128x16xf32>, vector<16x128xf32>, vector<128x128xf32> -> vector<128x128xf32>
    %get3A_160 = arith.constant 0 : index
    %get3A_161 = arith.constant 0 : index
    %get3A_162 = vector.load %arg11[%get3A_160, %get3A_161] : memref<1x128xf32, #tpu.memory_space<vmem>>, vector<1x128xf32>
    %add3A_163 = vector.broadcast %get3A_162 : vector<1x128xf32> to vector<128x128xf32>
    %add3A_164 = arith.addf %dot_general3A_159, %add3A_163 : vector<128x128xf32>
    %max3A_165 = arith.constant 0.000000e+00 : f32
    %max3A_166 = vector.broadcast %max3A_165 : f32 to vector<128x128xf32>
    %max3A_167 = arith.maximumf %add3A_164, %max3A_166 : vector<128x128xf32>
    %reduce_sum3A = arith.constant dense<0.000000e+00> : vector<128xf32>
    %reduce_sum3A_168 = vector.multi_reduction <add>, %max3A_167, %reduce_sum3A [0] : vector<128x128xf32> to vector<128xf32>
    %broadcast_in_dim3A_169 = vector.shape_cast %reduce_sum3A_168 : vector<128xf32> to vector<1x128xf32>
    %div3A_170 = arith.constant 1.280000e+02 : f32
    %div3A_171 = vector.broadcast %div3A_170 : f32 to vector<1x128xf32>
    %div3A_172 = arith.divf %broadcast_in_dim3A_169, %div3A_171 : vector<1x128xf32>
    %sub3A_173 = vector.broadcast %div3A_172 : vector<1x128xf32> to vector<128x128xf32>
    %sub3A_174 = arith.subf %max3A_167, %sub3A_173 : vector<128x128xf32>
    %sub3A_175 = vector.broadcast %div3A_172 : vector<1x128xf32> to vector<128x128xf32>
    %sub3A_176 = arith.subf %max3A_167, %sub3A_175 : vector<128x128xf32>
    %mul3A_177 = arith.mulf %sub3A_174, %sub3A_176 : vector<128x128xf32>
    %reduce_sum3A_178 = arith.constant dense<0.000000e+00> : vector<128xf32>
    %reduce_sum3A_179 = vector.multi_reduction <add>, %mul3A_177, %reduce_sum3A_178 [0] : vector<128x128xf32> to vector<128xf32>
    %broadcast_in_dim3A_180 = vector.shape_cast %reduce_sum3A_179 : vector<128xf32> to vector<1x128xf32>
    %div3A_181 = arith.constant 1.280000e+02 : f32
    %div3A_182 = vector.broadcast %div3A_181 : f32 to vector<1x128xf32>
    %div3A_183 = arith.divf %broadcast_in_dim3A_180, %div3A_182 : vector<1x128xf32>
    %sub3A_184 = vector.broadcast %div3A_172 : vector<1x128xf32> to vector<128x128xf32>
    %sub3A_185 = arith.subf %max3A_167, %sub3A_184 : vector<128x128xf32>
    %add3A_186 = arith.constant 9.99999974E-6 : f32
    %add3A_187 = vector.broadcast %add3A_186 : f32 to vector<1x128xf32>
    %add3A_188 = arith.addf %div3A_183, %add3A_187 : vector<1x128xf32>
    %sqrt3A = math.sqrt %add3A_188 : vector<1x128xf32>
    %div3A_189 = vector.broadcast %sqrt3A : vector<1x128xf32> to vector<128x128xf32>
    %div3A_190 = arith.divf %sub3A_185, %div3A_189 : vector<128x128xf32>
    %get3A_191 = arith.constant 0 : index
    %get3A_192 = arith.constant 0 : index
    %get3A_193 = vector.load %arg12[%get3A_191, %get3A_192] : memref<1x128xf32, #tpu.memory_space<vmem>>, vector<1x128xf32>
    %mul3A_194 = vector.broadcast %get3A_193 : vector<1x128xf32> to vector<128x128xf32>
    %mul3A_195 = arith.mulf %div3A_190, %mul3A_194 : vector<128x128xf32>
    %get3A_196 = arith.constant 0 : index
    %get3A_197 = arith.constant 0 : index
    %get3A_198 = vector.load %arg13[%get3A_196, %get3A_197] : memref<1x128xf32, #tpu.memory_space<vmem>>, vector<1x128xf32>
    %add3A_199 = vector.broadcast %get3A_198 : vector<1x128xf32> to vector<128x128xf32>
    %add3A_200 = arith.addf %mul3A_195, %add3A_199 : vector<128x128xf32>
    %get3A_201 = arith.constant 0 : index
    %get3A_202 = arith.constant 0 : index
    %get3A_203 = vector.load %arg14[%get3A_201, %get3A_202] : memref<128x1xf32, #tpu.memory_space<vmem>>, vector<128x1xf32>
    %dot_general3A_204 = arith.constant dense<0.000000e+00> : vector<128x1xf32>
    %dot_general3A_205 = tpu.matmul %add3A_200, %get3A_203, %dot_general3A_204 {dimension_numbers = #tpu.dot_dimension_numbers<[1], [0], [0], [1], [0, 0, 1, 1], [], []>, transpose_lhs_hint = false} : vector<128x128xf32>, vector<128x1xf32>, vector<128x1xf32> -> vector<128x1xf32>
    %get3A_206 = arith.constant 0 : index
    %get3A_207 = arith.constant 0 : index
    %get3A_208 = vector.load %arg15[%get3A_206, %get3A_207] : memref<1x1xf32, #tpu.memory_space<vmem>>, vector<1x1xf32>
    %add3A_209 = vector.broadcast %get3A_208 : vector<1x1xf32> to vector<128x1xf32>
    %add3A_210 = arith.addf %dot_general3A_205, %add3A_209 : vector<128x1xf32>
    %swap3A_211 = arith.constant 0 : index
    %swap3A_212 = arith.constant 0 : index
    %swap3A_213 = vector.load %arg16[%swap3A_211, %swap3A_212] : memref<128x1xf32, #tpu.memory_space<vmem>>, vector<128x1xf32>
    tpu.vector_store %arg16[%swap3A_211, %swap3A_212], %add3A_210 {strides = array<i32>} : memref<128x1xf32, #tpu.memory_space<vmem>>, vector<128x1xf32>,
    return
  }
  func.func @transform_0(%arg0: i32) -> (i32, i32) {
    %c0_i32 = arith.constant 0 : i32
    %c0_i32_0 = arith.constant 0 : i32
    return %arg0, %c0_i32 : i32, i32
  }
  func.func @transform_1(%arg0: i32) -> (i32, i32) {
    %c0_i32 = arith.constant 0 : i32
    %c0_i32_0 = arith.constant 0 : i32
    return %arg0, %c0_i32 : i32, i32
  }
  func.func @transform_2(%arg0: i32) -> (i32, i32) {
    %c0_i32 = arith.constant 0 : i32
    %c0_i32_0 = arith.constant 0 : i32
    return %arg0, %c0_i32 : i32, i32
  }
  func.func @transform_3(%arg0: i32) -> (i32, i32) {
    %c0_i32 = arith.constant 0 : i32
    %c0_i32_0 = arith.constant 0 : i32
    return %arg0, %c0_i32 : i32, i32
  }
  func.func @transform_4(%arg0: i32) -> (i32, i32) {
    %c0_i32 = arith.constant 0 : i32
    %c0_i32_0 = arith.constant 0 : i32
    %c0_i32_1 = arith.constant 0 : i32
    return %c0_i32, %c0_i32_0 : i32, i32
  }
  func.func @transform_5(%arg0: i32) -> (i32, i32) {
    %c0_i32 = arith.constant 0 : i32
    %c0_i32_0 = arith.constant 0 : i32
    %c0_i32_1 = arith.constant 0 : i32
    return %c0_i32, %c0_i32_0 : i32, i32
  }
  func.func @transform_6(%arg0: i32) -> (i32, i32) {
    %c0_i32 = arith.constant 0 : i32
    %c0_i32_0 = arith.constant 0 : i32
    %c0_i32_1 = arith.constant 0 : i32
    return %c0_i32, %c0_i32_0 : i32, i32
  }
  func.func @transform_7(%arg0: i32) -> (i32, i32) {
    %c0_i32 = arith.constant 0 : i32
    %c0_i32_0 = arith.constant 0 : i32
    %c0_i32_1 = arith.constant 0 : i32
    return %c0_i32, %c0_i32_0 : i32, i32
  }
  func.func @transform_8(%arg0: i32) -> (i32, i32) {
    %c0_i32 = arith.constant 0 : i32
    %c0_i32_0 = arith.constant 0 : i32
    %c0_i32_1 = arith.constant 0 : i32
    return %c0_i32, %c0_i32_0 : i32, i32
  }
  func.func @transform_9(%arg0: i32) -> (i32, i32) {
    %c0_i32 = arith.constant 0 : i32
    %c0_i32_0 = arith.constant 0 : i32
    %c0_i32_1 = arith.constant 0 : i32
    return %c0_i32, %c0_i32_0 : i32, i32
  }
  func.func @transform_10(%arg0: i32) -> (i32, i32) {
    %c0_i32 = arith.constant 0 : i32
    %c0_i32_0 = arith.constant 0 : i32
    %c0_i32_1 = arith.constant 0 : i32
    return %c0_i32, %c0_i32_0 : i32, i32
  }
  func.func @transform_11(%arg0: i32) -> (i32, i32) {
    %c0_i32 = arith.constant 0 : i32
    %c0_i32_0 = arith.constant 0 : i32
    %c0_i32_1 = arith.constant 0 : i32
    return %c0_i32, %c0_i32_0 : i32, i32
  }
  func.func @transform_12(%arg0: i32) -> (i32, i32) {
    %c0_i32 = arith.constant 0 : i32
    %c0_i32_0 = arith.constant 0 : i32
    %c0_i32_1 = arith.constant 0 : i32
    return %c0_i32, %c0_i32_0 : i32, i32
  }
  func.func @transform_13(%arg0: i32) -> (i32, i32) {
    %c0_i32 = arith.constant 0 : i32
    %c0_i32_0 = arith.constant 0 : i32
    %c0_i32_1 = arith.constant 0 : i32
    return %c0_i32, %c0_i32_0 : i32, i32
  }
  func.func @transform_14(%arg0: i32) -> (i32, i32) {
    %c0_i32 = arith.constant 0 : i32
    %c0_i32_0 = arith.constant 0 : i32
    %c0_i32_1 = arith.constant 0 : i32
    return %c0_i32, %c0_i32_0 : i32, i32
  }
  func.func @transform_15(%arg0: i32) -> (i32, i32) {
    %c0_i32 = arith.constant 0 : i32
    %c0_i32_0 = arith.constant 0 : i32
    %c0_i32_1 = arith.constant 0 : i32
    return %c0_i32, %c0_i32_0 : i32, i32
  }
}

</mosaic_0001>

<sc_bundles>
// kernel: kernel.10.cloned.1.call-start
scs
__scs_entry_jumppad:
0x0: {  	(pc) =	sbr.rel $0x88, $3  }
0x1: {  	(tag) =	ssettag $0x0;
	lr =	simm.s32 $0x1  }
0x2: {  	[smem:$0x3F8D] =	sst lr;
	_ =	strace $0xD0000000  }
0x3: {  	_ = 	snop  }
0x4: {  	_ = 	snop  }
0x5: {  	_ = 	snop  }
0x6: {  	_ = 	snop  }
0x7: {  	_ = 	snop  }
__scs_overlays_trampoline_lowered:
0x8: {  	[smem:$0x3F9C] =	sst s0  }
0x9: {  	[smem:$0x3F9D] =	sst s1  }
0xa: {  	[smem:$0x3F9E] =	sst s2  }
0xb: {  	[smem:$0x3F9F] =	sst s3  }
0xc: {  	[smem:$0x3FA0] =	sst s4  }
0xd: {  	[smem:$0x3FA1] =	sst s5  }
0xe: {  	[smem:$0x3FA2] =	sst s6  }
0xf: {  	[smem:$0x3FA3] =	sst s7  }
0x10: {  	[smem:$0x3FA4] =	sst s8  }
0x11: {  	[smem:$0x3FA5] =	sst s9;
	s0 =	simm.s32 @!p0 $0x0  }
0x12: {  	s1 =	sld [smem:$0x3F8B];
	s0 =	simm.s32 @p0 $0x1  }
0x13: {  	[smem:$0x3FA6] =	sst s0;
	s0 =	simm.s32 @!p1 $0x0  }
0x14: {  	s2 =	sld [smem:$0x3F8A];
	s0 =	simm.s32 @p1 $0x1  }
0x15: {  	[smem:$0x3FA7] =	sst s0;
	s0 =	simm.s32 @!p2 $0x0  }
0x16: {  	s3 =	sld [smem:$0x3FDB];
	s0 =	simm.s32 @p2 $0x1  }
0x17: {  	s4 =	simm.s32 $0x1BF5;
	[smem:$0x3FA9] =	sst s0  }
0x18: {  	s0 =	sld [smem:$0x3F8C];
	_ =	swait.ge [sflag:s4], $0x0  }
0x19: {  	s7 =	sld [smem:$0x3F8D]  }
0x1a: {  	s8 =	sadd.s32 $0xFFFFE003, lr  }
0x1b: {  	s9 =	sadd.s32 $0xFFFFFEF7, lr;
	s5 =	simm.s32 $0xFFFFFFFF;
	p2 =	slt.u32 s8, $0xFFFFF086  }
0x1c: {  	p1 =	slt.u32 s9, $0xF7A;
	s5 =	simm.s32 @!p2 $0x0  }
0x1d: {  	s5 =	simm.s32 @p1 $0x1;
	p0 =	seq.s32 s7, s2  }
0x1e: {  	s7 =	smul.u32 @!p0 $0xF7A, s2;
	p2 =	seq.s32 @!p0 s5, $0x0  }
0x1f: {  	s9 =	smul.u32 $0xF7A, s1;
	s8 =	simm.s32 @!p0 $0x1BF5;
	p2 =	por !p2, p0  }
0x20: {  	[sflag:s8] =	ssyncset.s32 @!p0 $0xFFFFF086;
	s6 =	sadd.s32 @!p0 s3, s7;
	s7 =	simm.s32 @!p0 $0x108  }
0x21: {  	s3 =	sadd.s32 s3, s9;
	s6 =	sadd.s32 @!p0 $0x88, s6;
	s7 =	simm.s32 @p2 $0x1082  }
0x22: {  	[simem:s7], [sflag:s8] =	dma.local @!p0 [hbm:s6], $0xF7A  }
0x23: {  	s9 =	sor.u32 $0xD0000000, s2;
	s6 =	simm.s32 $0x108;
	_ =	swait.ge @!p0 [sflag:s8], $0x0  }
0x24: {  	s3 =	sadd.s32 $0x88, s3;
	s6 =	simm.s32 @!p1 $0x1082;
	[sflag:s4] =	ssyncset.s32 $0xFFFFF086  }
0x25: {  	[simem:s6], [sflag:s4] =	dma.local [hbm:s3], $0xF7A  }
0x26: {  	[smem:$0x3F8D] =	sst s1;
	(tag) =	ssettag s2;
	_ =	strace s9  }
0x27: {  	s1 =	sld [smem:$0x3F9D]  }
0x28: {  	s2 =	sld [smem:$0x3F9E]  }
0x29: {  	s4 =	sld [smem:$0x3FA0]  }
0x2a: {  	p0 =	seq.s32 s5, $0x0;
	s5 =	sld [smem:$0x3FA1]  }
0x2b: {  	s6 =	sld [smem:$0x3FA2]  }
0x2c: {  	s7 =	sld [smem:$0x3FA3]  }
0x2d: {  	s3 =	simm.s32 $0x108;
	s8 =	sld [smem:$0x3FA4]  }
0x2e: {  	s3 =	simm.s32 @!p0 $0x1082;
	s9 =	sld [smem:$0x3FA5]  }
0x2f: {  	lr =	sadd.s32 s0, s3;
	s0 =	sld [smem:$0x3F9C]  }
0x30: {  	s3 =	sld [smem:$0x3F9F]  }
0x31: {  	[smem:$0x3FA8] =	sst s10  }
0x32: {  	s10 =	sld [smem:$0x3FA6];
	_ =	sdelay $0x3  }
0x33: {  	p0 =	seq.s32 s10, $0x1;
	s10 =	sld [smem:$0x3FA8];
	_ =	sdelay $0x3  }
0x34: {  	[smem:$0x3FA8] =	sst s10  }
0x35: {  	s10 =	sld [smem:$0x3FA7];
	_ =	sdelay $0x3  }
0x36: {  	p1 =	seq.s32 s10, $0x1;
	s10 =	sld [smem:$0x3FA8];
	_ =	sdelay $0x3  }
0x37: {  	[smem:$0x3FA8] =	sst s10  }
0x38: {  	s10 =	sld [smem:$0x3FA9]  }
0x39: {  	_ = 	snop;
	(pc) =	sbr.ind lr, $3  }
0x3a: {  	_ = 	snop  }
0x3b: {  	_ = 	snop  }
0x3c: {  	p2 =	seq.s32 s10, $0x1;
	s10 =	sld [smem:$0x3FA8]  }
0x3d: {  	_ =	shalt  }
0x3e: {  	_ =	shalt  }
0x3f: {  	_ =	shalt  }
0x40: {  	_ =	shalt  }
0x41: {  	_ =	shalt  }
0x42: {  	_ =	shalt  }
0x43: {  	_ =	shalt  }
0x44: {  	_ =	shalt  }
0x45: {  	_ =	shalt  }
0x46: {  	_ =	shalt  }
0x47: {  	_ =	shalt  }
0x48: {  	_ =	shalt  }
0x49: {  	_ =	shalt  }
0x4a: {  	_ =	shalt  }
0x4b: {  	_ =	shalt  }
0x4c: {  	_ =	shalt  }
0x4d: {  	_ =	shalt  }
0x4e: {  	_ =	shalt  }
0x4f: {  	_ =	shalt  }
0x50: {  	_ =	shalt  }
0x51: {  	_ =	shalt  }
0x52: {  	_ =	shalt  }
0x53: {  	_ =	shalt  }
0x54: {  	_ =	shalt  }
0x55: {  	_ =	shalt  }
0x56: {  	_ =	shalt  }
0x57: {  	_ =	shalt  }
0x58: {  	_ =	shalt  }
0x59: {  	_ =	shalt  }
0x5a: {  	_ =	shalt  }
0x5b: {  	_ =	shalt  }
0x5c: {  	_ =	shalt  }
0x5d: {  	_ =	shalt  }
0x5e: {  	_ =	shalt  }
0x5f: {  	_ =	shalt  }
0x60: {  	_ =	shalt  }
0x61: {  	_ =	shalt  }
0x62: {  	_ =	shalt  }
0x63: {  	_ =	shalt  }
0x64: {  	_ =	shalt  }
0x65: {  	_ =	shalt  }
0x66: {  	_ =	shalt  }
0x67: {  	_ =	shalt  }
0x68: {  	_ =	shalt  }
0x69: {  	_ =	shalt  }
0x6a: {  	_ =	shalt  }
0x6b: {  	_ =	shalt  }
0x6c: {  	_ =	shalt  }
0x6d: {  	_ =	shalt  }
0x6e: {  	_ =	shalt  }
0x6f: {  	_ =	shalt  }
0x70: {  	_ =	shalt  }
0x71: {  	_ =	shalt  }
0x72: {  	_ =	shalt  }
0x73: {  	_ =	shalt  }
0x74: {  	_ =	shalt  }
0x75: {  	_ =	shalt  }
0x76: {  	_ =	shalt  }
0x77: {  	_ =	shalt  }
0x78: {  	_ =	shalt  }
0x79: {  	_ =	shalt  }
0x7a: {  	_ =	shalt  }
0x7b: {  	_ =	shalt  }
0x7c: {  	_ =	shalt  }
0x7d: {  	_ =	shalt  }
0x7e: {  	_ =	shalt  }
0x7f: {  	_ =	shalt  }
0x80: {  	_ =	shalt  }
0x81: {  	_ =	shalt  }
0x82: {  	_ =	shalt  }
0x83: {  	_ =	shalt  }
0x84: {  	_ =	shalt  }
0x85: {  	_ =	shalt  }
0x86: {  	_ =	shalt  }
0x87: {  	_ =	shalt  }
.Lfunc_end0:
.L_simem_size_0:
called_computation.1_lowered:
.L_overlay_start_0:
0x88: {  	s2 =	sld [smem:$0x3FD9]  }
0x89: {  	s3 =	sld [smem:$0x3FFE];
	_ =	sdelay $0x1  }
0x8a: {  	s1 =	srdreg.scid  }
0x8b: {  	s0 =	sand.u32 $0x1, s1  }
0x8c: {  	s16 =	sshll.u32 s0, $0xA;
	s2 =	sadd.s32 s3, s2  }
0x8d: {  	s2 =	sadd.s32 s2, s16  }
0x8e: {  	[smem:$0x3FB4] =	sst s2  }
0x8f: {  	_ = 	snop  }
0x90: {  	(tm) =	ssettm $0x1  }
0x91: {  	s17 =	sld [smem:$0x3FFB];
	_ =	sdelay $0x3  }
0x92: {  	_ =	strace s17  }
0x93: {  	s2 =	sld [smem:$0x3FFC];
	_ =	sdelay $0x3  }
0x94: {  	_ =	strace s2  }
0x95: {  	s2 =	sld [smem:$0x3FFD];
	_ =	sdelay $0x3  }
0x96: {  	_ =	strace s2  }
0x97: {  	_ =	strace $0x8FFFFFFF  }
0x98: {  	s18 =	sld [smem:$0x3FDB];
	_ =	sdelay $0x1  }
0x99: {  	s19 =	simm.s32 $_scs_section_size  }
0x9a: {  	s4 =	simm.s32 $_size__tile_overlayer_lowered;
	s5 =	simm.s32 $_tile_overlayer_lowered  }
0x9b: {  	s22 =	simm.s32 $0x1BFF;
	s21 =	sshll.u32 s5, $0x1;
	s2 =	sadd.s32 s19, s18  }
0x9c: {  	s6 =	simm.s32 $0x0;
	s20 =	sshll.u32 s4, $0x1;
	s4 =	sadd.s32 s21, s2  }
0x9d: {  	[timem:s6], [sflag:s22] =	dma.local [hbm:s4], s20  }
0x9e: {  	_ =	swait.ge [sflag:s22], s20  }
0x9f: {  	s3 =	ssub.s32 $0x0, s20;
	[sflag:s22] =	ssyncset.done $0x0  }
0xa0: {  	[sflag:s22] =	ssyncadd.s32 s3;
	_ =	sdelay $0x1  }
0xa1: {  	s23 =	simm.s32 $0x1B8B  }
0xa2: {  	_ =	swait.ge [sflag:s23], $0x1  }
0xa3: {  	[sflag:s23] =	ssyncset.done $0x0  }
0xa4: {  	s25 =	simm.s32 $0x1B8E;
	s24 =	sld [smem:$0x3FFE];
	[sflag:s23] =	ssyncadd.s32 $0xFFFFFFFF  }
0xa5: {  	s26 =	simm.s32 $execute0_lowered;
	[smem:$0x3FD2] =	sst s25  }
0xa6: {  	s4 =	sshll.u32 s26, $0x1;
	_ =	strace $0x80000049;
	[dreg:$0x1] =	wrdreg $0xFFFFFFFF  }
0xa7: {  	s28 =	simm.s32 $_size_execute0_lowered;
	s2 =	sadd.s32 s2, s4;
	[dreg:$0x0] =	wrdreg $0x0  }
0xa8: {  	s4 =	sshll.u32 s28, $0x1;
	[dreg:$0x2] =	wrdreg s2  }
0xa9: {  	[dreg:$0x3] =	wrdreg s4  }
0xaa: {  	[dreg:$0x4] =	wrdreg $0xC0  }
0xab: {  	_ =	task [dreg:s6], $0x5FFFF  }
0xac: {  	[dreg:$0x1] =	wrdreg $0xFFFFFFFF  }
0xad: {  	[dreg:$0x0] =	wrdreg $0x60  }
0xae: {  	[dreg:$0x2] =	wrdreg s24  }
0xaf: {  	[dreg:$0x3] =	wrdreg $0x0  }
0xb0: {  	[dreg:$0x4] =	wrdreg $0x9  }
0xb1: {  	_ =	task.clear_ibuf [dreg:s6], $0x5FFFF;
	_ =	strace $0x90000049  }
0xb2: {  	s29 =	simm.s32 $0x9;
	_ =	strace $0x8000004B  }
0xb3: {  	_ =	swait.ge [sflag:s29], $0x1  }
0xb4: {  	[sflag:s29] =	ssyncadd.s32 $0xFFFFFFFF  }
0xb5: {  	_ =	strace $0x9000004B  }
0xb6: {  	_ =	sfence  }
0xb7: {  	s30 =	sld [smem:$0x0];
	_ =	sdelay $0x2  }
0xb8: {  	s31 =	sshll.u32 s1, $0xD;
	s1 =	sshrl.u32 s1, $0x2  }
0xb9: {  	s3 =	sand.u32 $0x4000, s31;
	s1 =	sadd.s32 s1, s30  }
0xba: {  	s0 =	sor.u32 s3, s0;
	s1 =	sshll.u32 s1, $0x11  }
0xbb: {  	s0 =	sor.u32 s1, s0  }
0xbc: {  	s0 =	sadd.s32 $0x8F2B, s0  }
0xbd: {  	[sflag:s0] =	ssyncadd.remote.s32 $0x1  }
0xbe: {  	_ =	sfence.sel $0xFFFF  }
0xbf: {  	[dreg:$0x0] =	wrdreg $0xFFFFFFFF;
	(pc) =	sbr.abs _section_cstart, $3  }
0xc0: {  	[dreg:$0x1] =	wrdreg $0xFFFFFFFF  }
0xc1: {  	_ =	task.clear_ibuf [dreg:s6], $0x2FFFF;
	_ =	strace $0x9FFFFFFF  }
0xc2: {  	(tm) =	ssettm $0x7FFFFFFF  }
0xc3: {  	_ =	shalt  }
tec
execute0_lowered:
.L_overlay_start_1:
0x0: {  	(tag) =	ssettag $0x1  }
0x1: {  	s0 =	rddreg [dreg:$0x0]  }
0x2: {  	s2 =	rddreg [dreg:$0x1];
	s3 =	simm.s32 $0x0;
	s1 =	srdreg.scid  }
0x3: {  	s9 =	stileid.u32;
	s10 =	simm.s32 $0xC800;
	s29 =	simm.s32 $0x14000  }
0x4: {  	s30 =	simm.s32 $0x17000;
	s31 =	simm.s32 $0x1;
	s28 =	simm.s32 $0x3  }
0x5: {  	[smem:$0x7FF] =	sst s3;
	s1 =	sand.u32 $0x1, s1;
	s20 =	sshll.u32 s9, $0x1  }
0x6: {  	s4 =	sadd.s32 $0x3400, s0;
	s5 =	sadd.s32 $0x1C400, s0;
	s8 =	smul.u32 $0x32000, s9  }
0x7: {  	s21 =	smul.u32 $0xC800, s9;
	_ =	strace $0x8000004A;
	s3 =	sor.u32 s1, s20  }
0x8: {  	s6 =	ssub.s32 $0x2, s1;
	p0 =	seq.s32 s1, $0x1;
	s20 =	simm.s32 $0xF000  }
0x9: {  	s1 =	simm.s32 $0x4;
	s3 =	smul.u32 $0x500, s3;
	s7 =	sshrl.u32 s6, $0x1  }
0xa: {  	s23 =	sshrl.u32 s8, $0x2;
	s24 =	sshrl.u32 s21, $0x3;
	s25 =	sadd.s32 s21, s2  }
0xb: {  	s21 =	simm.s32 $0x5;
	s6 =	ssub.s32 s6, s7;
	s8 =	sadd.s32 s23, s2  }
0xc: {  	s23 =	simm.s32 $0x17800;
	s25 =	sshrl.u32 s25, $0x3;
	s3 =	sadd.s32 s3, s0  }
0xd: {  	s6 =	smax.u32 s6, $0x1;
	s26 =	sadd.s32 $0x1400, s8;
	s11 =	sadd.s32 $0x2800, s8  }
0xe: {  	s12 =	sadd.s32 $0x3C00, s8;
	s13 =	sadd.s32 $0x5000, s8;
	s14 =	sadd.s32 $0x6400, s8  }
0xf: {  	s15 =	sadd.s32 $0x7800, s8;
	s16 =	sadd.s32 $0x8C00, s8;
	s17 =	sadd.s32 $0xA000, s8  }
0x10: {  	s18 =	sadd.s32 $0xB400, s8;
	s22 =	sadd.s32 $0x53400, s3;
	[dreg:$0x5] =	wrdreg s6  }
0x11: {  	s3 =	sadd.s32 $0x49400, s3;
	[dreg:$0x6] =	wrdreg s26;
	s6 =	simm.s32 $0x21400  }
0x12: {  	s26 =	simm.s32 $0x11800;
	[dreg:$0x3] =	wrdreg s22;
	s6 =	simm.s32 @!p0 $0x5D400  }
0x13: {  	[dreg:$0x4] =	wrdreg s3;
	s3 =	simm.s32 $0x0;
	s0 =	sadd.s32 s6, s0  }
0x14: {  	v0 =	vimm.f32 $0.0e+00;
	vm0 =	vmmov $0xff;
	s19 =	sadd.s32 s0, s24;
	s24 =	simm.s32 $0x80;
	s0 =	simm.s32 $0x2  }
.LBB2_1:
0x15: {  	s6 =	simm.s32 $0x0;
	s7 =	rddreg [dreg:$0x3]  }
0x16: {  	[tilespmem:s10], [sflag:$0x5] =	stream.linear.gather [hbm4b:s7+s6], $0x2800, $0x38;
	[tilespmem:$0x18C00] =	vst v63  }
0x17: {  	_ =	swait.ge [sflag:s21], $0x2800  }
0x18: {  	[sflag:s21] =	ssyncset.done $0x0  }
0x19: {  	s22 =	rddreg [dreg:$0x4];
	[sflag:s21] =	ssyncadd.s32 $0xFFFFD800  }
0x1a: {  	[tilespmem:s20], [sflag:$0x5] =	stream.linear.gather [hbm4b:s22+s6], $0x2800, $0x38;
	[tilespmem:$0x18C00] =	vst v63  }
0x1b: {  	_ =	swait.ge [sflag:s21], $0x2800  }
0x1c: {  	[sflag:s21] =	ssyncset.done $0x0  }
0x1d: {  	s7 =	simm.s32 $0x140;
	s6 =	simm.s32 $0x0;
	[sflag:s21] =	ssyncadd.s32 $0xFFFFD800  }
.LBB2_2:
0x1e: {  	p0 =	sne.s32 s7, $0x4EC0;
	[tilespmem:s6+$0x17840] =	vst v0;
	s9 =	smov.u32 s7;
	s7 =	sadd.s32 $0x140, s7  }
.Ltmp0:
0x1f: {  	[tilespmem:s6+$0x17830] =	vst v0;
	(pc) =	sbr.rel @p0 .LBB2_2-.Ltmp0, $4  }
0x20: {  	[tilespmem:s6+$0x17820] =	vst v0  }
0x21: {  	[tilespmem:s6+$0x17800] =	vst v0  }
0x22: {  	[tilespmem:s6+$0x17810] =	vst v0  }
0x23: {  	s6 =	sshra.s32 s9, $0x2  }
0x24: {  	[tilespmem:s6+$0x17840] =	vst v0  }
0x25: {  	[tilespmem:s6+$0x17830] =	vst v0  }
0x26: {  	[tilespmem:s6+$0x17820] =	vst v0  }
0x27: {  	[tilespmem:s6+$0x17800] =	vst v0  }
0x28: {  	[tilespmem:s6+$0x17810] =	vst v0  }
0x29: {  	[spmem:s8] =	stream.linear.scatter [tilespmem:s23], [sflag:$0x5], $0x1400, $0x38;
	[tilespmem:$0x18C00] =	vst v63  }
0x2a: {  	_ =	swait.ge [sflag:s21], $0x1400  }
0x2b: {  	[sflag:s21] =	ssyncset.done $0x0  }
0x2c: {  	s9 =	rddreg [dreg:$0x6];
	[sflag:s21] =	ssyncadd.s32 $0xFFFFEC00  }
0x2d: {  	[spmem:s9] =	stream.linear.scatter [tilespmem:s23], [sflag:$0x5], $0x1400, $0x38;
	[tilespmem:$0x18C00] =	vst v63  }
0x2e: {  	_ =	swait.ge [sflag:s21], $0x1400  }
0x2f: {  	[sflag:s21] =	ssyncset.done $0x0  }
0x30: {  	[sflag:s21] =	ssyncadd.s32 $0xFFFFEC00  }
0x31: {  	[spmem:s11] =	stream.linear.scatter [tilespmem:s23], [sflag:$0x5], $0x1400, $0x38;
	[tilespmem:$0x18C00] =	vst v63  }
0x32: {  	_ =	swait.ge [sflag:s21], $0x1400  }
0x33: {  	[sflag:s21] =	ssyncset.done $0x0  }
0x34: {  	[sflag:s21] =	ssyncadd.s32 $0xFFFFEC00  }
0x35: {  	[spmem:s12] =	stream.linear.scatter [tilespmem:s23], [sflag:$0x5], $0x1400, $0x38;
	[tilespmem:$0x18C00] =	vst v63  }
0x36: {  	_ =	swait.ge [sflag:s21], $0x1400  }
0x37: {  	[sflag:s21] =	ssyncset.done $0x0  }
0x38: {  	[sflag:s21] =	ssyncadd.s32 $0xFFFFEC00  }
0x39: {  	[spmem:s13] =	stream.linear.scatter [tilespmem:s23], [sflag:$0x5], $0x1400, $0x38;
	[tilespmem:$0x18C00] =	vst v63  }
0x3a: {  	_ =	swait.ge [sflag:s21], $0x1400  }
0x3b: {  	[sflag:s21] =	ssyncset.done $0x0  }
0x3c: {  	[sflag:s21] =	ssyncadd.s32 $0xFFFFEC00  }
0x3d: {  	[spmem:s14] =	stream.linear.scatter [tilespmem:s23], [sflag:$0x5], $0x1400, $0x38;
	[tilespmem:$0x18C00] =	vst v63  }
0x3e: {  	_ =	swait.ge [sflag:s21], $0x1400  }
0x3f: {  	[sflag:s21] =	ssyncset.done $0x0  }
0x40: {  	[sflag:s21] =	ssyncadd.s32 $0xFFFFEC00  }
0x41: {  	[spmem:s15] =	stream.linear.scatter [tilespmem:s23], [sflag:$0x5], $0x1400, $0x38;
	[tilespmem:$0x18C00] =	vst v63  }
0x42: {  	_ =	swait.ge [sflag:s21], $0x1400  }
0x43: {  	[sflag:s21] =	ssyncset.done $0x0  }
0x44: {  	[sflag:s21] =	ssyncadd.s32 $0xFFFFEC00  }
0x45: {  	[spmem:s16] =	stream.linear.scatter [tilespmem:s23], [sflag:$0x5], $0x1400, $0x38;
	[tilespmem:$0x18C00] =	vst v63  }
0x46: {  	_ =	swait.ge [sflag:s21], $0x1400  }
0x47: {  	[sflag:s21] =	ssyncset.done $0x0  }
0x48: {  	[sflag:s21] =	ssyncadd.s32 $0xFFFFEC00  }
0x49: {  	[spmem:s17] =	stream.linear.scatter [tilespmem:s23], [sflag:$0x5], $0x1400, $0x38;
	[tilespmem:$0x18C00] =	vst v63  }
0x4a: {  	_ =	swait.ge [sflag:s21], $0x1400  }
0x4b: {  	[sflag:s21] =	ssyncset.done $0x0  }
0x4c: {  	[sflag:s21] =	ssyncadd.s32 $0xFFFFEC00  }
0x4d: {  	[spmem:s18] =	stream.linear.scatter [tilespmem:s23], [sflag:$0x5], $0x1400, $0x38;
	[tilespmem:$0x18C00] =	vst v63  }
0x4e: {  	_ =	swait.ge [sflag:s21], $0x1400  }
0x4f: {  	[sflag:s21] =	ssyncset.done $0x0  }
0x50: {  	[sflag:s21] =	ssyncadd.s32 $0xFFFFEC00  }
0x51: {  	[bflag:$0x0] =	sbarrier.arrive $0xFFFF  }
0x52: {  	[tilespmem:s26], [sflag:$0x1] =	stream.indirect.gather [hbm4b:s4+s24], $0x50, s10, s24, $0xb8;
	[tilespmem:$0x18C00] =	vst v63  }
0x53: {  	s22 =	simm.s32 $0x16800  }
0x54: {  	[tilespmem:s22], [sflag:$0x2] =	stream.indirect.gather [hbm4b:s5+s24], $0x10, s20, s24, $0xb8;
	[tilespmem:$0x18C00] =	vst v63  }
0x55: {  	s20 =	simm.s32 $0x0  }
.LBB2_4:
0x56: {  	s6 =	sshllo.u32 s20, $0x1  }
0x57: {  	s6 =	sshll.u32 s6, $0x7  }
0x58: {  	s7 =	sadd.s32 $0xC800, s6  }
0x59: {  	[tilespmem:s29], [sflag:$0x3] =	stream.indirect.gather [hbm4b:s4+s24], $0x50, s7, s24, $0xb8;
	[tilespmem:$0x18C00] =	vst v63  }
0x5a: {  	s22 =	sadd.s32 $0xF000, s6  }
0x5b: {  	[tilespmem:s30], [sflag:$0x4] =	stream.indirect.gather [hbm4b:s5+s24], $0x10, s22, s24, $0xb8;
	[tilespmem:$0x18C00] =	vst v63  }
0x5c: {  	_ =	swait.ge [sflag:s31], $0x2800  }
0x5d: {  	[sflag:s31] =	ssyncset.done $0x0  }
0x5e: {  	[sflag:s31] =	ssyncadd.s32 $0xFFFFD800  }
0x5f: {  	_ =	swait.ge [sflag:s0], $0x800  }
0x60: {  	[sflag:s0] =	ssyncset.done $0x0  }
0x61: {  	s7 =	simm.s32 $0x11940;
	[sflag:s0] =	ssyncadd.s32 $0xFFFFF800  }
0x62: {  	s22 =	simm.s32 $0x16840;
	v1 =	vld [tilespmem:s7+$0x130]  }
0x63: {  	v2 =	vld [tilespmem:s22+$0x30]  }
0x64: {  	v3 =	vld [tilespmem:s22+$0xFFFFFFC0]  }
0x65: {  	v4 =	vld [tilespmem:s7+$0xFFFFFF50]  }
0x66: {  	v5 =	vld [tilespmem:s22+$0xFFFFFFD0]  }
0x67: {  	v6 =	vld [tilespmem:s7+$0xFFFFFFA0]  }
0x68: {  	v7 =	vld [tilespmem:s22+$0xFFFFFFE0]  }
0x69: {  	v8 =	vld [tilespmem:s22+$0xFFFFFFF0];
	v1 =	vadd.f32 v2, v1  }
0x6a: {  	v10 =	vld [tilespmem:s7+$0x40]  }
0x6b: {  	v2 =	vld [tilespmem:s7+$0xFFFFFFF0];
	v4 =	vadd.f32 v5, v4;
	v9 =	vmul.f32 $2.000000030e-01, v1  }
0x6c: {  	v11 =	vld [tilespmem:s22+$0x0];
	vm1 =	vlt.f32 v1, $0.0e+00  }
0x6d: {  	v5 =	vld [tilespmem:s7+$0x90];
	v12 =	vmul.f32 $2.000000030e-01, v4;
	v1 =	vsel vm1, v9, v1  }
0x6e: {  	v9 =	vld [tilespmem:s22+$0x10];
	vm1 =	vlt.f32 v4, $0.0e+00;
	v1 =	vmul.f32 $1.442695020e+00, v1  }
0x6f: {  	v6 =	vadd.f32 v7, v6;
	v7 =	vld [tilespmem:s7+$0xE0];
	v4 =	vsel vm1, v12, v4  }
0x70: {  	v12 =	vld [tilespmem:s7+$0xFFFFFF00];
	v4 =	vmul.f32 $1.442695020e+00, v4;
	(erf) = vpow2.f32 v1;
	v1 =	vadd.f32 v8, v2  }
0x71: {  	v10 =	vadd.f32 v11, v10;
	v2 =	vld [tilespmem:s22+$0x20];
	v8 =	vmul.f32 $2.000000030e-01, v6  }
0x72: {  	vm1 =	vlt.f32 v6, $0.0e+00;
	(erf) = vpow2.f32 v4;
	vm2 =	vlt.f32 v1, $0.0e+00  }
0x73: {  	v11 =	vmul.f32 $2.000000030e-01, v1;
	v6 =	vsel vm1, v8, v6;
	v5 =	vadd.f32 v9, v5  }
0x74: {  	vm1 =	vlt.f32 v10, $0.0e+00;
	v8 =	vmul.f32 $2.000000030e-01, v10;
	v4 =	vmul.f32 $1.442695020e+00, v6  }
0x75: {  	v3 =	vadd.f32 v3, v12;
	v1 =	vsel vm2, v11, v1;
	v6 =	vmul.f32 $2.000000030e-01, v5  }
0x76: {  	vm2 =	vlt.f32 v5, $0.0e+00;
	v2 =	vadd.f32 v2, v7;
	v1 =	vmul.f32 $1.442695020e+00, v1  }
0x77: {  	v7 =	vsel vm1, v8, v10;
	v9 =	vmul.f32 $2.000000030e-01, v3;
	(erf) = vpow2.f32 v4  }
0x78: {  	v5 =	vsel vm2, v6, v5;
	vm2 =	vlt.f32 v3, $0.0e+00;
	v7 =	vmul.f32 $1.442695020e+00, v7  }
0x79: {  	v6 =	vmul.f32 $2.000000030e-01, v2;
	v3 =	vsel vm2, v9, v3;
	v5 =	vmul.f32 $1.442695020e+00, v5  }
0x7a: {  	vm1 =	vlt.f32 v2, $0.0e+00;
	(erf) = vpow2.f32 v1;
	v3 =	vmul.f32 $1.442695020e+00, v3;
	v21 =	vpop (erf)  }
0x7b: {  	v2 =	vsel vm1, v6, v2;
	v10 =	vbroadcast v21, $0x6;
	v11 =	vbroadcast v21, $0x7  }
0x7c: {  	v8 =	vld [tilespmem:s7+$0x120];
	v2 =	vmul.f32 $1.442695020e+00, v2;
	(erf) = vpow2.f32 v3  }
0x7d: {  	v20 =	vpop (erf);
	v1 =	vbroadcast v21, $0x0;
	v31 =	vbroadcast v21, $0x2  }
0x7e: {  	v3 =	vbroadcast v20, $0x0;
	(erf) = vpow2.f32 v7  }
0x7f: {  	v6 =	vbroadcast v20, $0x4;
	v7 =	vbroadcast v20, $0x5  }
0x80: {  	v4 =	vsel vm0, v10, v11;
	(erf) = vpow2.f32 v5;
	v5 =	vbroadcast v20, $0x2  }
0x81: {  	v18 =	vmul.f32 v8, v4;
	v4 =	vbroadcast v20, $0x1  }
0x82: {  	(erf) = vpow2.f32 v2;
	v2 =	vbroadcast v20, $0x3  }
0x83: {  	v25 =	vpop (erf);
	v22 =	vsel vm0, v3, v4;
	v3 =	vbroadcast v20, $0x6;
	v4 =	vbroadcast v20, $0x7  }
0x84: {  	v27 =	vld [tilespmem:s7+$0xFFFFFEC0];
	v24 =	vsel vm0, v5, v2;
	v2 =	vbroadcast v21, $0x1;
	v5 =	vbroadcast v25, $0x0  }
0x85: {  	v28 =	vld [tilespmem:s7+$0xFFFFFED0];
	v26 =	vsel vm0, v6, v7;
	v6 =	vbroadcast v25, $0x1;
	v12 =	vbroadcast v25, $0x4  }
0x86: {  	v30 =	vld [tilespmem:s7+$0xFFFFFEE0];
	v13 =	vbroadcast v25, $0x5;
	v29 =	vpop (erf);
	v11 =	vsel vm0, v3, v4;
	v3 =	vbroadcast v25, $0x2  }
0x87: {  	v32 =	vld [tilespmem:s7+$0xFFFFFEF0];
	v4 =	vbroadcast v25, $0x3;
	v14 =	vbroadcast v29, $0x0  }
0x88: {  	v34 =	vld [tilespmem:s7+$0xFFFFFF10];
	v16 =	vbroadcast v29, $0x1;
	v35 =	vsel vm0, v12, v13;
	v12 =	vbroadcast v29, $0x2  }
0x89: {  	v0 =	vld [tilespmem:s7+$0xFFFFFF20];
	v13 =	vbroadcast v29, $0x3;
	v19 =	vbroadcast v29, $0x4  }
0x8a: {  	v50 =	vld [tilespmem:s7+$0xFFFFFF40];
	v23 =	vbroadcast v29, $0x5;
	v33 =	vpop (erf);
	v38 =	vsel vm0, v14, v16;
	v14 =	vbroadcast v29, $0x6  }
0x8b: {  	[tilespmem:s7+$0x120] =	vst v18;
	v18 =	vld [tilespmem:s7+$0x30];
	v16 =	vbroadcast v29, $0x7;
	v7 =	vbroadcast v33, $0x0  }
0x8c: {  	[tilespmem:s7+$0xFFFFFF50] =	vst v20;
	v20 =	vld [tilespmem:s7+$0x70];
	v15 =	vsel vm0, v5, v6;
	v8 =	vbroadcast v33, $0x1;
	v5 =	vbroadcast v33, $0x2  }
0x8d: {  	v37 =	vsel vm0, v1, v2;
	v1 =	vld [tilespmem:s7+$0xFFFFFF30];
	v6 =	vbroadcast v33, $0x3;
	v9 =	vbroadcast v33, $0x4;
	v58 =	vpop (erf)  }
0x8e: {  	v17 =	vsel vm0, v3, v4;
	v3 =	vld [tilespmem:s7+$0xFFFFFF60];
	v10 =	vbroadcast v33, $0x5;
	v43 =	vbroadcast v58, $0x0  }
0x8f: {  	v4 =	vld [tilespmem:s7+$0xFFFFFF70];
	v41 =	vsel vm0, v19, v23;
	v44 =	vbroadcast v58, $0x1;
	v19 =	vbroadcast v58, $0x2  }
0x90: {  	v39 =	vsel vm0, v12, v13;
	v12 =	vld [tilespmem:s7+$0x0];
	v23 =	vbroadcast v58, $0x3;
	v45 =	vbroadcast v58, $0x4  }
0x91: {  	v13 =	vld [tilespmem:s7+$0x10];
	v42 =	vsel vm0, v14, v16;
	v46 =	vbroadcast v58, $0x5;
	v47 =	vbroadcast v58, $0x6  }
0x92: {  	[tilespmem:s7+$0xFFFFFFF0] =	vst v29;
	v29 =	vld [tilespmem:s7+$0xC0];
	v49 =	vbroadcast v58, $0x7;
	v40 =	vsel vm0, v7, v8;
	v7 =	vbroadcast v33, $0x6  }
0x93: {  	v48 =	vpop (erf);
	v14 =	vld [tilespmem:s7+$0x20];
	v8 =	vbroadcast v33, $0x7;
	v54 =	vsel vm0, v9, v10;
	v9 =	vbroadcast v25, $0x6  }
0x94: {  	v16 =	vld [tilespmem:s7+$0x50];
	v10 =	vbroadcast v25, $0x7;
	v51 =	vbroadcast v48, $0x1  }
0x95: {  	v53 =	vsel vm0, v5, v6;
	v5 =	vld [tilespmem:s7+$0xFFFFFF80];
	v52 =	vbroadcast v48, $0x2;
	v55 =	vbroadcast v48, $0x3  }
0x96: {  	v6 =	vld [tilespmem:s7+$0xFFFFFF90];
	v57 =	vbroadcast v48, $0x5;
	v60 =	vbroadcast v48, $0x7;
	v43 =	vsel vm0, v43, v44  }
0x97: {  	[tilespmem:s7+$0xFFFFFFA0] =	vst v25;
	v59 =	vpop (erf);
	v25 =	vld [tilespmem:s7+$0xA0];
	v44 =	vsel vm0, v19, v23;
	v23 =	vbroadcast v48, $0x0;
	v45 =	vsel vm0, v45, v46  }
0x98: {  	[tilespmem:s7+$0xFFFFFF00] =	vst v33;
	v33 =	vld [tilespmem:s7+$0xF0];
	v46 =	vsel vm0, v47, v49;
	v49 =	vbroadcast v48, $0x4;
	v61 =	vbroadcast v59, $0x3  }
0x99: {  	v19 =	vld [tilespmem:s7+$0x60];
	v62 =	vmul.f32 v53, v28;
	v28 =	vbroadcast v59, $0x5;
	v56 =	vsel vm0, v7, v8  }
0x9a: {  	v7 =	vld [tilespmem:s7+$0xFFFFFFB0];
	v36 =	vsel vm0, v9, v10;
	v47 =	vsel vm0, v23, v51;
	v51 =	vbroadcast v48, $0x6  }
0x9b: {  	[tilespmem:s7+$0x90] =	vst v48;
	v8 =	vld [tilespmem:s7+$0xFFFFFFC0];
	v48 =	vsel vm0, v52, v55;
	v52 =	vbroadcast v59, $0x0;
	v55 =	vbroadcast v59, $0x1  }
0x9c: {  	[tilespmem:s7+$0x40] =	vst v58;
	v9 =	vld [tilespmem:s7+$0xFFFFFFD0];
	v49 =	vsel vm0, v49, v57;
	v57 =	vbroadcast v59, $0x2;
	v58 =	vmul.f32 v32, v56  }
0x9d: {  	v10 =	vld [tilespmem:s7+$0xFFFFFFE0];
	v51 =	vsel vm0, v51, v60;
	v60 =	vmul.f32 v40, v27;
	v40 =	vbroadcast v59, $0x4  }
0x9e: {  	[tilespmem:s7+$0xE0] =	vst v59;
	v23 =	vld [tilespmem:s7+$0x80];
	v53 =	vsel vm0, v57, v61;
	v61 =	vbroadcast v59, $0x6;
	v59 =	vbroadcast v59, $0x7  }
0x9f: {  	v32 =	vld [tilespmem:s7+$0x100];
	v52 =	vsel vm0, v52, v55;
	v55 =	vsel vm0, v40, v28;
	v28 =	vbroadcast v21, $0x3  }
0xa0: {  	[tilespmem:s7+$0x130] =	vst v21;
	v63 =	vbroadcast v21, $0x5;
	v27 =	vld [tilespmem:s7+$0xB0];
	v40 =	vsel vm0, v61, v59;
	v61 =	vbroadcast v21, $0x4  }
0xa1: {  	[tilespmem:s7+$0xFFFFFED0] =	vst v62;
	v57 =	vmul.f32 v54, v30;
	v30 =	vld [tilespmem:s7+$0xD0];
	v21 =	vsel vm0, v31, v28;
	v28 =	vmul.f32 v22, v34  }
0xa2: {  	s9 =	simm.s32 $0x0;
	s10 =	simm.s32 $0x11BC0;
	[tilespmem:s7+$0xFFFFFEC0] =	vst v60;
	v22 =	vsel vm0, v61, v63;
	v34 =	vmul.f32 v24, v0;
	v24 =	vmul.f32 v26, v1;
	v31 =	vld [tilespmem:s7+$0x110]  }
.LBB2_5:
0xa3: {  	[tilespmem:s7+$0xFFFFFEE0] =	vst v57  }
0xa4: {  	v26 =	vld [tilespmem:s10+$0x130];
	s22 =	sadd.s32 $0x80, s22;
	[tilespmem:s7+$0xFFFFFEF0] =	vst v58;
	v2 =	vmul.f32 v50, v11  }
0xa5: {  	[tilespmem:s7+$0xFFFFFF10] =	vst v28;
	v3 =	vmul.f32 v15, v3;
	v11 =	vld [tilespmem:s22+$0x30];
	v4 =	vmul.f32 v17, v4  }
0xa6: {  	v5 =	vmul.f32 v35, v5;
	v6 =	vmul.f32 v6, v36;
	v17 =	vld [tilespmem:s10+$0xFFFFFF50];
	[tilespmem:s7+$0xFFFFFF20] =	vst v34  }
0xa7: {  	v7 =	vmul.f32 v38, v7;
	v8 =	vmul.f32 v39, v8;
	v28 =	vld [tilespmem:s22+$0xFFFFFFD0];
	[tilespmem:s7+$0xFFFFFF30] =	vst v24  }
0xa8: {  	v9 =	vmul.f32 v41, v9;
	v10 =	vmul.f32 v10, v42;
	[tilespmem:s7+$0xFFFFFF40] =	vst v2  }
0xa9: {  	v2 =	vmul.f32 v44, v13;
	v13 =	vmul.f32 v45, v14;
	v14 =	vld [tilespmem:s22+$0xFFFFFFE0];
	[tilespmem:s7+$0xFFFFFF60] =	vst v3  }
0xaa: {  	v12 =	vmul.f32 v43, v12;
	v16 =	vmul.f32 v47, v16;
	v24 =	vld [tilespmem:s10+$0xFFFFFFA0];
	[tilespmem:s7+$0xFFFFFF70] =	vst v4  }
0xab: {  	v15 =	vld [tilespmem:s22+$0xFFFFFFC0];
	v1 =	vmul.f32 v37, v33;
	v3 =	vmul.f32 v18, v46;
	[tilespmem:s7+$0xFFFFFF80] =	vst v5  }
0xac: {  	v18 =	vld [tilespmem:s10+$0xFFFFFFF0];
	v4 =	vmul.f32 v48, v19;
	v19 =	vmul.f32 v49, v20;
	[tilespmem:s7+$0xFFFFFF90] =	vst v6;
	v11 =	vadd.f32 v11, v26  }
0xad: {  	v20 =	vld [tilespmem:s22+$0xFFFFFFF0];
	v5 =	vmul.f32 v23, v51;
	v6 =	vmul.f32 v52, v25;
	[tilespmem:s7+$0xFFFFFFB0] =	vst v7  }
0xae: {  	v23 =	vld [tilespmem:s10+$0x40];
	v7 =	vmul.f32 v53, v27;
	[tilespmem:s7+$0xFFFFFFC0] =	vst v8;
	v26 =	vmul.f32 $2.000000030e-01, v11  }
0xaf: {  	v25 =	vld [tilespmem:s22+$0x0];
	v27 =	vmul.f32 v55, v29;
	[tilespmem:s7+$0xFFFFFFD0] =	vst v9;
	v17 =	vadd.f32 v28, v17;
	vm1 =	vlt.f32 v11, $0.0e+00  }
0xb0: {  	v8 =	vld [tilespmem:s22+$0x10];
	v9 =	vmul.f32 v30, v40;
	[tilespmem:s7+$0x0] =	vst v12;
	v12 =	vmul.f32 v21, v32;
	v11 =	vsel vm1, v26, v11  }
0xb1: {  	v14 =	vadd.f32 v14, v24;
	v24 =	vld [tilespmem:s10+$0x90];
	v26 =	vmul.f32 $2.000000030e-01, v17;
	v11 =	vmul.f32 $1.442695020e+00, v11  }
0xb2: {  	[tilespmem:s7+$0x20] =	vst v13;
	v13 =	vmul.f32 v22, v31;
	v18 =	vadd.f32 v20, v18;
	v20 =	vld [tilespmem:s10+$0xE0];
	vm1 =	vlt.f32 v17, $0.0e+00  }
0xb3: {  	[tilespmem:s7+$0xFFFFFFE0] =	vst v10;
	v28 =	vmul.f32 $2.000000030e-01, v14;
	v10 =	vsel vm1, v26, v17;
	v17 =	vld [tilespmem:s10+$0xFFFFFF00];
	(erf) = vpow2.f32 v11  }
0xb4: {  	v23 =	vadd.f32 v25, v23;
	vm2 =	vlt.f32 v18, $0.0e+00;
	vm1 =	vlt.f32 v14, $0.0e+00;
	v11 =	vld [tilespmem:s22+$0x20]  }
0xb5: {  	[tilespmem:s7+$0x10] =	vst v2;
	v26 =	vmul.f32 $2.000000030e-01, v18;
	v2 =	vmul.f32 $1.442695020e+00, v10;
	v10 =	vsel vm1, v28, v14  }
0xb6: {  	vm1 =	vlt.f32 v23, $0.0e+00;
	v14 =	vmul.f32 $2.000000030e-01, v23;
	v8 =	vadd.f32 v8, v24  }
0xb7: {  	[tilespmem:s7+$0x30] =	vst v3;
	v10 =	vmul.f32 $1.442695020e+00, v10;
	v3 =	vsel vm2, v26, v18;
	(erf) = vpow2.f32 v2  }
0xb8: {  	[tilespmem:s7+$0x60] =	vst v4;
	vm2 =	vlt.f32 v8, $0.0e+00;
	v2 =	vmul.f32 $2.000000030e-01, v8;
	v4 =	vadd.f32 v15, v17  }
0xb9: {  	[tilespmem:s7+$0x50] =	vst v16;
	v15 =	vmul.f32 $1.442695020e+00, v3;
	v3 =	vsel vm1, v14, v23;
	v11 =	vadd.f32 v11, v20  }
0xba: {  	[tilespmem:s7+$0x80] =	vst v5;
	v8 =	vsel vm2, v2, v8;
	v16 =	vmul.f32 $1.442695020e+00, v3;
	v5 =	vmul.f32 $2.000000030e-01, v4  }
0xbb: {  	v14 =	vld [tilespmem:s10+$0x120];
	v8 =	vmul.f32 $1.442695020e+00, v8;
	vm2 =	vlt.f32 v4, $0.0e+00;
	v2 =	vmul.f32 $2.000000030e-01, v11  }
0xbc: {  	vm1 =	vlt.f32 v11, $0.0e+00;
	v4 =	vsel vm2, v5, v4;
	v40 =	vpop (erf);
	(erf) = vpow2.f32 v10  }
0xbd: {  	[tilespmem:s7+$0xA0] =	vst v6;
	v3 =	vsel vm1, v2, v11;
	v6 =	vbroadcast v40, $0x6;
	v11 =	vbroadcast v40, $0x7  }
0xbe: {  	[tilespmem:s7+$0xB0] =	vst v7;
	v7 =	vmul.f32 $1.442695020e+00, v4;
	v17 =	vmul.f32 $1.442695020e+00, v3  }
0xbf: {  	[tilespmem:s7+$0xF0] =	vst v1;
	(erf) = vpow2.f32 v15;
	v1 =	vbroadcast v40, $0x0;
	v5 =	vsel vm0, v6, v11  }
0xc0: {  	[tilespmem:s7+$0xD0] =	vst v9;
	(erf) = vpow2.f32 v7;
	v9 =	vmul.f32 v14, v5  }
0xc1: {  	[tilespmem:s7+$0x100] =	vst v12;
	v57 =	vbroadcast v40, $0x2;
	v11 =	vpop (erf);
	(erf) = vpow2.f32 v16  }
0xc2: {  	v10 =	vbroadcast v11, $0x0;
	[tilespmem:s10+$0x120] =	vst v9;
	v9 =	vbroadcast v11, $0x1  }
0xc3: {  	(erf) = vpow2.f32 v8;
	v12 =	vbroadcast v11, $0x2  }
0xc4: {  	[tilespmem:s7+$0xC0] =	vst v27;
	v14 =	vbroadcast v11, $0x4;
	v15 =	vbroadcast v11, $0x5  }
0xc5: {  	[tilespmem:s10+$0xFFFFFF50] =	vst v11;
	v16 =	vbroadcast v11, $0x6;
	(erf) = vpow2.f32 v17  }
0xc6: {  	v0 =	vld [tilespmem:s10+$0xFFFFFED0];
	[tilespmem:s7+$0x110] =	vst v13;
	v13 =	vbroadcast v11, $0x3;
	v11 =	vbroadcast v11, $0x7;
	v27 =	vpop (erf)  }
0xc7: {  	v17 =	vbroadcast v40, $0x1;
	v56 =	vsel vm0, v14, v15;
	v15 =	vbroadcast v27, $0x0  }
0xc8: {  	[tilespmem:s7+$0x70] =	vst v19;
	v11 =	vsel vm0, v16, v11;
	v16 =	vbroadcast v27, $0x1;
	v19 =	vbroadcast v27, $0x2  }
0xc9: {  	v31 =	vpop (erf);
	v20 =	vbroadcast v27, $0x3;
	v42 =	vbroadcast v27, $0x5  }
0xca: {  	v21 =	vld [tilespmem:s10+$0xFFFFFEC0];
	v43 =	vbroadcast v27, $0x7;
	v44 =	vbroadcast v31, $0x0  }
0xcb: {  	[tilespmem:$0x1FFE0] =	vst v0;
	v0 =	vld [tilespmem:s10+$0xFFFFFEF0];
	v46 =	vbroadcast v31, $0x1;
	v47 =	vbroadcast v31, $0x2  }
0xcc: {  	v34 =	vld [tilespmem:s10+$0xFFFFFF20];
	v24 =	vsel vm0, v10, v9;
	v48 =	vbroadcast v31, $0x3;
	v51 =	vbroadcast v31, $0x4  }
0xcd: {  	v50 =	vld [tilespmem:s10+$0xFFFFFF40];
	v54 =	vsel vm0, v12, v13;
	v23 =	vpop (erf);
	v52 =	vbroadcast v31, $0x5;
	v53 =	vbroadcast v31, $0x6  }
0xce: {  	v22 =	vld [tilespmem:s10+$0xFFFFFEE0];
	v2 =	vsel vm0, v1, v17;
	v63 =	vbroadcast v31, $0x7;
	v25 =	vbroadcast v23, $0x0  }
0xcf: {  	v28 =	vld [tilespmem:s10+$0xFFFFFF10];
	v29 =	vbroadcast v23, $0x1;
	v15 =	vsel vm0, v15, v16;
	v30 =	vbroadcast v23, $0x2  }
0xd0: {  	v26 =	vld [tilespmem:s10+$0xFFFFFF30];
	v39 =	vbroadcast v23, $0x3;
	v41 =	vbroadcast v23, $0x7;
	v38 =	vsel vm0, v44, v46  }
0xd1: {  	v18 =	vld [tilespmem:s10+$0x30];
	v59 =	vsel vm0, v25, v29;
	v25 =	vbroadcast v23, $0x4;
	v29 =	vbroadcast v23, $0x5  }
0xd2: {  	v4 =	vld [tilespmem:s10+$0xFFFFFF70];
	v45 =	vpop (erf);
	v60 =	vsel vm0, v30, v39;
	v30 =	vbroadcast v23, $0x6;
	v39 =	vsel vm0, v47, v48  }
0xd3: {  	v3 =	vld [tilespmem:s10+$0xFFFFFF60];
	v37 =	vbroadcast v45, $0x0;
	v61 =	vsel vm0, v25, v29;
	v29 =	vbroadcast v27, $0x4  }
0xd4: {  	v7 =	vld [tilespmem:s10+$0xFFFFFFB0];
	v46 =	vbroadcast v45, $0x4;
	v62 =	vsel vm0, v30, v41;
	v30 =	vbroadcast v27, $0x6  }
0xd5: {  	v6 =	vld [tilespmem:s10+$0xFFFFFF90];
	v41 =	vsel vm0, v51, v52;
	v52 =	vbroadcast v45, $0x1;
	v35 =	vsel vm0, v29, v42  }
0xd6: {  	v5 =	vld [tilespmem:s10+$0xFFFFFF80];
	v42 =	vsel vm0, v53, v63;
	v53 =	vbroadcast v45, $0x2;
	v63 =	vbroadcast v45, $0x3  }
0xd7: {  	v8 =	vld [tilespmem:s10+$0xFFFFFFC0];
	v36 =	vsel vm0, v30, v43;
	v43 =	vsel vm0, v37, v52;
	v37 =	vbroadcast v45, $0x5  }
0xd8: {  	v9 =	vld [tilespmem:s10+$0xFFFFFFD0];
	v49 =	vpop (erf);
	v48 =	vbroadcast v45, $0x6;
	v44 =	vsel vm0, v53, v63;
	v63 =	vbroadcast v45, $0x7  }
0xd9: {  	v10 =	vld [tilespmem:s10+$0xFFFFFFE0];
	[tilespmem:s10+$0x40] =	vst v45;
	v47 =	vbroadcast v49, $0x0;
	v45 =	vsel vm0, v46, v37;
	v37 =	vbroadcast v49, $0x1  }
0xda: {  	v14 =	vld [tilespmem:s10+$0x20];
	v46 =	vsel vm0, v48, v63;
	v48 =	vbroadcast v49, $0x2;
	v63 =	vbroadcast v49, $0x3  }
0xdb: {  	v33 =	vld [tilespmem:s10+$0xF0];
	v52 =	vbroadcast v49, $0x4;
	v47 =	vsel vm0, v47, v37;
	v37 =	vbroadcast v49, $0x5  }
0xdc: {  	v32 =	vld [tilespmem:s10+$0x100];
	v55 =	vpop (erf);
	v51 =	vbroadcast v49, $0x6;
	v48 =	vsel vm0, v48, v63;
	v63 =	vbroadcast v49, $0x7  }
0xdd: {  	v12 =	vld [tilespmem:s10+$0x0];
	[tilespmem:s10+$0x90] =	vst v49;
	v49 =	vsel vm0, v52, v37;
	v52 =	vbroadcast v55, $0x0;
	v37 =	vbroadcast v55, $0x1  }
0xde: {  	[tilespmem:$0x1FFF0] =	vst v0;
	v13 =	vld [tilespmem:s10+$0x10];
	v0 =	vbroadcast v55, $0x3;
	v51 =	vsel vm0, v51, v63;
	v63 =	vbroadcast v55, $0x2  }
0xdf: {  	[tilespmem:s10+$0xFFFFFFF0] =	vst v31;
	v31 =	vld [tilespmem:s10+$0x110];
	v1 =	vbroadcast v55, $0x4;
	v52 =	vsel vm0, v52, v37;
	v37 =	vbroadcast v55, $0x5  }
0xe0: {  	v16 =	vld [tilespmem:s10+$0x50];
	v53 =	vsel vm0, v63, v0;
	v0 =	vbroadcast v55, $0x6;
	v63 =	vbroadcast v55, $0x7  }
0xe1: {  	v58 =	vbroadcast v40, $0x3;
	v17 =	vsel vm0, v19, v20;
	v19 =	vld [tilespmem:s10+$0x60];
	[tilespmem:s10+$0xE0] =	vst v55;
	v55 =	vsel vm0, v1, v37  }
0xe2: {  	[tilespmem:s10+$0x130] =	vst v40;
	v1 =	vbroadcast v40, $0x4;
	v37 =	vbroadcast v40, $0x5;
	v40 =	vsel vm0, v0, v63;
	v0 =	vld [tilespmem:$0x1FFE0]  }
0xe3: {  	s9 =	sadd.s32 $0x8, s9;
	v20 =	vld [tilespmem:s10+$0x70];
	v59 =	vmul.f32 v59, v21  }
0xe4: {  	p0 =	slt.u32 s9, $0x78;
	v21 =	vsel vm0, v57, v58;
	v57 =	vmul.f32 v61, v22;
	v22 =	vsel vm0, v1, v37;
	v1 =	vld [tilespmem:$0x1FFF0]  }
.Ltmp1:
0xe5: {  	[tilespmem:s10+$0xFFFFFF00] =	vst v23;
	v23 =	vld [tilespmem:s10+$0x80];
	(pc) =	sbr.rel @p0 .LBB2_5-.Ltmp1, $4  }
0xe6: {  	v25 =	vld [tilespmem:s10+$0xA0]  }
0xe7: {  	[tilespmem:s10+$0xFFFFFFA0] =	vst v27;
	v27 =	vld [tilespmem:s10+$0xB0];
	v0 =	vmul.f32 v60, v0  }
0xe8: {  	s7 =	smov.u32 s10;
	v28 =	vmul.f32 v24, v28;
	v24 =	vmul.f32 v56, v26;
	[tilespmem:s10+$0xFFFFFEC0] =	vst v59;
	v29 =	vld [tilespmem:s10+$0xC0]  }
0xe9: {  	v34 =	vmul.f32 v54, v34;
	v30 =	vld [tilespmem:s10+$0xD0];
	s10 =	sadd.s32 $0x280, s10;
	v37 =	vmov v2;
	v58 =	vmul.f32 v1, v62;
	[tilespmem:s7+$0xFFFFFED0] =	vst v0  }
0xea: {  	[tilespmem:s7+$0xFFFFFEE0] =	vst v57  }
0xeb: {  	[tilespmem:s7+$0xFFFFFF10] =	vst v28  }
0xec: {  	[tilespmem:s7+$0xFFFFFF30] =	vst v24  }
0xed: {  	v0 =	vmul.f32 v50, v11;
	[tilespmem:s7+$0xFFFFFEF0] =	vst v58  }
0xee: {  	v1 =	vmul.f32 v15, v3;
	[tilespmem:s7+$0xFFFFFF20] =	vst v34  }
0xef: {  	v2 =	vmul.f32 v17, v4;
	[tilespmem:s7+$0xFFFFFF40] =	vst v0  }
0xf0: {  	v0 =	vmul.f32 v35, v5;
	[tilespmem:s7+$0xFFFFFF60] =	vst v1  }
0xf1: {  	v1 =	vmul.f32 v6, v36;
	[tilespmem:s7+$0xFFFFFF70] =	vst v2  }
0xf2: {  	v2 =	vmul.f32 v38, v7;
	[tilespmem:s7+$0xFFFFFF80] =	vst v0  }
0xf3: {  	v0 =	vmul.f32 v39, v8;
	[tilespmem:s7+$0xFFFFFF90] =	vst v1  }
0xf4: {  	v1 =	vmul.f32 v41, v9;
	[tilespmem:s7+$0xFFFFFFB0] =	vst v2  }
0xf5: {  	v2 =	vmul.f32 v10, v42;
	[tilespmem:s7+$0xFFFFFFC0] =	vst v0  }
0xf6: {  	v0 =	vmul.f32 v43, v12;
	[tilespmem:s7+$0xFFFFFFD0] =	vst v1  }
0xf7: {  	v1 =	vmul.f32 v44, v13;
	[tilespmem:s7+$0xFFFFFFE0] =	vst v2  }
0xf8: {  	v2 =	vmul.f32 v45, v14;
	[tilespmem:s7+$0x0] =	vst v0  }
0xf9: {  	v0 =	vmul.f32 v18, v46;
	[tilespmem:s7+$0x10] =	vst v1  }
0xfa: {  	v1 =	vmul.f32 v47, v16;
	[tilespmem:s7+$0x20] =	vst v2  }
0xfb: {  	v2 =	vmul.f32 v48, v19;
	[tilespmem:s7+$0x30] =	vst v0  }
0xfc: {  	v0 =	vmul.f32 v49, v20;
	[tilespmem:s7+$0x50] =	vst v1  }
0xfd: {  	v1 =	vmul.f32 v23, v51;
	[tilespmem:s7+$0x60] =	vst v2  }
0xfe: {  	v2 =	vmul.f32 v52, v25;
	[tilespmem:s7+$0x70] =	vst v0  }
0xff: {  	v0 =	vmul.f32 v53, v27;
	[tilespmem:s7+$0x80] =	vst v1  }
0x100: {  	v1 =	vmul.f32 v55, v29;
	[tilespmem:s7+$0xA0] =	vst v2  }
0x101: {  	v2 =	vmul.f32 v30, v40;
	[tilespmem:s7+$0xB0] =	vst v0  }
0x102: {  	v0 =	vmul.f32 v37, v33;
	[tilespmem:s7+$0xC0] =	vst v1  }
0x103: {  	v1 =	vmul.f32 v21, v32;
	[tilespmem:s7+$0xD0] =	vst v2  }
0x104: {  	s9 =	sshll.u32 s20, $0x8;
	v2 =	vmul.f32 v22, v31;
	[tilespmem:s7+$0xF0] =	vst v0  }
0x105: {  	s9 =	sand.u32 $0x3FFFFF00, s9;
	[tilespmem:s7+$0x100] =	vst v1  }
0x106: {  	s22 =	sadd.s32 $0xF000, s9;
	[tilespmem:s7+$0x110] =	vst v2  }
0x107: {  	[spmem:s2] =	stream.indirect.scatter.add.f32 [tilespmem:s26], [sflag:$0x5], $0x50, s22, s24, $0xb8;
	[tilespmem:$0x18C00] =	vst v63  }
0x108: {  	p0 =	seq.s32 s20, $0x27;
	_ =	swait.ge [sflag:s21], $0x2800  }
0x109: {  	s10 =	simm.s32 @!p0 $0x80;
	s7 =	sshll.u32 @!p0 s20, $0x8;
	[sflag:s21] =	ssyncset.done $0x0  }
0x10a: {  	s9 =	sadd.s32 @!p0 $0xC900, s7;
	s22 =	simm.s32 @!p0 $0x11800;
	[sflag:s21] =	ssyncadd.s32 $0xFFFFD800  }
0x10b: {  	[tilespmem:s22], [sflag:$0x1] =	stream.indirect.gather @!p0 [hbm4b:s4+s10], $0x50, s9, s10, $0xb8;
	[tilespmem:$0x18C00] =	vst v63  }
0x10c: {  	s7 =	sadd.s32 @!p0 $0xF100, s7;
	s9 =	simm.s32 @!p0 $0x16800  }
0x10d: {  	[tilespmem:s9], [sflag:$0x2] =	stream.indirect.gather @!p0 [hbm4b:s5+s10], $0x10, s7, s10, $0xb8;
	[tilespmem:$0x18C00] =	vst v63  }
0x10e: {  	_ =	swait.ge [sflag:s28], $0x2800  }
0x10f: {  	[sflag:s28] =	ssyncset.done $0x0  }
0x110: {  	[sflag:s28] =	ssyncadd.s32 $0xFFFFD800  }
0x111: {  	_ =	swait.ge [sflag:s1], $0x800  }
0x112: {  	[sflag:s1] =	ssyncset.done $0x0  }
0x113: {  	s7 =	simm.s32 $0x14140;
	[sflag:s1] =	ssyncadd.s32 $0xFFFFF800  }
0x114: {  	s22 =	simm.s32 $0x17040;
	v0 =	vld [tilespmem:s7+$0x130]  }
0x115: {  	v1 =	vld [tilespmem:s22+$0x30]  }
0x116: {  	v2 =	vld [tilespmem:s22+$0xFFFFFFC0]  }
0x117: {  	v3 =	vld [tilespmem:s7+$0xFFFFFF50]  }
0x118: {  	v4 =	vld [tilespmem:s22+$0xFFFFFFD0]  }
0x119: {  	v5 =	vld [tilespmem:s7+$0xFFFFFFA0]  }
0x11a: {  	v6 =	vld [tilespmem:s22+$0xFFFFFFE0]  }
0x11b: {  	v7 =	vld [tilespmem:s22+$0xFFFFFFF0]  }
0x11c: {  	v9 =	vld [tilespmem:s7+$0x40];
	v0 =	vadd.f32 v1, v0  }
0x11d: {  	v10 =	vld [tilespmem:s22+$0x0];
	v3 =	vadd.f32 v4, v3  }
0x11e: {  	v1 =	vld [tilespmem:s7+$0xFFFFFFF0];
	v8 =	vmul.f32 $2.000000030e-01, v0  }
0x11f: {  	v4 =	vld [tilespmem:s7+$0x90];
	vm1 =	vlt.f32 v0, $0.0e+00;
	v11 =	vmul.f32 $2.000000030e-01, v3  }
0x120: {  	v5 =	vadd.f32 v6, v5;
	v6 =	vld [tilespmem:s7+$0xE0];
	v0 =	vsel vm1, v8, v0;
	vm1 =	vlt.f32 v3, $0.0e+00  }
0x121: {  	v8 =	vld [tilespmem:s22+$0x10];
	v0 =	vmul.f32 $1.442695020e+00, v0;
	v3 =	vsel vm1, v11, v3  }
0x122: {  	v11 =	vld [tilespmem:s7+$0xFFFFFF00];
	v3 =	vmul.f32 $1.442695020e+00, v3  }
0x123: {  	(erf) = vpow2.f32 v0;
	v0 =	vadd.f32 v7, v1;
	v1 =	vld [tilespmem:s22+$0x20];
	v7 =	vmul.f32 $2.000000030e-01, v5  }
0x124: {  	v9 =	vadd.f32 v10, v9;
	vm1 =	vlt.f32 v5, $0.0e+00;
	(erf) = vpow2.f32 v3  }
0x125: {  	vm2 =	vlt.f32 v0, $0.0e+00;
	v10 =	vmul.f32 $2.000000030e-01, v0;
	v5 =	vsel vm1, v7, v5  }
0x126: {  	v4 =	vadd.f32 v8, v4;
	vm1 =	vlt.f32 v9, $0.0e+00;
	v7 =	vmul.f32 $2.000000030e-01, v9  }
0x127: {  	v3 =	vmul.f32 $1.442695020e+00, v5;
	v2 =	vadd.f32 v2, v11;
	v0 =	vsel vm2, v10, v0  }
0x128: {  	v5 =	vmul.f32 $2.000000030e-01, v4;
	vm2 =	vlt.f32 v4, $0.0e+00;
	v1 =	vadd.f32 v1, v6  }
0x129: {  	v0 =	vmul.f32 $1.442695020e+00, v0;
	v6 =	vsel vm1, v7, v9;
	v8 =	vmul.f32 $2.000000030e-01, v2  }
0x12a: {  	(erf) = vpow2.f32 v3;
	v4 =	vsel vm2, v5, v4;
	vm2 =	vlt.f32 v2, $0.0e+00  }
0x12b: {  	v6 =	vmul.f32 $1.442695020e+00, v6;
	vm1 =	vlt.f32 v1, $0.0e+00;
	v5 =	vmul.f32 $2.000000030e-01, v1  }
0x12c: {  	v2 =	vsel vm2, v8, v2;
	v4 =	vmul.f32 $1.442695020e+00, v4;
	(erf) = vpow2.f32 v0;
	v21 =	vpop (erf)  }
0x12d: {  	v2 =	vmul.f32 $1.442695020e+00, v2;
	v1 =	vsel vm1, v5, v1;
	v9 =	vbroadcast v21, $0x6  }
0x12e: {  	v7 =	vld [tilespmem:s7+$0x120];
	v10 =	vbroadcast v21, $0x7;
	v1 =	vmul.f32 $1.442695020e+00, v1  }
0x12f: {  	(erf) = vpow2.f32 v2;
	v2 =	vbroadcast v21, $0x0  }
0x130: {  	v20 =	vpop (erf);
	v31 =	vbroadcast v21, $0x2;
	(erf) = vpow2.f32 v6  }
0x131: {  	v5 =	vbroadcast v20, $0x1;
	v6 =	vbroadcast v20, $0x4  }
0x132: {  	v3 =	vsel vm0, v9, v10;
	(erf) = vpow2.f32 v4;
	v4 =	vbroadcast v20, $0x2  }
0x133: {  	v0 =	vmul.f32 v7, v3;
	v3 =	vbroadcast v20, $0x0  }
0x134: {  	(erf) = vpow2.f32 v1;
	v1 =	vbroadcast v20, $0x3  }
0x135: {  	v7 =	vbroadcast v20, $0x5;
	v22 =	vsel vm0, v3, v5;
	v3 =	vbroadcast v20, $0x6  }
0x136: {  	v25 =	vpop (erf);
	v5 =	vbroadcast v20, $0x7;
	v24 =	vsel vm0, v4, v1;
	v1 =	vbroadcast v21, $0x1  }
0x137: {  	v27 =	vld [tilespmem:s7+$0xFFFFFEC0];
	v62 =	vsel vm0, v6, v7;
	v4 =	vbroadcast v25, $0x0;
	v6 =	vbroadcast v25, $0x1  }
0x138: {  	v28 =	vld [tilespmem:s7+$0xFFFFFED0];
	v10 =	vbroadcast v25, $0x4;
	v12 =	vbroadcast v25, $0x5  }
0x139: {  	v30 =	vld [tilespmem:s7+$0xFFFFFEE0];
	v13 =	vbroadcast v25, $0x7;
	v29 =	vpop (erf);
	v11 =	vsel vm0, v3, v5;
	v3 =	vbroadcast v25, $0x2  }
0x13a: {  	v32 =	vld [tilespmem:s7+$0xFFFFFEF0];
	v5 =	vbroadcast v25, $0x3;
	v14 =	vbroadcast v29, $0x0  }
0x13b: {  	v34 =	vld [tilespmem:s7+$0xFFFFFF10];
	v16 =	vbroadcast v29, $0x1;
	v35 =	vsel vm0, v10, v12;
	v10 =	vbroadcast v29, $0x2  }
0x13c: {  	v50 =	vld [tilespmem:s7+$0xFFFFFF30];
	v12 =	vbroadcast v29, $0x3;
	v18 =	vbroadcast v29, $0x5  }
0x13d: {  	v26 =	vld [tilespmem:s7+$0xFFFFFF40];
	v33 =	vpop (erf);
	v38 =	vsel vm0, v14, v16;
	v14 =	vbroadcast v29, $0x6;
	v16 =	vbroadcast v29, $0x7  }
0x13e: {  	[tilespmem:s7+$0xFFFFFF50] =	vst v20;
	v20 =	vld [tilespmem:s7+$0x70];
	v37 =	vsel vm0, v2, v1;
	v7 =	vbroadcast v33, $0x0;
	v8 =	vbroadcast v33, $0x1  }
0x13f: {  	v1 =	vld [tilespmem:s7+$0xFFFFFF20];
	v15 =	vsel vm0, v4, v6;
	v4 =	vbroadcast v33, $0x2;
	v6 =	vbroadcast v33, $0x3  }
0x140: {  	v17 =	vsel vm0, v3, v5;
	v3 =	vld [tilespmem:s7+$0xFFFFFF60];
	v5 =	vbroadcast v33, $0x4;
	v9 =	vbroadcast v33, $0x5;
	v58 =	vpop (erf)  }
0x141: {  	v39 =	vsel vm0, v10, v12;
	v10 =	vld [tilespmem:s7+$0xFFFFFFE0];
	v19 =	vbroadcast v58, $0x0;
	v23 =	vbroadcast v58, $0x1  }
0x142: {  	v12 =	vld [tilespmem:s7+$0x0];
	v52 =	vbroadcast v58, $0x3;
	v55 =	vbroadcast v58, $0x4  }
0x143: {  	v42 =	vsel vm0, v14, v16;
	v57 =	vbroadcast v58, $0x5;
	v59 =	vbroadcast v58, $0x7;
	v14 =	vld [tilespmem:s7+$0x20]  }
0x144: {  	v16 =	vld [tilespmem:s7+$0x50];
	v40 =	vsel vm0, v7, v8;
	v7 =	vbroadcast v33, $0x6;
	v8 =	vbroadcast v33, $0x7  }
0x145: {  	v63 =	vpop (erf);
	v53 =	vsel vm0, v4, v6;
	v4 =	vld [tilespmem:s7+$0xFFFFFF70];
	v54 =	vsel vm0, v5, v9;
	v9 =	vbroadcast v25, $0x6  }
0x146: {  	v5 =	vld [tilespmem:s7+$0xFFFFFF80];
	v60 =	vbroadcast v63, $0x0;
	v61 =	vbroadcast v63, $0x1  }
0x147: {  	[tilespmem:s7+$0x120] =	vst v0;
	v6 =	vld [tilespmem:s7+$0xFFFFFF90];
	v0 =	vbroadcast v63, $0x4;
	v51 =	vbroadcast v63, $0x6;
	v43 =	vsel vm0, v19, v23  }
0x148: {  	[tilespmem:s7+$0xFFFFFFA0] =	vst v25;
	v25 =	vld [tilespmem:s7+$0xA0];
	v23 =	vbroadcast v58, $0x6;
	v45 =	vsel vm0, v55, v57;
	v55 =	vbroadcast v63, $0x3  }
0x149: {  	[tilespmem:s7+$0xFFFFFF00] =	vst v33;
	v33 =	vld [tilespmem:s7+$0xF0];
	v57 =	vbroadcast v63, $0x5;
	v56 =	vsel vm0, v7, v8;
	v36 =	vsel vm0, v9, v13  }
0x14a: {  	v19 =	vld [tilespmem:s7+$0x60];
	v13 =	vbroadcast v29, $0x4;
	v47 =	vsel vm0, v60, v61;
	v60 =	vbroadcast v63, $0x7  }
0x14b: {  	v7 =	vld [tilespmem:s7+$0xFFFFFFB0];
	v61 =	vmul.f32 v53, v28;
	v46 =	vsel vm0, v23, v59;
	v59 =	vpop (erf);
	v49 =	vsel vm0, v0, v57  }
0x14c: {  	v8 =	vld [tilespmem:s7+$0xFFFFFFC0];
	v41 =	vsel vm0, v13, v18;
	v18 =	vbroadcast v58, $0x2;
	v0 =	vbroadcast v59, $0x2  }
0x14d: {  	v9 =	vld [tilespmem:s7+$0xFFFFFFD0];
	v57 =	vbroadcast v59, $0x3;
	v51 =	vsel vm0, v51, v60;
	v60 =	vmul.f32 v40, v27  }
0x14e: {  	[tilespmem:s7+$0xFFFFFFF0] =	vst v29;
	v29 =	vld [tilespmem:s7+$0xC0];
	v40 =	vbroadcast v59, $0x4;
	v44 =	vsel vm0, v18, v52;
	v52 =	vbroadcast v63, $0x2  }
0x14f: {  	[tilespmem:s7+$0x40] =	vst v58;
	v23 =	vld [tilespmem:s7+$0x80];
	v28 =	vbroadcast v59, $0x5;
	v58 =	vmul.f32 v32, v56  }
0x150: {  	v13 =	vld [tilespmem:s7+$0x10];
	v48 =	vsel vm0, v52, v55;
	v52 =	vbroadcast v59, $0x0;
	v55 =	vbroadcast v59, $0x1  }
0x151: {  	[tilespmem:s7+$0xE0] =	vst v59;
	v27 =	vld [tilespmem:s7+$0xB0];
	v53 =	vsel vm0, v0, v57;
	v0 =	vbroadcast v59, $0x6;
	v59 =	vbroadcast v59, $0x7  }
0x152: {  	[tilespmem:s7+$0x130] =	vst v21;
	v32 =	vld [tilespmem:s7+$0x100];
	v52 =	vsel vm0, v52, v55;
	v55 =	vsel vm0, v40, v28;
	v28 =	vbroadcast v21, $0x3  }
0x153: {  	[tilespmem:s7+$0x90] =	vst v63;
	v18 =	vld [tilespmem:s7+$0x30];
	v63 =	vbroadcast v21, $0x5;
	v40 =	vsel vm0, v0, v59;
	v0 =	vbroadcast v21, $0x4  }
0x154: {  	[tilespmem:s7+$0xFFFFFED0] =	vst v61;
	v57 =	vmul.f32 v54, v30;
	v30 =	vld [tilespmem:s7+$0xD0];
	v21 =	vsel vm0, v31, v28;
	v28 =	vmul.f32 v22, v34  }
0x155: {  	s9 =	simm.s32 $0x0;
	s10 =	simm.s32 $0x143C0;
	[tilespmem:s7+$0xFFFFFEC0] =	vst v60;
	v22 =	vsel vm0, v0, v63;
	v34 =	vmul.f32 v24, v1;
	v24 =	vmul.f32 v62, v50;
	v31 =	vld [tilespmem:s7+$0x110]  }
.LBB2_7:
0x156: {  	v0 =	vld [tilespmem:s10+$0x130];
	[tilespmem:s7+$0xFFFFFEE0] =	vst v57;
	s22 =	sadd.s32 $0x80, s22  }
0x157: {  	[tilespmem:s7+$0xFFFFFEF0] =	vst v58;
	v2 =	vmul.f32 v26, v11;
	v11 =	vld [tilespmem:s22+$0x30]  }
0x158: {  	[tilespmem:s7+$0xFFFFFF10] =	vst v28;
	v3 =	vmul.f32 v15, v3;
	v4 =	vmul.f32 v17, v4;
	v15 =	vld [tilespmem:s22+$0xFFFFFFC0]  }
0x159: {  	v5 =	vmul.f32 v35, v5;
	v6 =	vmul.f32 v6, v36;
	v17 =	vld [tilespmem:s10+$0xFFFFFF50];
	[tilespmem:s7+$0xFFFFFF20] =	vst v34  }
0x15a: {  	v7 =	vmul.f32 v38, v7;
	v8 =	vmul.f32 v39, v8;
	v26 =	vld [tilespmem:s22+$0xFFFFFFD0];
	[tilespmem:s7+$0xFFFFFF30] =	vst v24  }
0x15b: {  	v10 =	vmul.f32 v10, v42;
	v12 =	vmul.f32 v43, v12;
	v24 =	vld [tilespmem:s10+$0xFFFFFFA0];
	[tilespmem:s7+$0xFFFFFF40] =	vst v2  }
0x15c: {  	v2 =	vmul.f32 v44, v13;
	v13 =	vmul.f32 v45, v14;
	v14 =	vld [tilespmem:s22+$0xFFFFFFE0];
	[tilespmem:s7+$0xFFFFFF60] =	vst v3  }
0x15d: {  	v3 =	vmul.f32 v18, v46;
	[tilespmem:s7+$0xFFFFFF70] =	vst v4;
	v4 =	vmul.f32 v48, v19;
	v19 =	vld [tilespmem:s22+$0xFFFFFFF0];
	v0 =	vadd.f32 v11, v0  }
0x15e: {  	v18 =	vmul.f32 v49, v20;
	[tilespmem:s7+$0xFFFFFF80] =	vst v5;
	v11 =	vmul.f32 v47, v16;
	v16 =	vld [tilespmem:s10+$0xFFFFFFF0]  }
0x15f: {  	v5 =	vmul.f32 v23, v51;
	v23 =	vld [tilespmem:s10+$0x40];
	[tilespmem:s7+$0xFFFFFF90] =	vst v6;
	v20 =	vmul.f32 $2.000000030e-01, v0  }
0x160: {  	v6 =	vmul.f32 v52, v25;
	v25 =	vld [tilespmem:s22+$0x0];
	[tilespmem:s7+$0xFFFFFFB0] =	vst v7;
	v17 =	vadd.f32 v26, v17;
	vm1 =	vlt.f32 v0, $0.0e+00  }
0x161: {  	v7 =	vmul.f32 v53, v27;
	[tilespmem:s7+$0xFFFFFFC0] =	vst v8;
	v8 =	vld [tilespmem:s22+$0x10];
	v14 =	vadd.f32 v14, v24;
	v0 =	vsel vm1, v20, v0  }
0x162: {  	[tilespmem:s7+$0xFFFFFFE0] =	vst v10;
	v10 =	vld [tilespmem:s22+$0x20];
	v26 =	vmul.f32 $2.000000030e-01, v17;
	v0 =	vmul.f32 $1.442695020e+00, v0  }
0x163: {  	v24 =	vld [tilespmem:s10+$0x90];
	vm1 =	vlt.f32 v17, $0.0e+00;
	v27 =	vmul.f32 $2.000000030e-01, v14;
	v16 =	vadd.f32 v19, v16  }
0x164: {  	v19 =	vld [tilespmem:s10+$0xE0];
	(erf) = vpow2.f32 v0;
	v0 =	vsel vm1, v26, v17;
	vm1 =	vlt.f32 v14, $0.0e+00  }
0x165: {  	v9 =	vmul.f32 v41, v9;
	[tilespmem:s7+$0x10] =	vst v2;
	v0 =	vmul.f32 $1.442695020e+00, v0;
	v2 =	vsel vm1, v27, v14;
	v14 =	vld [tilespmem:s10+$0xFFFFFED0]  }
0x166: {  	v1 =	vmul.f32 v37, v33;
	[tilespmem:s7+$0x0] =	vst v12;
	v12 =	vmul.f32 v21, v32;
	v17 =	vld [tilespmem:s10+$0xFFFFFF00]  }
0x167: {  	[tilespmem:s7+$0x20] =	vst v13;
	v13 =	vmul.f32 v22, v31;
	(erf) = vpow2.f32 v0;
	v0 =	vld [tilespmem:s10+$0xFFFFFEF0]  }
0x168: {  	[tilespmem:s7+$0xFFFFFFD0] =	vst v9;
	v9 =	vmul.f32 v30, v40;
	v23 =	vadd.f32 v25, v23;
	v20 =	vmul.f32 v55, v29  }
0x169: {  	[tilespmem:s7+$0x30] =	vst v3;
	vm2 =	vlt.f32 v16, $0.0e+00;
	v26 =	vmul.f32 $2.000000030e-01, v16;
	v8 =	vadd.f32 v8, v24  }
0x16a: {  	vm1 =	vlt.f32 v23, $0.0e+00;
	v25 =	vmul.f32 $1.442695020e+00, v2;
	[tilespmem:$0x1FFC0] =	vst v14;
	v14 =	vmul.f32 $2.000000030e-01, v23  }
0x16b: {  	[tilespmem:s7+$0x60] =	vst v4;
	v2 =	vsel vm2, v26, v16;
	v3 =	vadd.f32 v10, v19;
	v4 =	vadd.f32 v15, v17  }
0x16c: {  	v10 =	vmul.f32 $1.442695020e+00, v2;
	[tilespmem:$0x1FFD0] =	vst v0;
	v0 =	vmul.f32 $2.000000030e-01, v8;
	v2 =	vsel vm1, v14, v23  }
0x16d: {  	[tilespmem:s7+$0x80] =	vst v5;
	vm2 =	vlt.f32 v8, $0.0e+00;
	v5 =	vmul.f32 $2.000000030e-01, v4;
	v14 =	vmul.f32 $1.442695020e+00, v2  }
0x16e: {  	[tilespmem:s7+$0xA0] =	vst v6;
	v40 =	vpop (erf);
	(erf) = vpow2.f32 v25;
	v0 =	vsel vm2, v0, v8;
	v8 =	vmul.f32 $2.000000030e-01, v3  }
0x16f: {  	[tilespmem:s7+$0x50] =	vst v11;
	v11 =	vld [tilespmem:s10+$0x120];
	vm1 =	vlt.f32 v3, $0.0e+00;
	v6 =	vbroadcast v40, $0x6;
	(erf) = vpow2.f32 v10  }
0x170: {  	[tilespmem:s7+$0xF0] =	vst v1;
	vm2 =	vlt.f32 v4, $0.0e+00;
	v1 =	vbroadcast v40, $0x0;
	v16 =	vbroadcast v40, $0x1  }
0x171: {  	v4 =	vsel vm2, v5, v4;
	v3 =	vsel vm1, v8, v3;
	v8 =	vbroadcast v40, $0x7  }
0x172: {  	[tilespmem:s7+$0xB0] =	vst v7;
	v57 =	vbroadcast v40, $0x2;
	v7 =	vmul.f32 $1.442695020e+00, v4  }
0x173: {  	v0 =	vmul.f32 $1.442695020e+00, v0;
	v15 =	vmul.f32 $1.442695020e+00, v3;
	v5 =	vsel vm0, v6, v8  }
0x174: {  	(erf) = vpow2.f32 v7;
	v8 =	vmul.f32 v11, v5;
	v11 =	vpop (erf)  }
0x175: {  	[tilespmem:s7+$0xD0] =	vst v9;
	(erf) = vpow2.f32 v14;
	v9 =	vbroadcast v11, $0x0  }
0x176: {  	v10 =	vbroadcast v11, $0x1;
	(erf) = vpow2.f32 v0  }
0x177: {  	[tilespmem:s7+$0x100] =	vst v12;
	v0 =	vbroadcast v11, $0x2;
	v12 =	vbroadcast v11, $0x3  }
0x178: {  	v14 =	vbroadcast v11, $0x5;
	[tilespmem:s10+$0x120] =	vst v8;
	(erf) = vpow2.f32 v15  }
0x179: {  	v15 =	vbroadcast v11, $0x6;
	[tilespmem:s7+$0x110] =	vst v13;
	v13 =	vbroadcast v11, $0x4;
	v27 =	vpop (erf)  }
0x17a: {  	v54 =	vsel vm0, v0, v12;
	v0 =	vbroadcast v11, $0x7;
	v29 =	vbroadcast v27, $0x0  }
0x17b: {  	v17 =	vbroadcast v27, $0x2;
	v19 =	vbroadcast v27, $0x3  }
0x17c: {  	v42 =	vbroadcast v27, $0x4;
	v43 =	vbroadcast v27, $0x5  }
0x17d: {  	[tilespmem:s10+$0xFFFFFF50] =	vst v11;
	v31 =	vpop (erf);
	v44 =	vbroadcast v27, $0x7;
	v11 =	vsel vm0, v15, v0;
	v15 =	vbroadcast v27, $0x1  }
0x17e: {  	v21 =	vld [tilespmem:s10+$0xFFFFFEC0];
	v45 =	vbroadcast v31, $0x0;
	v46 =	vbroadcast v31, $0x1  }
0x17f: {  	v28 =	vld [tilespmem:s10+$0xFFFFFF10];
	v2 =	vsel vm0, v1, v16;
	v47 =	vbroadcast v31, $0x2;
	v48 =	vbroadcast v31, $0x3  }
0x180: {  	v34 =	vld [tilespmem:s10+$0xFFFFFF20];
	v50 =	vsel vm0, v9, v10;
	v51 =	vbroadcast v31, $0x4;
	v52 =	vbroadcast v31, $0x5  }
0x181: {  	v22 =	vld [tilespmem:s10+$0xFFFFFEE0];
	[tilespmem:s7+$0x70] =	vst v18;
	v56 =	vsel vm0, v13, v14;
	v53 =	vbroadcast v31, $0x6;
	v63 =	vbroadcast v31, $0x7;
	v23 =	vpop (erf)  }
0x182: {  	v18 =	vld [tilespmem:s10+$0x30];
	[tilespmem:s7+$0xC0] =	vst v20;
	v35 =	vsel vm0, v42, v43;
	v15 =	vsel vm0, v29, v15;
	v20 =	vbroadcast v23, $0x0  }
0x183: {  	v24 =	vld [tilespmem:s10+$0xFFFFFF30];
	v38 =	vsel vm0, v45, v46;
	v25 =	vbroadcast v23, $0x1;
	v29 =	vbroadcast v23, $0x2  }
0x184: {  	v26 =	vld [tilespmem:s10+$0xFFFFFF40];
	v39 =	vsel vm0, v47, v48;
	v0 =	vpop (erf);
	v30 =	vbroadcast v23, $0x3;
	v41 =	vbroadcast v23, $0x5  }
0x185: {  	v4 =	vld [tilespmem:s10+$0xFFFFFF70];
	v42 =	vsel vm0, v53, v63;
	v37 =	vbroadcast v0, $0x0;
	v48 =	vbroadcast v0, $0x1  }
0x186: {  	v16 =	vld [tilespmem:s10+$0x50];
	v53 =	vbroadcast v0, $0x4;
	v63 =	vbroadcast v0, $0x5;
	v59 =	vsel vm0, v20, v25  }
0x187: {  	v3 =	vld [tilespmem:s10+$0xFFFFFF60];
	v49 =	vpop (erf);
	v25 =	vbroadcast v23, $0x4;
	v60 =	vsel vm0, v29, v30;
	v29 =	vbroadcast v23, $0x6  }
0x188: {  	v6 =	vld [tilespmem:s10+$0xFFFFFF90];
	v30 =	vbroadcast v23, $0x7;
	v47 =	vbroadcast v49, $0x0;
	v43 =	vsel vm0, v37, v48  }
0x189: {  	v7 =	vld [tilespmem:s10+$0xFFFFFFB0];
	v37 =	vbroadcast v0, $0x6;
	v45 =	vsel vm0, v53, v63;
	v63 =	vbroadcast v49, $0x1  }
0x18a: {  	v5 =	vld [tilespmem:s10+$0xFFFFFF80];
	v61 =	vsel vm0, v25, v41;
	v41 =	vsel vm0, v51, v52;
	v51 =	vbroadcast v0, $0x2  }
0x18b: {  	v8 =	vld [tilespmem:s10+$0xFFFFFFC0];
	[tilespmem:s10+$0x40] =	vst v0;
	v62 =	vsel vm0, v29, v30;
	v52 =	vbroadcast v0, $0x3;
	v0 =	vbroadcast v0, $0x7  }
0x18c: {  	v9 =	vld [tilespmem:s10+$0xFFFFFFD0];
	v30 =	vbroadcast v27, $0x6;
	v47 =	vsel vm0, v47, v63;
	v63 =	vbroadcast v49, $0x5  }
0x18d: {  	v10 =	vld [tilespmem:s10+$0xFFFFFFE0];
	v46 =	vsel vm0, v37, v0;
	v0 =	vbroadcast v49, $0x2;
	v37 =	vbroadcast v49, $0x3  }
0x18e: {  	v12 =	vld [tilespmem:s10+$0x0];
	v36 =	vsel vm0, v30, v44;
	v44 =	vsel vm0, v51, v52;
	v51 =	vbroadcast v49, $0x4  }
0x18f: {  	v33 =	vld [tilespmem:s10+$0xF0];
	v55 =	vpop (erf);
	v48 =	vsel vm0, v0, v37;
	v0 =	vbroadcast v49, $0x6;
	v37 =	vbroadcast v49, $0x7  }
0x190: {  	v32 =	vld [tilespmem:s10+$0x100];
	[tilespmem:s10+$0x90] =	vst v49;
	v52 =	vbroadcast v55, $0x0;
	v49 =	vsel vm0, v51, v63;
	v63 =	vbroadcast v55, $0x1  }
0x191: {  	v13 =	vld [tilespmem:s10+$0x10];
	v51 =	vsel vm0, v0, v37;
	v0 =	vbroadcast v55, $0x2;
	v37 =	vbroadcast v55, $0x3  }
0x192: {  	v14 =	vld [tilespmem:s10+$0x20];
	v1 =	vbroadcast v55, $0x5;
	v52 =	vsel vm0, v52, v63;
	v63 =	vbroadcast v55, $0x4  }
0x193: {  	[tilespmem:s10+$0xFFFFFFF0] =	vst v31;
	v31 =	vld [tilespmem:s10+$0x110];
	v53 =	vsel vm0, v0, v37;
	v0 =	vbroadcast v55, $0x6;
	v37 =	vbroadcast v55, $0x7  }
0x194: {  	v58 =	vbroadcast v40, $0x3;
	v17 =	vsel vm0, v17, v19;
	v19 =	vld [tilespmem:s10+$0x60];
	[tilespmem:s10+$0xE0] =	vst v55;
	v55 =	vsel vm0, v63, v1  }
0x195: {  	[tilespmem:s10+$0x130] =	vst v40;
	v1 =	vbroadcast v40, $0x4;
	v63 =	vbroadcast v40, $0x5;
	v40 =	vsel vm0, v0, v37;
	v0 =	vld [tilespmem:$0x1FFC0]  }
0x196: {  	s9 =	sadd.s32 $0x8, s9;
	v20 =	vld [tilespmem:s10+$0x70];
	v59 =	vmul.f32 v59, v21  }
0x197: {  	p0 =	slt.u32 s9, $0x78;
	v21 =	vsel vm0, v57, v58;
	v57 =	vmul.f32 v61, v22;
	v22 =	vsel vm0, v1, v63;
	v1 =	vld [tilespmem:$0x1FFD0]  }
.Ltmp2:
0x198: {  	[tilespmem:s10+$0xFFFFFF00] =	vst v23;
	v23 =	vld [tilespmem:s10+$0x80];
	(pc) =	sbr.rel @p0 .LBB2_7-.Ltmp2, $4  }
0x199: {  	v25 =	vld [tilespmem:s10+$0xA0]  }
0x19a: {  	[tilespmem:s10+$0xFFFFFFA0] =	vst v27;
	v27 =	vld [tilespmem:s10+$0xB0];
	v0 =	vmul.f32 v60, v0  }
0x19b: {  	s7 =	smov.u32 s10;
	v28 =	vmul.f32 v50, v28;
	v34 =	vmul.f32 v54, v34;
	v29 =	vld [tilespmem:s10+$0xC0];
	[tilespmem:s10+$0xFFFFFEC0] =	vst v59  }
0x19c: {  	v24 =	vmul.f32 v56, v24;
	v30 =	vld [tilespmem:s10+$0xD0];
	s10 =	sadd.s32 $0x280, s10;
	v37 =	vmov v2;
	v58 =	vmul.f32 v1, v62;
	[tilespmem:s7+$0xFFFFFED0] =	vst v0  }
0x19d: {  	[tilespmem:s7+$0xFFFFFEE0] =	vst v57  }
0x19e: {  	[tilespmem:s7+$0xFFFFFF10] =	vst v28  }
0x19f: {  	[tilespmem:s7+$0xFFFFFF20] =	vst v34  }
0x1a0: {  	v0 =	vmul.f32 v26, v11;
	[tilespmem:s7+$0xFFFFFEF0] =	vst v58  }
0x1a1: {  	v1 =	vmul.f32 v15, v3;
	[tilespmem:s7+$0xFFFFFF30] =	vst v24  }
0x1a2: {  	v2 =	vmul.f32 v17, v4;
	[tilespmem:s7+$0xFFFFFF40] =	vst v0  }
0x1a3: {  	v35 =	vmul.f32 v35, v5;
	[tilespmem:s7+$0xFFFFFF60] =	vst v1  }
0x1a4: {  	v36 =	vmul.f32 v6, v36;
	[tilespmem:s7+$0xFFFFFF70] =	vst v2  }
0x1a5: {  	v38 =	vmul.f32 v38, v7;
	[tilespmem:s7+$0xFFFFFF80] =	vst v35  }
0x1a6: {  	v39 =	vmul.f32 v39, v8;
	[tilespmem:s7+$0xFFFFFF90] =	vst v36  }
0x1a7: {  	v41 =	vmul.f32 v41, v9;
	[tilespmem:s7+$0xFFFFFFB0] =	vst v38  }
0x1a8: {  	v42 =	vmul.f32 v10, v42;
	[tilespmem:s7+$0xFFFFFFC0] =	vst v39  }
0x1a9: {  	v43 =	vmul.f32 v43, v12;
	[tilespmem:s7+$0xFFFFFFD0] =	vst v41  }
0x1aa: {  	v44 =	vmul.f32 v44, v13;
	[tilespmem:s7+$0xFFFFFFE0] =	vst v42  }
0x1ab: {  	v45 =	vmul.f32 v45, v14;
	[tilespmem:s7+$0x0] =	vst v43  }
0x1ac: {  	v46 =	vmul.f32 v18, v46;
	[tilespmem:s7+$0x10] =	vst v44  }
0x1ad: {  	v47 =	vmul.f32 v47, v16;
	[tilespmem:s7+$0x20] =	vst v45  }
0x1ae: {  	v50 =	vmul.f32 v48, v19;
	[tilespmem:s7+$0x30] =	vst v46  }
0x1af: {  	v54 =	vmul.f32 v49, v20;
	[tilespmem:s7+$0x50] =	vst v47  }
0x1b0: {  	v56 =	vmul.f32 v23, v51;
	[tilespmem:s7+$0x60] =	vst v50  }
0x1b1: {  	v61 =	vmul.f32 v37, v33;
	[tilespmem:s7+$0x70] =	vst v54  }
0x1b2: {  	v62 =	vmul.f32 v21, v32;
	[tilespmem:s7+$0x80] =	vst v56  }
0x1b3: {  	v63 =	vmul.f32 v22, v31;
	[tilespmem:s7+$0xF0] =	vst v61  }
0x1b4: {  	v57 =	vmul.f32 v52, v25;
	[tilespmem:s7+$0x100] =	vst v62  }
0x1b5: {  	v58 =	vmul.f32 v53, v27;
	[tilespmem:s7+$0x110] =	vst v63  }
0x1b6: {  	v59 =	vmul.f32 v55, v29;
	[tilespmem:s7+$0xA0] =	vst v57  }
0x1b7: {  	s20 =	sadd.s32 $0x1, s20;
	v60 =	vmul.f32 v30, v40;
	[tilespmem:s7+$0xB0] =	vst v58  }
0x1b8: {  	s6 =	sand.u32 $0x3FFFFF80, s6;
	p0 =	sne.s32 s20, $0x28;
	[tilespmem:s7+$0xC0] =	vst v59  }
.Ltmp3:
0x1b9: {  	s6 =	sadd.s32 $0xF000, s6;
	[tilespmem:s7+$0xD0] =	vst v60;
	(pc) =	sbr.rel @p0 .LBB2_4-.Ltmp3, $4  }
0x1ba: {  	[spmem:s2] =	stream.indirect.scatter.add.f32 [tilespmem:s29], [sflag:$0x5], $0x50, s6, s24, $0xb8;
	[tilespmem:$0x18C00] =	vst v63  }
0x1bb: {  	_ =	swait.ge [sflag:s21], $0x2800  }
0x1bc: {  	[sflag:s21] =	ssyncset.done $0x0  }
0x1bd: {  	[sflag:s21] =	ssyncadd.s32 $0xFFFFD800  }
0x1be: {  	s6 =	stileid.u32  }
0x1bf: {  	s6 =	sshll.u32 s6, $0x6  }
0x1c0: {  	[bflag:$0x0] =	sbarrier.arrive $0xFFFF;
	s6 =	sor.u32 $0x1C05, s6  }
0x1c1: {  	[hbm:s19], [sflag:s6] =	dma.local [spmem:s25], $0x1900  }
0x1c2: {  	_ =	swait.ge [sflag:s21], $0x1900  }
0x1c3: {  	s3 =	sadd.s32 $0x1, s3;
	s22 =	rddreg [dreg:$0x5]  }
0x1c4: {  	p0 =	sne.s32 s3, s22  }
.Ltmp4:
0x1c5: {  	_ = 	snop;
	(pc) =	sbr.rel @p0 .LBB2_1-.Ltmp4, $3  }
0x1c6: {  	_ =	sdelay $0x1  }
0x1c7: {  	[sflag:s21] =	ssyncset.done $0x0  }
0x1c8: {  	s10 =	simm.s32 $0xC800;
	s20 =	simm.s32 $0xF000;
	v0 =	vimm.f32 $0.0e+00;
	[sflag:s21] =	ssyncadd.s32 $0xFFFFE700  }
0x1c9: {  	_ =	sfence.sel $0x180000  }
0x1ca: {  	[bflag:$0x0] =	sbarrier.arrive $0xFFFF  }
0x1cb: {  	_ =	strace $0x9000004A  }
0x1cc: {  	s0 =	stileid.u32;
	[bflag:$0x2] =	sbarrier.arrive $0xFFFF  }
0x1cd: {  	p0 =	sne.s32 s0, $0x0;
	s0 =	rddreg [dreg:$0x2]  }
0x1ce: {  	s0 =	sadd.s32 @!p0 $0x100000, s0  }
0x1cf: {  	[sflag:s0] =	ssyncadd.tile.s32 @!p0 $0x1;
	_ =	shalt  }
.Lfunc_end2:
_tile_overlayer_lowered:
.L_overlay_start_2:
0x1d0: {  	(tag) =	ssettag $0x2  }
0x1d1: {  	s0 =	rddreg [dreg:$0x0];
	s2 =	stileid.u32  }
0x1d2: {  	s1 =	rddreg [dreg:$0x1];
	p0 =	sne.s32 s2, $0x0  }
0x1d3: {  	s3 =	rddreg [dreg:$0x2];
	[bflag:$0x3] =	sbarrier.arrive $0xFFFF;
	s2 =	simm.s32 @!p0 $0x1C05  }
0x1d4: {  	[timem:s3], [sflag:s2] =	dma.local @!p0 [hbm:s0], s1  }
0x1d5: {  	s0 =	simm.s32 @!p0 $0x5  }
0x1d6: {  	_ =	swait.ge @!p0 [sflag:s0], s1  }
0x1d7: {  	s1 =	ssub.s32 @!p0 $0x0, s1;
	[sflag:s0] =	ssyncset.done @!p0 $0x0  }
0x1d8: {  	[sflag:s0] =	ssyncadd.s32 @!p0 s1  }
0x1d9: {  	[bflag:$0x3] =	sbarrier.arrive $0xFFFF  }
0x1da: {  	_ =	shalt  }

// kernel: kernel.7.cloned.1.call-start
scs
__scs_entry_jumppad:
0x0: {  	(pc) =	sbr.rel $0x88, $3  }
0x1: {  	(tag) =	ssettag $0x0;
	lr =	simm.s32 $0x1  }
0x2: {  	[smem:$0x3F8D] =	sst lr;
	_ =	strace $0xD0000000  }
0x3: {  	_ = 	snop  }
0x4: {  	_ = 	snop  }
0x5: {  	_ = 	snop  }
0x6: {  	_ = 	snop  }
0x7: {  	_ = 	snop  }
__scs_overlays_trampoline_lowered:
0x8: {  	[smem:$0x3F9C] =	sst s0  }
0x9: {  	[smem:$0x3F9D] =	sst s1  }
0xa: {  	[smem:$0x3F9E] =	sst s2  }
0xb: {  	[smem:$0x3F9F] =	sst s3  }
0xc: {  	[smem:$0x3FA0] =	sst s4  }
0xd: {  	[smem:$0x3FA1] =	sst s5  }
0xe: {  	[smem:$0x3FA2] =	sst s6  }
0xf: {  	[smem:$0x3FA3] =	sst s7  }
0x10: {  	[smem:$0x3FA4] =	sst s8  }
0x11: {  	[smem:$0x3FA5] =	sst s9;
	s0 =	simm.s32 @!p0 $0x0  }
0x12: {  	s1 =	sld [smem:$0x3F8B];
	s0 =	simm.s32 @p0 $0x1  }
0x13: {  	[smem:$0x3FA6] =	sst s0;
	s0 =	simm.s32 @!p1 $0x0  }
0x14: {  	s2 =	sld [smem:$0x3F8A];
	s0 =	simm.s32 @p1 $0x1  }
0x15: {  	[smem:$0x3FA7] =	sst s0;
	s0 =	simm.s32 @!p2 $0x0  }
0x16: {  	s3 =	sld [smem:$0x3FDB];
	s0 =	simm.s32 @p2 $0x1  }
0x17: {  	s4 =	simm.s32 $0x1BF5;
	[smem:$0x3FA9] =	sst s0  }
0x18: {  	s0 =	sld [smem:$0x3F8C];
	_ =	swait.ge [sflag:s4], $0x0  }
0x19: {  	s7 =	sld [smem:$0x3F8D]  }
0x1a: {  	s8 =	sadd.s32 $0xFFFFE003, lr  }
0x1b: {  	s9 =	sadd.s32 $0xFFFFFEF7, lr;
	s5 =	simm.s32 $0xFFFFFFFF;
	p2 =	slt.u32 s8, $0xFFFFF086  }
0x1c: {  	p1 =	slt.u32 s9, $0xF7A;
	s5 =	simm.s32 @!p2 $0x0  }
0x1d: {  	s5 =	simm.s32 @p1 $0x1;
	p0 =	seq.s32 s7, s2  }
0x1e: {  	s7 =	smul.u32 @!p0 $0xF7A, s2;
	p2 =	seq.s32 @!p0 s5, $0x0  }
0x1f: {  	s9 =	smul.u32 $0xF7A, s1;
	s8 =	simm.s32 @!p0 $0x1BF5;
	p2 =	por !p2, p0  }
0x20: {  	[sflag:s8] =	ssyncset.s32 @!p0 $0xFFFFF086;
	s6 =	sadd.s32 @!p0 s3, s7;
	s7 =	simm.s32 @!p0 $0x108  }
0x21: {  	s3 =	sadd.s32 s3, s9;
	s6 =	sadd.s32 @!p0 $0x88, s6;
	s7 =	simm.s32 @p2 $0x1082  }
0x22: {  	[simem:s7], [sflag:s8] =	dma.local @!p0 [hbm:s6], $0xF7A  }
0x23: {  	s9 =	sor.u32 $0xD0000000, s2;
	s6 =	simm.s32 $0x108;
	_ =	swait.ge @!p0 [sflag:s8], $0x0  }
0x24: {  	s3 =	sadd.s32 $0x88, s3;
	s6 =	simm.s32 @!p1 $0x1082;
	[sflag:s4] =	ssyncset.s32 $0xFFFFF086  }
0x25: {  	[simem:s6], [sflag:s4] =	dma.local [hbm:s3], $0xF7A  }
0x26: {  	[smem:$0x3F8D] =	sst s1;
	(tag) =	ssettag s2;
	_ =	strace s9  }
0x27: {  	s1 =	sld [smem:$0x3F9D]  }
0x28: {  	s2 =	sld [smem:$0x3F9E]  }
0x29: {  	s4 =	sld [smem:$0x3FA0]  }
0x2a: {  	p0 =	seq.s32 s5, $0x0;
	s5 =	sld [smem:$0x3FA1]  }
0x2b: {  	s6 =	sld [smem:$0x3FA2]  }
0x2c: {  	s7 =	sld [smem:$0x3FA3]  }
0x2d: {  	s3 =	simm.s32 $0x108;
	s8 =	sld [smem:$0x3FA4]  }
0x2e: {  	s3 =	simm.s32 @!p0 $0x1082;
	s9 =	sld [smem:$0x3FA5]  }
0x2f: {  	lr =	sadd.s32 s0, s3;
	s0 =	sld [smem:$0x3F9C]  }
0x30: {  	s3 =	sld [smem:$0x3F9F]  }
0x31: {  	[smem:$0x3FA8] =	sst s10  }
0x32: {  	s10 =	sld [smem:$0x3FA6];
	_ =	sdelay $0x3  }
0x33: {  	p0 =	seq.s32 s10, $0x1;
	s10 =	sld [smem:$0x3FA8];
	_ =	sdelay $0x3  }
0x34: {  	[smem:$0x3FA8] =	sst s10  }
0x35: {  	s10 =	sld [smem:$0x3FA7];
	_ =	sdelay $0x3  }
0x36: {  	p1 =	seq.s32 s10, $0x1;
	s10 =	sld [smem:$0x3FA8];
	_ =	sdelay $0x3  }
0x37: {  	[smem:$0x3FA8] =	sst s10  }
0x38: {  	s10 =	sld [smem:$0x3FA9]  }
0x39: {  	_ = 	snop;
	(pc) =	sbr.ind lr, $3  }
0x3a: {  	_ = 	snop  }
0x3b: {  	_ = 	snop  }
0x3c: {  	p2 =	seq.s32 s10, $0x1;
	s10 =	sld [smem:$0x3FA8]  }
0x3d: {  	_ =	shalt  }
0x3e: {  	_ =	shalt  }
0x3f: {  	_ =	shalt  }
0x40: {  	_ =	shalt  }
0x41: {  	_ =	shalt  }
0x42: {  	_ =	shalt  }
0x43: {  	_ =	shalt  }
0x44: {  	_ =	shalt  }
0x45: {  	_ =	shalt  }
0x46: {  	_ =	shalt  }
0x47: {  	_ =	shalt  }
0x48: {  	_ =	shalt  }
0x49: {  	_ =	shalt  }
0x4a: {  	_ =	shalt  }
0x4b: {  	_ =	shalt  }
0x4c: {  	_ =	shalt  }
0x4d: {  	_ =	shalt  }
0x4e: {  	_ =	shalt  }
0x4f: {  	_ =	shalt  }
0x50: {  	_ =	shalt  }
0x51: {  	_ =	shalt  }
0x52: {  	_ =	shalt  }
0x53: {  	_ =	shalt  }
0x54: {  	_ =	shalt  }
0x55: {  	_ =	shalt  }
0x56: {  	_ =	shalt  }
0x57: {  	_ =	shalt  }
0x58: {  	_ =	shalt  }
0x59: {  	_ =	shalt  }
0x5a: {  	_ =	shalt  }
0x5b: {  	_ =	shalt  }
0x5c: {  	_ =	shalt  }
0x5d: {  	_ =	shalt  }
0x5e: {  	_ =	shalt  }
0x5f: {  	_ =	shalt  }
0x60: {  	_ =	shalt  }
0x61: {  	_ =	shalt  }
0x62: {  	_ =	shalt  }
0x63: {  	_ =	shalt  }
0x64: {  	_ =	shalt  }
0x65: {  	_ =	shalt  }
0x66: {  	_ =	shalt  }
0x67: {  	_ =	shalt  }
0x68: {  	_ =	shalt  }
0x69: {  	_ =	shalt  }
0x6a: {  	_ =	shalt  }
0x6b: {  	_ =	shalt  }
0x6c: {  	_ =	shalt  }
0x6d: {  	_ =	shalt  }
0x6e: {  	_ =	shalt  }
0x6f: {  	_ =	shalt  }
0x70: {  	_ =	shalt  }
0x71: {  	_ =	shalt  }
0x72: {  	_ =	shalt  }
0x73: {  	_ =	shalt  }
0x74: {  	_ =	shalt  }
0x75: {  	_ =	shalt  }
0x76: {  	_ =	shalt  }
0x77: {  	_ =	shalt  }
0x78: {  	_ =	shalt  }
0x79: {  	_ =	shalt  }
0x7a: {  	_ =	shalt  }
0x7b: {  	_ =	shalt  }
0x7c: {  	_ =	shalt  }
0x7d: {  	_ =	shalt  }
0x7e: {  	_ =	shalt  }
0x7f: {  	_ =	shalt  }
0x80: {  	_ =	shalt  }
0x81: {  	_ =	shalt  }
0x82: {  	_ =	shalt  }
0x83: {  	_ =	shalt  }
0x84: {  	_ =	shalt  }
0x85: {  	_ =	shalt  }
0x86: {  	_ =	shalt  }
0x87: {  	_ =	shalt  }
.Lfunc_end0:
.L_simem_size_0:
called_computation_lowered:
.L_overlay_start_0:
0x88: {  	s2 =	sld [smem:$0x3FD9]  }
0x89: {  	s3 =	sld [smem:$0x3FFE];
	_ =	sdelay $0x1  }
0x8a: {  	s1 =	srdreg.scid  }
0x8b: {  	s0 =	sand.u32 $0x1, s1  }
0x8c: {  	s16 =	sshll.u32 s0, $0xA;
	s2 =	sadd.s32 s3, s2  }
0x8d: {  	s2 =	sadd.s32 s2, s16  }
0x8e: {  	[smem:$0x3FB4] =	sst s2  }
0x8f: {  	_ = 	snop  }
0x90: {  	(tm) =	ssettm $0x1  }
0x91: {  	s17 =	sld [smem:$0x3FFB];
	_ =	sdelay $0x3  }
0x92: {  	_ =	strace s17  }
0x93: {  	s2 =	sld [smem:$0x3FFC];
	_ =	sdelay $0x3  }
0x94: {  	_ =	strace s2  }
0x95: {  	s2 =	sld [smem:$0x3FFD];
	_ =	sdelay $0x3  }
0x96: {  	_ =	strace s2  }
0x97: {  	_ =	strace $0x8FFFFFFF  }
0x98: {  	s18 =	sld [smem:$0x3FDB];
	_ =	sdelay $0x1  }
0x99: {  	s19 =	simm.s32 $_scs_section_size  }
0x9a: {  	s4 =	simm.s32 $_size__tile_overlayer_lowered;
	s5 =	simm.s32 $_tile_overlayer_lowered  }
0x9b: {  	s22 =	simm.s32 $0x1BFF;
	s21 =	sshll.u32 s5, $0x1;
	s2 =	sadd.s32 s19, s18  }
0x9c: {  	s6 =	simm.s32 $0x0;
	s20 =	sshll.u32 s4, $0x1;
	s4 =	sadd.s32 s21, s2  }
0x9d: {  	[timem:s6], [sflag:s22] =	dma.local [hbm:s4], s20  }
0x9e: {  	_ =	swait.ge [sflag:s22], s20  }
0x9f: {  	s3 =	ssub.s32 $0x0, s20;
	[sflag:s22] =	ssyncset.done $0x0  }
0xa0: {  	[sflag:s22] =	ssyncadd.s32 s3;
	_ =	sdelay $0x1  }
0xa1: {  	s23 =	simm.s32 $0x1B8B  }
0xa2: {  	_ =	swait.ge [sflag:s23], $0x1  }
0xa3: {  	[sflag:s23] =	ssyncset.done $0x0  }
0xa4: {  	s25 =	simm.s32 $0x1B8E;
	s24 =	sld [smem:$0x3FFE];
	[sflag:s23] =	ssyncadd.s32 $0xFFFFFFFF  }
0xa5: {  	s26 =	simm.s32 $execute0_lowered;
	[smem:$0x3FD2] =	sst s25  }
0xa6: {  	s4 =	sshll.u32 s26, $0x1;
	_ =	strace $0x80000046;
	[dreg:$0x1] =	wrdreg $0xFFFFFFFF  }
0xa7: {  	s28 =	simm.s32 $_size_execute0_lowered;
	s2 =	sadd.s32 s2, s4;
	[dreg:$0x0] =	wrdreg $0x0  }
0xa8: {  	s4 =	sshll.u32 s28, $0x1;
	[dreg:$0x2] =	wrdreg s2  }
0xa9: {  	[dreg:$0x3] =	wrdreg s4  }
0xaa: {  	[dreg:$0x4] =	wrdreg $0xC0  }
0xab: {  	_ =	task [dreg:s6], $0x5FFFF  }
0xac: {  	[dreg:$0x1] =	wrdreg $0xFFFFFFFF  }
0xad: {  	[dreg:$0x0] =	wrdreg $0x60  }
0xae: {  	[dreg:$0x2] =	wrdreg s24  }
0xaf: {  	[dreg:$0x3] =	wrdreg $0x0  }
0xb0: {  	[dreg:$0x4] =	wrdreg $0x9  }
0xb1: {  	_ =	task.clear_ibuf [dreg:s6], $0x5FFFF;
	_ =	strace $0x90000046  }
0xb2: {  	s29 =	simm.s32 $0x9;
	_ =	strace $0x80000048  }
0xb3: {  	_ =	swait.ge [sflag:s29], $0x1  }
0xb4: {  	[sflag:s29] =	ssyncadd.s32 $0xFFFFFFFF  }
0xb5: {  	_ =	strace $0x90000048  }
0xb6: {  	_ =	sfence  }
0xb7: {  	s30 =	sld [smem:$0x0];
	_ =	sdelay $0x2  }
0xb8: {  	s31 =	sshll.u32 s1, $0xD;
	s1 =	sshrl.u32 s1, $0x2  }
0xb9: {  	s3 =	sand.u32 $0x4000, s31;
	s1 =	sadd.s32 s1, s30  }
0xba: {  	s0 =	sor.u32 s3, s0;
	s1 =	sshll.u32 s1, $0x11  }
0xbb: {  	s0 =	sor.u32 s1, s0  }
0xbc: {  	s0 =	sadd.s32 $0x8F2B, s0  }
0xbd: {  	[sflag:s0] =	ssyncadd.remote.s32 $0x1  }
0xbe: {  	_ =	sfence.sel $0xFFFF  }
0xbf: {  	[dreg:$0x0] =	wrdreg $0xFFFFFFFF;
	(pc) =	sbr.abs _section_cstart, $3  }
0xc0: {  	[dreg:$0x1] =	wrdreg $0xFFFFFFFF  }
0xc1: {  	_ =	task.clear_ibuf [dreg:s6], $0x2FFFF;
	_ =	strace $0x9FFFFFFF  }
0xc2: {  	(tm) =	ssettm $0x7FFFFFFF  }
0xc3: {  	_ =	shalt  }
tec
execute0_lowered:
.L_overlay_start_1:
0x0: {  	(tag) =	ssettag $0x1  }
0x1: {  	s0 =	rddreg [dreg:$0x0]  }
0x2: {  	s2 =	rddreg [dreg:$0x1];
	s3 =	simm.s32 $0x0;
	s1 =	srdreg.scid  }
0x3: {  	s9 =	stileid.u32;
	s10 =	simm.s32 $0xC800;
	s29 =	simm.s32 $0x14000  }
0x4: {  	s30 =	simm.s32 $0x17000;
	s31 =	simm.s32 $0x1;
	s28 =	simm.s32 $0x3  }
0x5: {  	[smem:$0x7FF] =	sst s3;
	s1 =	sand.u32 $0x1, s1;
	s20 =	sshll.u32 s9, $0x1  }
0x6: {  	s4 =	sadd.s32 $0x2B400, s0;
	s5 =	sadd.s32 $0x44400, s0;
	s8 =	smul.u32 $0x32000, s9  }
0x7: {  	s21 =	smul.u32 $0xC800, s9;
	_ =	strace $0x80000047;
	s3 =	sor.u32 s1, s20  }
0x8: {  	s6 =	ssub.s32 $0x2, s1;
	p0 =	seq.s32 s1, $0x1;
	s20 =	simm.s32 $0xF000  }
0x9: {  	s1 =	simm.s32 $0x4;
	s3 =	smul.u32 $0x500, s3;
	s7 =	sshrl.u32 s6, $0x1  }
0xa: {  	s23 =	sshrl.u32 s8, $0x2;
	s24 =	sshrl.u32 s21, $0x3;
	s25 =	sadd.s32 s21, s2  }
0xb: {  	s21 =	simm.s32 $0x5;
	s6 =	ssub.s32 s6, s7;
	s8 =	sadd.s32 s23, s2  }
0xc: {  	s23 =	simm.s32 $0x17800;
	s25 =	sshrl.u32 s25, $0x3;
	s3 =	sadd.s32 s3, s0  }
0xd: {  	s6 =	smax.u32 s6, $0x1;
	s26 =	sadd.s32 $0x1400, s8;
	s11 =	sadd.s32 $0x2800, s8  }
0xe: {  	s12 =	sadd.s32 $0x3C00, s8;
	s13 =	sadd.s32 $0x5000, s8;
	s14 =	sadd.s32 $0x6400, s8  }
0xf: {  	s15 =	sadd.s32 $0x7800, s8;
	s16 =	sadd.s32 $0x8C00, s8;
	s17 =	sadd.s32 $0xA000, s8  }
0x10: {  	s18 =	sadd.s32 $0xB400, s8;
	s22 =	sadd.s32 $0x53400, s3;
	[dreg:$0x5] =	wrdreg s6  }
0x11: {  	s3 =	sadd.s32 $0x49400, s3;
	[dreg:$0x6] =	wrdreg s26;
	s6 =	simm.s32 $0x5D400  }
0x12: {  	s26 =	simm.s32 $0x11800;
	[dreg:$0x3] =	wrdreg s22;
	s6 =	simm.s32 @!p0 $0x76400  }
0x13: {  	[dreg:$0x4] =	wrdreg s3;
	s3 =	simm.s32 $0x0;
	s0 =	sadd.s32 s6, s0  }
0x14: {  	v0 =	vimm.f32 $0.0e+00;
	vm0 =	vmmov $0xff;
	s19 =	sadd.s32 s0, s24;
	s24 =	simm.s32 $0x80;
	s0 =	simm.s32 $0x2  }
.LBB2_1:
0x15: {  	s6 =	simm.s32 $0x0;
	s7 =	rddreg [dreg:$0x3]  }
0x16: {  	[tilespmem:s10], [sflag:$0x5] =	stream.linear.gather [hbm4b:s7+s6], $0x2800, $0x38;
	[tilespmem:$0x18C00] =	vst v63  }
0x17: {  	_ =	swait.ge [sflag:s21], $0x2800  }
0x18: {  	[sflag:s21] =	ssyncset.done $0x0  }
0x19: {  	s22 =	rddreg [dreg:$0x4];
	[sflag:s21] =	ssyncadd.s32 $0xFFFFD800  }
0x1a: {  	[tilespmem:s20], [sflag:$0x5] =	stream.linear.gather [hbm4b:s22+s6], $0x2800, $0x38;
	[tilespmem:$0x18C00] =	vst v63  }
0x1b: {  	_ =	swait.ge [sflag:s21], $0x2800  }
0x1c: {  	[sflag:s21] =	ssyncset.done $0x0  }
0x1d: {  	s7 =	simm.s32 $0x140;
	s6 =	simm.s32 $0x0;
	[sflag:s21] =	ssyncadd.s32 $0xFFFFD800  }
.LBB2_2:
0x1e: {  	p0 =	sne.s32 s7, $0x4EC0;
	[tilespmem:s6+$0x17840] =	vst v0;
	s9 =	smov.u32 s7;
	s7 =	sadd.s32 $0x140, s7  }
.Ltmp0:
0x1f: {  	[tilespmem:s6+$0x17830] =	vst v0;
	(pc) =	sbr.rel @p0 .LBB2_2-.Ltmp0, $4  }
0x20: {  	[tilespmem:s6+$0x17820] =	vst v0  }
0x21: {  	[tilespmem:s6+$0x17800] =	vst v0  }
0x22: {  	[tilespmem:s6+$0x17810] =	vst v0  }
0x23: {  	s6 =	sshra.s32 s9, $0x2  }
0x24: {  	[tilespmem:s6+$0x17840] =	vst v0  }
0x25: {  	[tilespmem:s6+$0x17830] =	vst v0  }
0x26: {  	[tilespmem:s6+$0x17820] =	vst v0  }
0x27: {  	[tilespmem:s6+$0x17800] =	vst v0  }
0x28: {  	[tilespmem:s6+$0x17810] =	vst v0  }
0x29: {  	[spmem:s8] =	stream.linear.scatter [tilespmem:s23], [sflag:$0x5], $0x1400, $0x38;
	[tilespmem:$0x18C00] =	vst v63  }
0x2a: {  	_ =	swait.ge [sflag:s21], $0x1400  }
0x2b: {  	[sflag:s21] =	ssyncset.done $0x0  }
0x2c: {  	s9 =	rddreg [dreg:$0x6];
	[sflag:s21] =	ssyncadd.s32 $0xFFFFEC00  }
0x2d: {  	[spmem:s9] =	stream.linear.scatter [tilespmem:s23], [sflag:$0x5], $0x1400, $0x38;
	[tilespmem:$0x18C00] =	vst v63  }
0x2e: {  	_ =	swait.ge [sflag:s21], $0x1400  }
0x2f: {  	[sflag:s21] =	ssyncset.done $0x0  }
0x30: {  	[sflag:s21] =	ssyncadd.s32 $0xFFFFEC00  }
0x31: {  	[spmem:s11] =	stream.linear.scatter [tilespmem:s23], [sflag:$0x5], $0x1400, $0x38;
	[tilespmem:$0x18C00] =	vst v63  }
0x32: {  	_ =	swait.ge [sflag:s21], $0x1400  }
0x33: {  	[sflag:s21] =	ssyncset.done $0x0  }
0x34: {  	[sflag:s21] =	ssyncadd.s32 $0xFFFFEC00  }
0x35: {  	[spmem:s12] =	stream.linear.scatter [tilespmem:s23], [sflag:$0x5], $0x1400, $0x38;
	[tilespmem:$0x18C00] =	vst v63  }
0x36: {  	_ =	swait.ge [sflag:s21], $0x1400  }
0x37: {  	[sflag:s21] =	ssyncset.done $0x0  }
0x38: {  	[sflag:s21] =	ssyncadd.s32 $0xFFFFEC00  }
0x39: {  	[spmem:s13] =	stream.linear.scatter [tilespmem:s23], [sflag:$0x5], $0x1400, $0x38;
	[tilespmem:$0x18C00] =	vst v63  }
0x3a: {  	_ =	swait.ge [sflag:s21], $0x1400  }
0x3b: {  	[sflag:s21] =	ssyncset.done $0x0  }
0x3c: {  	[sflag:s21] =	ssyncadd.s32 $0xFFFFEC00  }
0x3d: {  	[spmem:s14] =	stream.linear.scatter [tilespmem:s23], [sflag:$0x5], $0x1400, $0x38;
	[tilespmem:$0x18C00] =	vst v63  }
0x3e: {  	_ =	swait.ge [sflag:s21], $0x1400  }
0x3f: {  	[sflag:s21] =	ssyncset.done $0x0  }
0x40: {  	[sflag:s21] =	ssyncadd.s32 $0xFFFFEC00  }
0x41: {  	[spmem:s15] =	stream.linear.scatter [tilespmem:s23], [sflag:$0x5], $0x1400, $0x38;
	[tilespmem:$0x18C00] =	vst v63  }
0x42: {  	_ =	swait.ge [sflag:s21], $0x1400  }
0x43: {  	[sflag:s21] =	ssyncset.done $0x0  }
0x44: {  	[sflag:s21] =	ssyncadd.s32 $0xFFFFEC00  }
0x45: {  	[spmem:s16] =	stream.linear.scatter [tilespmem:s23], [sflag:$0x5], $0x1400, $0x38;
	[tilespmem:$0x18C00] =	vst v63  }
0x46: {  	_ =	swait.ge [sflag:s21], $0x1400  }
0x47: {  	[sflag:s21] =	ssyncset.done $0x0  }
0x48: {  	[sflag:s21] =	ssyncadd.s32 $0xFFFFEC00  }
0x49: {  	[spmem:s17] =	stream.linear.scatter [tilespmem:s23], [sflag:$0x5], $0x1400, $0x38;
	[tilespmem:$0x18C00] =	vst v63  }
0x4a: {  	_ =	swait.ge [sflag:s21], $0x1400  }
0x4b: {  	[sflag:s21] =	ssyncset.done $0x0  }
0x4c: {  	[sflag:s21] =	ssyncadd.s32 $0xFFFFEC00  }
0x4d: {  	[spmem:s18] =	stream.linear.scatter [tilespmem:s23], [sflag:$0x5], $0x1400, $0x38;
	[tilespmem:$0x18C00] =	vst v63  }
0x4e: {  	_ =	swait.ge [sflag:s21], $0x1400  }
0x4f: {  	[sflag:s21] =	ssyncset.done $0x0  }
0x50: {  	[sflag:s21] =	ssyncadd.s32 $0xFFFFEC00  }
0x51: {  	[bflag:$0x0] =	sbarrier.arrive $0xFFFF  }
0x52: {  	[tilespmem:s26], [sflag:$0x1] =	stream.indirect.gather [hbm4b:s4+s24], $0x50, s10, s24, $0xb8;
	[tilespmem:$0x18C00] =	vst v63  }
0x53: {  	s22 =	simm.s32 $0x16800  }
0x54: {  	[tilespmem:s22], [sflag:$0x2] =	stream.indirect.gather [hbm4b:s5+s24], $0x10, s20, s24, $0xb8;
	[tilespmem:$0x18C00] =	vst v63  }
0x55: {  	s20 =	simm.s32 $0x0  }
.LBB2_4:
0x56: {  	s6 =	sshllo.u32 s20, $0x1  }
0x57: {  	s6 =	sshll.u32 s6, $0x7  }
0x58: {  	s7 =	sadd.s32 $0xC800, s6  }
0x59: {  	[tilespmem:s29], [sflag:$0x3] =	stream.indirect.gather [hbm4b:s4+s24], $0x50, s7, s24, $0xb8;
	[tilespmem:$0x18C00] =	vst v63  }
0x5a: {  	s22 =	sadd.s32 $0xF000, s6  }
0x5b: {  	[tilespmem:s30], [sflag:$0x4] =	stream.indirect.gather [hbm4b:s5+s24], $0x10, s22, s24, $0xb8;
	[tilespmem:$0x18C00] =	vst v63  }
0x5c: {  	_ =	swait.ge [sflag:s31], $0x2800  }
0x5d: {  	[sflag:s31] =	ssyncset.done $0x0  }
0x5e: {  	[sflag:s31] =	ssyncadd.s32 $0xFFFFD800  }
0x5f: {  	_ =	swait.ge [sflag:s0], $0x800  }
0x60: {  	[sflag:s0] =	ssyncset.done $0x0  }
0x61: {  	s7 =	simm.s32 $0x11940;
	[sflag:s0] =	ssyncadd.s32 $0xFFFFF800  }
0x62: {  	s22 =	simm.s32 $0x16840;
	v1 =	vld [tilespmem:s7+$0x130]  }
0x63: {  	v2 =	vld [tilespmem:s22+$0x30]  }
0x64: {  	v3 =	vld [tilespmem:s22+$0xFFFFFFC0]  }
0x65: {  	v4 =	vld [tilespmem:s7+$0xFFFFFF50]  }
0x66: {  	v5 =	vld [tilespmem:s22+$0xFFFFFFD0]  }
0x67: {  	v6 =	vld [tilespmem:s7+$0xFFFFFFA0]  }
0x68: {  	v7 =	vld [tilespmem:s22+$0xFFFFFFE0]  }
0x69: {  	v8 =	vld [tilespmem:s22+$0xFFFFFFF0];
	v1 =	vadd.f32 v2, v1  }
0x6a: {  	v10 =	vld [tilespmem:s7+$0x40]  }
0x6b: {  	v2 =	vld [tilespmem:s7+$0xFFFFFFF0];
	v4 =	vadd.f32 v5, v4;
	v9 =	vmul.f32 $2.000000030e-01, v1  }
0x6c: {  	v11 =	vld [tilespmem:s22+$0x0];
	vm1 =	vlt.f32 v1, $0.0e+00  }
0x6d: {  	v5 =	vld [tilespmem:s7+$0x90];
	v12 =	vmul.f32 $2.000000030e-01, v4;
	v1 =	vsel vm1, v9, v1  }
0x6e: {  	v9 =	vld [tilespmem:s22+$0x10];
	vm1 =	vlt.f32 v4, $0.0e+00;
	v1 =	vmul.f32 $1.442695020e+00, v1  }
0x6f: {  	v6 =	vadd.f32 v7, v6;
	v7 =	vld [tilespmem:s7+$0xE0];
	v4 =	vsel vm1, v12, v4  }
0x70: {  	v12 =	vld [tilespmem:s7+$0xFFFFFF00];
	v4 =	vmul.f32 $1.442695020e+00, v4;
	(erf) = vpow2.f32 v1;
	v1 =	vadd.f32 v8, v2  }
0x71: {  	v10 =	vadd.f32 v11, v10;
	v2 =	vld [tilespmem:s22+$0x20];
	v8 =	vmul.f32 $2.000000030e-01, v6  }
0x72: {  	vm1 =	vlt.f32 v6, $0.0e+00;
	(erf) = vpow2.f32 v4;
	vm2 =	vlt.f32 v1, $0.0e+00  }
0x73: {  	v11 =	vmul.f32 $2.000000030e-01, v1;
	v6 =	vsel vm1, v8, v6;
	v5 =	vadd.f32 v9, v5  }
0x74: {  	vm1 =	vlt.f32 v10, $0.0e+00;
	v8 =	vmul.f32 $2.000000030e-01, v10;
	v4 =	vmul.f32 $1.442695020e+00, v6  }
0x75: {  	v3 =	vadd.f32 v3, v12;
	v1 =	vsel vm2, v11, v1;
	v6 =	vmul.f32 $2.000000030e-01, v5  }
0x76: {  	vm2 =	vlt.f32 v5, $0.0e+00;
	v2 =	vadd.f32 v2, v7;
	v1 =	vmul.f32 $1.442695020e+00, v1  }
0x77: {  	v7 =	vsel vm1, v8, v10;
	v9 =	vmul.f32 $2.000000030e-01, v3;
	(erf) = vpow2.f32 v4  }
0x78: {  	v5 =	vsel vm2, v6, v5;
	vm2 =	vlt.f32 v3, $0.0e+00;
	v7 =	vmul.f32 $1.442695020e+00, v7  }
0x79: {  	v6 =	vmul.f32 $2.000000030e-01, v2;
	v3 =	vsel vm2, v9, v3;
	v5 =	vmul.f32 $1.442695020e+00, v5  }
0x7a: {  	vm1 =	vlt.f32 v2, $0.0e+00;
	(erf) = vpow2.f32 v1;
	v3 =	vmul.f32 $1.442695020e+00, v3;
	v21 =	vpop (erf)  }
0x7b: {  	v2 =	vsel vm1, v6, v2;
	v10 =	vbroadcast v21, $0x6;
	v11 =	vbroadcast v21, $0x7  }
0x7c: {  	v8 =	vld [tilespmem:s7+$0x120];
	v2 =	vmul.f32 $1.442695020e+00, v2;
	(erf) = vpow2.f32 v3  }
0x7d: {  	v20 =	vpop (erf);
	v1 =	vbroadcast v21, $0x0;
	v31 =	vbroadcast v21, $0x2  }
0x7e: {  	v3 =	vbroadcast v20, $0x0;
	(erf) = vpow2.f32 v7  }
0x7f: {  	v6 =	vbroadcast v20, $0x4;
	v7 =	vbroadcast v20, $0x5  }
0x80: {  	v4 =	vsel vm0, v10, v11;
	(erf) = vpow2.f32 v5;
	v5 =	vbroadcast v20, $0x2  }
0x81: {  	v18 =	vmul.f32 v8, v4;
	v4 =	vbroadcast v20, $0x1  }
0x82: {  	(erf) = vpow2.f32 v2;
	v2 =	vbroadcast v20, $0x3  }
0x83: {  	v25 =	vpop (erf);
	v22 =	vsel vm0, v3, v4;
	v3 =	vbroadcast v20, $0x6;
	v4 =	vbroadcast v20, $0x7  }
0x84: {  	v27 =	vld [tilespmem:s7+$0xFFFFFEC0];
	v24 =	vsel vm0, v5, v2;
	v2 =	vbroadcast v21, $0x1;
	v5 =	vbroadcast v25, $0x0  }
0x85: {  	v28 =	vld [tilespmem:s7+$0xFFFFFED0];
	v26 =	vsel vm0, v6, v7;
	v6 =	vbroadcast v25, $0x1;
	v12 =	vbroadcast v25, $0x4  }
0x86: {  	v30 =	vld [tilespmem:s7+$0xFFFFFEE0];
	v13 =	vbroadcast v25, $0x5;
	v29 =	vpop (erf);
	v11 =	vsel vm0, v3, v4;
	v3 =	vbroadcast v25, $0x2  }
0x87: {  	v32 =	vld [tilespmem:s7+$0xFFFFFEF0];
	v4 =	vbroadcast v25, $0x3;
	v14 =	vbroadcast v29, $0x0  }
0x88: {  	v34 =	vld [tilespmem:s7+$0xFFFFFF10];
	v16 =	vbroadcast v29, $0x1;
	v35 =	vsel vm0, v12, v13;
	v12 =	vbroadcast v29, $0x2  }
0x89: {  	v0 =	vld [tilespmem:s7+$0xFFFFFF20];
	v13 =	vbroadcast v29, $0x3;
	v19 =	vbroadcast v29, $0x4  }
0x8a: {  	v50 =	vld [tilespmem:s7+$0xFFFFFF40];
	v23 =	vbroadcast v29, $0x5;
	v33 =	vpop (erf);
	v38 =	vsel vm0, v14, v16;
	v14 =	vbroadcast v29, $0x6  }
0x8b: {  	[tilespmem:s7+$0x120] =	vst v18;
	v18 =	vld [tilespmem:s7+$0x30];
	v16 =	vbroadcast v29, $0x7;
	v7 =	vbroadcast v33, $0x0  }
0x8c: {  	[tilespmem:s7+$0xFFFFFF50] =	vst v20;
	v20 =	vld [tilespmem:s7+$0x70];
	v15 =	vsel vm0, v5, v6;
	v8 =	vbroadcast v33, $0x1;
	v5 =	vbroadcast v33, $0x2  }
0x8d: {  	v37 =	vsel vm0, v1, v2;
	v1 =	vld [tilespmem:s7+$0xFFFFFF30];
	v6 =	vbroadcast v33, $0x3;
	v9 =	vbroadcast v33, $0x4;
	v58 =	vpop (erf)  }
0x8e: {  	v17 =	vsel vm0, v3, v4;
	v3 =	vld [tilespmem:s7+$0xFFFFFF60];
	v10 =	vbroadcast v33, $0x5;
	v43 =	vbroadcast v58, $0x0  }
0x8f: {  	v4 =	vld [tilespmem:s7+$0xFFFFFF70];
	v41 =	vsel vm0, v19, v23;
	v44 =	vbroadcast v58, $0x1;
	v19 =	vbroadcast v58, $0x2  }
0x90: {  	v39 =	vsel vm0, v12, v13;
	v12 =	vld [tilespmem:s7+$0x0];
	v23 =	vbroadcast v58, $0x3;
	v45 =	vbroadcast v58, $0x4  }
0x91: {  	v13 =	vld [tilespmem:s7+$0x10];
	v42 =	vsel vm0, v14, v16;
	v46 =	vbroadcast v58, $0x5;
	v47 =	vbroadcast v58, $0x6  }
0x92: {  	[tilespmem:s7+$0xFFFFFFF0] =	vst v29;
	v29 =	vld [tilespmem:s7+$0xC0];
	v49 =	vbroadcast v58, $0x7;
	v40 =	vsel vm0, v7, v8;
	v7 =	vbroadcast v33, $0x6  }
0x93: {  	v48 =	vpop (erf);
	v14 =	vld [tilespmem:s7+$0x20];
	v8 =	vbroadcast v33, $0x7;
	v54 =	vsel vm0, v9, v10;
	v9 =	vbroadcast v25, $0x6  }
0x94: {  	v16 =	vld [tilespmem:s7+$0x50];
	v10 =	vbroadcast v25, $0x7;
	v51 =	vbroadcast v48, $0x1  }
0x95: {  	v53 =	vsel vm0, v5, v6;
	v5 =	vld [tilespmem:s7+$0xFFFFFF80];
	v52 =	vbroadcast v48, $0x2;
	v55 =	vbroadcast v48, $0x3  }
0x96: {  	v6 =	vld [tilespmem:s7+$0xFFFFFF90];
	v57 =	vbroadcast v48, $0x5;
	v60 =	vbroadcast v48, $0x7;
	v43 =	vsel vm0, v43, v44  }
0x97: {  	[tilespmem:s7+$0xFFFFFFA0] =	vst v25;
	v59 =	vpop (erf);
	v25 =	vld [tilespmem:s7+$0xA0];
	v44 =	vsel vm0, v19, v23;
	v23 =	vbroadcast v48, $0x0;
	v45 =	vsel vm0, v45, v46  }
0x98: {  	[tilespmem:s7+$0xFFFFFF00] =	vst v33;
	v33 =	vld [tilespmem:s7+$0xF0];
	v46 =	vsel vm0, v47, v49;
	v49 =	vbroadcast v48, $0x4;
	v61 =	vbroadcast v59, $0x3  }
0x99: {  	v19 =	vld [tilespmem:s7+$0x60];
	v62 =	vmul.f32 v53, v28;
	v28 =	vbroadcast v59, $0x5;
	v56 =	vsel vm0, v7, v8  }
0x9a: {  	v7 =	vld [tilespmem:s7+$0xFFFFFFB0];
	v36 =	vsel vm0, v9, v10;
	v47 =	vsel vm0, v23, v51;
	v51 =	vbroadcast v48, $0x6  }
0x9b: {  	[tilespmem:s7+$0x90] =	vst v48;
	v8 =	vld [tilespmem:s7+$0xFFFFFFC0];
	v48 =	vsel vm0, v52, v55;
	v52 =	vbroadcast v59, $0x0;
	v55 =	vbroadcast v59, $0x1  }
0x9c: {  	[tilespmem:s7+$0x40] =	vst v58;
	v9 =	vld [tilespmem:s7+$0xFFFFFFD0];
	v49 =	vsel vm0, v49, v57;
	v57 =	vbroadcast v59, $0x2;
	v58 =	vmul.f32 v32, v56  }
0x9d: {  	v10 =	vld [tilespmem:s7+$0xFFFFFFE0];
	v51 =	vsel vm0, v51, v60;
	v60 =	vmul.f32 v40, v27;
	v40 =	vbroadcast v59, $0x4  }
0x9e: {  	[tilespmem:s7+$0xE0] =	vst v59;
	v23 =	vld [tilespmem:s7+$0x80];
	v53 =	vsel vm0, v57, v61;
	v61 =	vbroadcast v59, $0x6;
	v59 =	vbroadcast v59, $0x7  }
0x9f: {  	v32 =	vld [tilespmem:s7+$0x100];
	v52 =	vsel vm0, v52, v55;
	v55 =	vsel vm0, v40, v28;
	v28 =	vbroadcast v21, $0x3  }
0xa0: {  	[tilespmem:s7+$0x130] =	vst v21;
	v63 =	vbroadcast v21, $0x5;
	v27 =	vld [tilespmem:s7+$0xB0];
	v40 =	vsel vm0, v61, v59;
	v61 =	vbroadcast v21, $0x4  }
0xa1: {  	[tilespmem:s7+$0xFFFFFED0] =	vst v62;
	v57 =	vmul.f32 v54, v30;
	v30 =	vld [tilespmem:s7+$0xD0];
	v21 =	vsel vm0, v31, v28;
	v28 =	vmul.f32 v22, v34  }
0xa2: {  	s9 =	simm.s32 $0x0;
	s10 =	simm.s32 $0x11BC0;
	[tilespmem:s7+$0xFFFFFEC0] =	vst v60;
	v22 =	vsel vm0, v61, v63;
	v34 =	vmul.f32 v24, v0;
	v24 =	vmul.f32 v26, v1;
	v31 =	vld [tilespmem:s7+$0x110]  }
.LBB2_5:
0xa3: {  	[tilespmem:s7+$0xFFFFFEE0] =	vst v57  }
0xa4: {  	v26 =	vld [tilespmem:s10+$0x130];
	s22 =	sadd.s32 $0x80, s22;
	[tilespmem:s7+$0xFFFFFEF0] =	vst v58;
	v2 =	vmul.f32 v50, v11  }
0xa5: {  	[tilespmem:s7+$0xFFFFFF10] =	vst v28;
	v3 =	vmul.f32 v15, v3;
	v11 =	vld [tilespmem:s22+$0x30];
	v4 =	vmul.f32 v17, v4  }
0xa6: {  	v5 =	vmul.f32 v35, v5;
	v6 =	vmul.f32 v6, v36;
	v17 =	vld [tilespmem:s10+$0xFFFFFF50];
	[tilespmem:s7+$0xFFFFFF20] =	vst v34  }
0xa7: {  	v7 =	vmul.f32 v38, v7;
	v8 =	vmul.f32 v39, v8;
	v28 =	vld [tilespmem:s22+$0xFFFFFFD0];
	[tilespmem:s7+$0xFFFFFF30] =	vst v24  }
0xa8: {  	v9 =	vmul.f32 v41, v9;
	v10 =	vmul.f32 v10, v42;
	[tilespmem:s7+$0xFFFFFF40] =	vst v2  }
0xa9: {  	v2 =	vmul.f32 v44, v13;
	v13 =	vmul.f32 v45, v14;
	v14 =	vld [tilespmem:s22+$0xFFFFFFE0];
	[tilespmem:s7+$0xFFFFFF60] =	vst v3  }
0xaa: {  	v12 =	vmul.f32 v43, v12;
	v16 =	vmul.f32 v47, v16;
	v24 =	vld [tilespmem:s10+$0xFFFFFFA0];
	[tilespmem:s7+$0xFFFFFF70] =	vst v4  }
0xab: {  	v15 =	vld [tilespmem:s22+$0xFFFFFFC0];
	v1 =	vmul.f32 v37, v33;
	v3 =	vmul.f32 v18, v46;
	[tilespmem:s7+$0xFFFFFF80] =	vst v5  }
0xac: {  	v18 =	vld [tilespmem:s10+$0xFFFFFFF0];
	v4 =	vmul.f32 v48, v19;
	v19 =	vmul.f32 v49, v20;
	[tilespmem:s7+$0xFFFFFF90] =	vst v6;
	v11 =	vadd.f32 v11, v26  }
0xad: {  	v20 =	vld [tilespmem:s22+$0xFFFFFFF0];
	v5 =	vmul.f32 v23, v51;
	v6 =	vmul.f32 v52, v25;
	[tilespmem:s7+$0xFFFFFFB0] =	vst v7  }
0xae: {  	v23 =	vld [tilespmem:s10+$0x40];
	v7 =	vmul.f32 v53, v27;
	[tilespmem:s7+$0xFFFFFFC0] =	vst v8;
	v26 =	vmul.f32 $2.000000030e-01, v11  }
0xaf: {  	v25 =	vld [tilespmem:s22+$0x0];
	v27 =	vmul.f32 v55, v29;
	[tilespmem:s7+$0xFFFFFFD0] =	vst v9;
	v17 =	vadd.f32 v28, v17;
	vm1 =	vlt.f32 v11, $0.0e+00  }
0xb0: {  	v8 =	vld [tilespmem:s22+$0x10];
	v9 =	vmul.f32 v30, v40;
	[tilespmem:s7+$0x0] =	vst v12;
	v12 =	vmul.f32 v21, v32;
	v11 =	vsel vm1, v26, v11  }
0xb1: {  	v14 =	vadd.f32 v14, v24;
	v24 =	vld [tilespmem:s10+$0x90];
	v26 =	vmul.f32 $2.000000030e-01, v17;
	v11 =	vmul.f32 $1.442695020e+00, v11  }
0xb2: {  	[tilespmem:s7+$0x20] =	vst v13;
	v13 =	vmul.f32 v22, v31;
	v18 =	vadd.f32 v20, v18;
	v20 =	vld [tilespmem:s10+$0xE0];
	vm1 =	vlt.f32 v17, $0.0e+00  }
0xb3: {  	[tilespmem:s7+$0xFFFFFFE0] =	vst v10;
	v28 =	vmul.f32 $2.000000030e-01, v14;
	v10 =	vsel vm1, v26, v17;
	v17 =	vld [tilespmem:s10+$0xFFFFFF00];
	(erf) = vpow2.f32 v11  }
0xb4: {  	v23 =	vadd.f32 v25, v23;
	vm2 =	vlt.f32 v18, $0.0e+00;
	vm1 =	vlt.f32 v14, $0.0e+00;
	v11 =	vld [tilespmem:s22+$0x20]  }
0xb5: {  	[tilespmem:s7+$0x10] =	vst v2;
	v26 =	vmul.f32 $2.000000030e-01, v18;
	v2 =	vmul.f32 $1.442695020e+00, v10;
	v10 =	vsel vm1, v28, v14  }
0xb6: {  	vm1 =	vlt.f32 v23, $0.0e+00;
	v14 =	vmul.f32 $2.000000030e-01, v23;
	v8 =	vadd.f32 v8, v24  }
0xb7: {  	[tilespmem:s7+$0x30] =	vst v3;
	v10 =	vmul.f32 $1.442695020e+00, v10;
	v3 =	vsel vm2, v26, v18;
	(erf) = vpow2.f32 v2  }
0xb8: {  	[tilespmem:s7+$0x60] =	vst v4;
	vm2 =	vlt.f32 v8, $0.0e+00;
	v2 =	vmul.f32 $2.000000030e-01, v8;
	v4 =	vadd.f32 v15, v17  }
0xb9: {  	[tilespmem:s7+$0x50] =	vst v16;
	v15 =	vmul.f32 $1.442695020e+00, v3;
	v3 =	vsel vm1, v14, v23;
	v11 =	vadd.f32 v11, v20  }
0xba: {  	[tilespmem:s7+$0x80] =	vst v5;
	v8 =	vsel vm2, v2, v8;
	v16 =	vmul.f32 $1.442695020e+00, v3;
	v5 =	vmul.f32 $2.000000030e-01, v4  }
0xbb: {  	v14 =	vld [tilespmem:s10+$0x120];
	v8 =	vmul.f32 $1.442695020e+00, v8;
	vm2 =	vlt.f32 v4, $0.0e+00;
	v2 =	vmul.f32 $2.000000030e-01, v11  }
0xbc: {  	vm1 =	vlt.f32 v11, $0.0e+00;
	v4 =	vsel vm2, v5, v4;
	v40 =	vpop (erf);
	(erf) = vpow2.f32 v10  }
0xbd: {  	[tilespmem:s7+$0xA0] =	vst v6;
	v3 =	vsel vm1, v2, v11;
	v6 =	vbroadcast v40, $0x6;
	v11 =	vbroadcast v40, $0x7  }
0xbe: {  	[tilespmem:s7+$0xB0] =	vst v7;
	v7 =	vmul.f32 $1.442695020e+00, v4;
	v17 =	vmul.f32 $1.442695020e+00, v3  }
0xbf: {  	[tilespmem:s7+$0xF0] =	vst v1;
	(erf) = vpow2.f32 v15;
	v1 =	vbroadcast v40, $0x0;
	v5 =	vsel vm0, v6, v11  }
0xc0: {  	[tilespmem:s7+$0xD0] =	vst v9;
	(erf) = vpow2.f32 v7;
	v9 =	vmul.f32 v14, v5  }
0xc1: {  	[tilespmem:s7+$0x100] =	vst v12;
	v57 =	vbroadcast v40, $0x2;
	v11 =	vpop (erf);
	(erf) = vpow2.f32 v16  }
0xc2: {  	v10 =	vbroadcast v11, $0x0;
	[tilespmem:s10+$0x120] =	vst v9;
	v9 =	vbroadcast v11, $0x1  }
0xc3: {  	(erf) = vpow2.f32 v8;
	v12 =	vbroadcast v11, $0x2  }
0xc4: {  	[tilespmem:s7+$0xC0] =	vst v27;
	v14 =	vbroadcast v11, $0x4;
	v15 =	vbroadcast v11, $0x5  }
0xc5: {  	[tilespmem:s10+$0xFFFFFF50] =	vst v11;
	v16 =	vbroadcast v11, $0x6;
	(erf) = vpow2.f32 v17  }
0xc6: {  	v0 =	vld [tilespmem:s10+$0xFFFFFED0];
	[tilespmem:s7+$0x110] =	vst v13;
	v13 =	vbroadcast v11, $0x3;
	v11 =	vbroadcast v11, $0x7;
	v27 =	vpop (erf)  }
0xc7: {  	v17 =	vbroadcast v40, $0x1;
	v56 =	vsel vm0, v14, v15;
	v15 =	vbroadcast v27, $0x0  }
0xc8: {  	[tilespmem:s7+$0x70] =	vst v19;
	v11 =	vsel vm0, v16, v11;
	v16 =	vbroadcast v27, $0x1;
	v19 =	vbroadcast v27, $0x2  }
0xc9: {  	v31 =	vpop (erf);
	v20 =	vbroadcast v27, $0x3;
	v42 =	vbroadcast v27, $0x5  }
0xca: {  	v21 =	vld [tilespmem:s10+$0xFFFFFEC0];
	v43 =	vbroadcast v27, $0x7;
	v44 =	vbroadcast v31, $0x0  }
0xcb: {  	[tilespmem:$0x1FFE0] =	vst v0;
	v0 =	vld [tilespmem:s10+$0xFFFFFEF0];
	v46 =	vbroadcast v31, $0x1;
	v47 =	vbroadcast v31, $0x2  }
0xcc: {  	v34 =	vld [tilespmem:s10+$0xFFFFFF20];
	v24 =	vsel vm0, v10, v9;
	v48 =	vbroadcast v31, $0x3;
	v51 =	vbroadcast v31, $0x4  }
0xcd: {  	v50 =	vld [tilespmem:s10+$0xFFFFFF40];
	v54 =	vsel vm0, v12, v13;
	v23 =	vpop (erf);
	v52 =	vbroadcast v31, $0x5;
	v53 =	vbroadcast v31, $0x6  }
0xce: {  	v22 =	vld [tilespmem:s10+$0xFFFFFEE0];
	v2 =	vsel vm0, v1, v17;
	v63 =	vbroadcast v31, $0x7;
	v25 =	vbroadcast v23, $0x0  }
0xcf: {  	v28 =	vld [tilespmem:s10+$0xFFFFFF10];
	v29 =	vbroadcast v23, $0x1;
	v15 =	vsel vm0, v15, v16;
	v30 =	vbroadcast v23, $0x2  }
0xd0: {  	v26 =	vld [tilespmem:s10+$0xFFFFFF30];
	v39 =	vbroadcast v23, $0x3;
	v41 =	vbroadcast v23, $0x7;
	v38 =	vsel vm0, v44, v46  }
0xd1: {  	v18 =	vld [tilespmem:s10+$0x30];
	v59 =	vsel vm0, v25, v29;
	v25 =	vbroadcast v23, $0x4;
	v29 =	vbroadcast v23, $0x5  }
0xd2: {  	v4 =	vld [tilespmem:s10+$0xFFFFFF70];
	v45 =	vpop (erf);
	v60 =	vsel vm0, v30, v39;
	v30 =	vbroadcast v23, $0x6;
	v39 =	vsel vm0, v47, v48  }
0xd3: {  	v3 =	vld [tilespmem:s10+$0xFFFFFF60];
	v37 =	vbroadcast v45, $0x0;
	v61 =	vsel vm0, v25, v29;
	v29 =	vbroadcast v27, $0x4  }
0xd4: {  	v7 =	vld [tilespmem:s10+$0xFFFFFFB0];
	v46 =	vbroadcast v45, $0x4;
	v62 =	vsel vm0, v30, v41;
	v30 =	vbroadcast v27, $0x6  }
0xd5: {  	v6 =	vld [tilespmem:s10+$0xFFFFFF90];
	v41 =	vsel vm0, v51, v52;
	v52 =	vbroadcast v45, $0x1;
	v35 =	vsel vm0, v29, v42  }
0xd6: {  	v5 =	vld [tilespmem:s10+$0xFFFFFF80];
	v42 =	vsel vm0, v53, v63;
	v53 =	vbroadcast v45, $0x2;
	v63 =	vbroadcast v45, $0x3  }
0xd7: {  	v8 =	vld [tilespmem:s10+$0xFFFFFFC0];
	v36 =	vsel vm0, v30, v43;
	v43 =	vsel vm0, v37, v52;
	v37 =	vbroadcast v45, $0x5  }
0xd8: {  	v9 =	vld [tilespmem:s10+$0xFFFFFFD0];
	v49 =	vpop (erf);
	v48 =	vbroadcast v45, $0x6;
	v44 =	vsel vm0, v53, v63;
	v63 =	vbroadcast v45, $0x7  }
0xd9: {  	v10 =	vld [tilespmem:s10+$0xFFFFFFE0];
	[tilespmem:s10+$0x40] =	vst v45;
	v47 =	vbroadcast v49, $0x0;
	v45 =	vsel vm0, v46, v37;
	v37 =	vbroadcast v49, $0x1  }
0xda: {  	v14 =	vld [tilespmem:s10+$0x20];
	v46 =	vsel vm0, v48, v63;
	v48 =	vbroadcast v49, $0x2;
	v63 =	vbroadcast v49, $0x3  }
0xdb: {  	v33 =	vld [tilespmem:s10+$0xF0];
	v52 =	vbroadcast v49, $0x4;
	v47 =	vsel vm0, v47, v37;
	v37 =	vbroadcast v49, $0x5  }
0xdc: {  	v32 =	vld [tilespmem:s10+$0x100];
	v55 =	vpop (erf);
	v51 =	vbroadcast v49, $0x6;
	v48 =	vsel vm0, v48, v63;
	v63 =	vbroadcast v49, $0x7  }
0xdd: {  	v12 =	vld [tilespmem:s10+$0x0];
	[tilespmem:s10+$0x90] =	vst v49;
	v49 =	vsel vm0, v52, v37;
	v52 =	vbroadcast v55, $0x0;
	v37 =	vbroadcast v55, $0x1  }
0xde: {  	[tilespmem:$0x1FFF0] =	vst v0;
	v13 =	vld [tilespmem:s10+$0x10];
	v0 =	vbroadcast v55, $0x3;
	v51 =	vsel vm0, v51, v63;
	v63 =	vbroadcast v55, $0x2  }
0xdf: {  	[tilespmem:s10+$0xFFFFFFF0] =	vst v31;
	v31 =	vld [tilespmem:s10+$0x110];
	v1 =	vbroadcast v55, $0x4;
	v52 =	vsel vm0, v52, v37;
	v37 =	vbroadcast v55, $0x5  }
0xe0: {  	v16 =	vld [tilespmem:s10+$0x50];
	v53 =	vsel vm0, v63, v0;
	v0 =	vbroadcast v55, $0x6;
	v63 =	vbroadcast v55, $0x7  }
0xe1: {  	v58 =	vbroadcast v40, $0x3;
	v17 =	vsel vm0, v19, v20;
	v19 =	vld [tilespmem:s10+$0x60];
	[tilespmem:s10+$0xE0] =	vst v55;
	v55 =	vsel vm0, v1, v37  }
0xe2: {  	[tilespmem:s10+$0x130] =	vst v40;
	v1 =	vbroadcast v40, $0x4;
	v37 =	vbroadcast v40, $0x5;
	v40 =	vsel vm0, v0, v63;
	v0 =	vld [tilespmem:$0x1FFE0]  }
0xe3: {  	s9 =	sadd.s32 $0x8, s9;
	v20 =	vld [tilespmem:s10+$0x70];
	v59 =	vmul.f32 v59, v21  }
0xe4: {  	p0 =	slt.u32 s9, $0x78;
	v21 =	vsel vm0, v57, v58;
	v57 =	vmul.f32 v61, v22;
	v22 =	vsel vm0, v1, v37;
	v1 =	vld [tilespmem:$0x1FFF0]  }
.Ltmp1:
0xe5: {  	[tilespmem:s10+$0xFFFFFF00] =	vst v23;
	v23 =	vld [tilespmem:s10+$0x80];
	(pc) =	sbr.rel @p0 .LBB2_5-.Ltmp1, $4  }
0xe6: {  	v25 =	vld [tilespmem:s10+$0xA0]  }
0xe7: {  	[tilespmem:s10+$0xFFFFFFA0] =	vst v27;
	v27 =	vld [tilespmem:s10+$0xB0];
	v0 =	vmul.f32 v60, v0  }
0xe8: {  	s7 =	smov.u32 s10;
	v28 =	vmul.f32 v24, v28;
	v24 =	vmul.f32 v56, v26;
	[tilespmem:s10+$0xFFFFFEC0] =	vst v59;
	v29 =	vld [tilespmem:s10+$0xC0]  }
0xe9: {  	v34 =	vmul.f32 v54, v34;
	v30 =	vld [tilespmem:s10+$0xD0];
	s10 =	sadd.s32 $0x280, s10;
	v37 =	vmov v2;
	v58 =	vmul.f32 v1, v62;
	[tilespmem:s7+$0xFFFFFED0] =	vst v0  }
0xea: {  	[tilespmem:s7+$0xFFFFFEE0] =	vst v57  }
0xeb: {  	[tilespmem:s7+$0xFFFFFF10] =	vst v28  }
0xec: {  	[tilespmem:s7+$0xFFFFFF30] =	vst v24  }
0xed: {  	v0 =	vmul.f32 v50, v11;
	[tilespmem:s7+$0xFFFFFEF0] =	vst v58  }
0xee: {  	v1 =	vmul.f32 v15, v3;
	[tilespmem:s7+$0xFFFFFF20] =	vst v34  }
0xef: {  	v2 =	vmul.f32 v17, v4;
	[tilespmem:s7+$0xFFFFFF40] =	vst v0  }
0xf0: {  	v0 =	vmul.f32 v35, v5;
	[tilespmem:s7+$0xFFFFFF60] =	vst v1  }
0xf1: {  	v1 =	vmul.f32 v6, v36;
	[tilespmem:s7+$0xFFFFFF70] =	vst v2  }
0xf2: {  	v2 =	vmul.f32 v38, v7;
	[tilespmem:s7+$0xFFFFFF80] =	vst v0  }
0xf3: {  	v0 =	vmul.f32 v39, v8;
	[tilespmem:s7+$0xFFFFFF90] =	vst v1  }
0xf4: {  	v1 =	vmul.f32 v41, v9;
	[tilespmem:s7+$0xFFFFFFB0] =	vst v2  }
0xf5: {  	v2 =	vmul.f32 v10, v42;
	[tilespmem:s7+$0xFFFFFFC0] =	vst v0  }
0xf6: {  	v0 =	vmul.f32 v43, v12;
	[tilespmem:s7+$0xFFFFFFD0] =	vst v1  }
0xf7: {  	v1 =	vmul.f32 v44, v13;
	[tilespmem:s7+$0xFFFFFFE0] =	vst v2  }
0xf8: {  	v2 =	vmul.f32 v45, v14;
	[tilespmem:s7+$0x0] =	vst v0  }
0xf9: {  	v0 =	vmul.f32 v18, v46;
	[tilespmem:s7+$0x10] =	vst v1  }
0xfa: {  	v1 =	vmul.f32 v47, v16;
	[tilespmem:s7+$0x20] =	vst v2  }
0xfb: {  	v2 =	vmul.f32 v48, v19;
	[tilespmem:s7+$0x30] =	vst v0  }
0xfc: {  	v0 =	vmul.f32 v49, v20;
	[tilespmem:s7+$0x50] =	vst v1  }
0xfd: {  	v1 =	vmul.f32 v23, v51;
	[tilespmem:s7+$0x60] =	vst v2  }
0xfe: {  	v2 =	vmul.f32 v52, v25;
	[tilespmem:s7+$0x70] =	vst v0  }
0xff: {  	v0 =	vmul.f32 v53, v27;
	[tilespmem:s7+$0x80] =	vst v1  }
0x100: {  	v1 =	vmul.f32 v55, v29;
	[tilespmem:s7+$0xA0] =	vst v2  }
0x101: {  	v2 =	vmul.f32 v30, v40;
	[tilespmem:s7+$0xB0] =	vst v0  }
0x102: {  	v0 =	vmul.f32 v37, v33;
	[tilespmem:s7+$0xC0] =	vst v1  }
0x103: {  	v1 =	vmul.f32 v21, v32;
	[tilespmem:s7+$0xD0] =	vst v2  }
0x104: {  	s9 =	sshll.u32 s20, $0x8;
	v2 =	vmul.f32 v22, v31;
	[tilespmem:s7+$0xF0] =	vst v0  }
0x105: {  	s9 =	sand.u32 $0x3FFFFF00, s9;
	[tilespmem:s7+$0x100] =	vst v1  }
0x106: {  	s22 =	sadd.s32 $0xF000, s9;
	[tilespmem:s7+$0x110] =	vst v2  }
0x107: {  	[spmem:s2] =	stream.indirect.scatter.add.f32 [tilespmem:s26], [sflag:$0x5], $0x50, s22, s24, $0xb8;
	[tilespmem:$0x18C00] =	vst v63  }
0x108: {  	p0 =	seq.s32 s20, $0x27;
	_ =	swait.ge [sflag:s21], $0x2800  }
0x109: {  	s10 =	simm.s32 @!p0 $0x80;
	s7 =	sshll.u32 @!p0 s20, $0x8;
	[sflag:s21] =	ssyncset.done $0x0  }
0x10a: {  	s9 =	sadd.s32 @!p0 $0xC900, s7;
	s22 =	simm.s32 @!p0 $0x11800;
	[sflag:s21] =	ssyncadd.s32 $0xFFFFD800  }
0x10b: {  	[tilespmem:s22], [sflag:$0x1] =	stream.indirect.gather @!p0 [hbm4b:s4+s10], $0x50, s9, s10, $0xb8;
	[tilespmem:$0x18C00] =	vst v63  }
0x10c: {  	s7 =	sadd.s32 @!p0 $0xF100, s7;
	s9 =	simm.s32 @!p0 $0x16800  }
0x10d: {  	[tilespmem:s9], [sflag:$0x2] =	stream.indirect.gather @!p0 [hbm4b:s5+s10], $0x10, s7, s10, $0xb8;
	[tilespmem:$0x18C00] =	vst v63  }
0x10e: {  	_ =	swait.ge [sflag:s28], $0x2800  }
0x10f: {  	[sflag:s28] =	ssyncset.done $0x0  }
0x110: {  	[sflag:s28] =	ssyncadd.s32 $0xFFFFD800  }
0x111: {  	_ =	swait.ge [sflag:s1], $0x800  }
0x112: {  	[sflag:s1] =	ssyncset.done $0x0  }
0x113: {  	s7 =	simm.s32 $0x14140;
	[sflag:s1] =	ssyncadd.s32 $0xFFFFF800  }
0x114: {  	s22 =	simm.s32 $0x17040;
	v0 =	vld [tilespmem:s7+$0x130]  }
0x115: {  	v1 =	vld [tilespmem:s22+$0x30]  }
0x116: {  	v2 =	vld [tilespmem:s22+$0xFFFFFFC0]  }
0x117: {  	v3 =	vld [tilespmem:s7+$0xFFFFFF50]  }
0x118: {  	v4 =	vld [tilespmem:s22+$0xFFFFFFD0]  }
0x119: {  	v5 =	vld [tilespmem:s7+$0xFFFFFFA0]  }
0x11a: {  	v6 =	vld [tilespmem:s22+$0xFFFFFFE0]  }
0x11b: {  	v7 =	vld [tilespmem:s22+$0xFFFFFFF0]  }
0x11c: {  	v9 =	vld [tilespmem:s7+$0x40];
	v0 =	vadd.f32 v1, v0  }
0x11d: {  	v10 =	vld [tilespmem:s22+$0x0];
	v3 =	vadd.f32 v4, v3  }
0x11e: {  	v1 =	vld [tilespmem:s7+$0xFFFFFFF0];
	v8 =	vmul.f32 $2.000000030e-01, v0  }
0x11f: {  	v4 =	vld [tilespmem:s7+$0x90];
	vm1 =	vlt.f32 v0, $0.0e+00;
	v11 =	vmul.f32 $2.000000030e-01, v3  }
0x120: {  	v5 =	vadd.f32 v6, v5;
	v6 =	vld [tilespmem:s7+$0xE0];
	v0 =	vsel vm1, v8, v0;
	vm1 =	vlt.f32 v3, $0.0e+00  }
0x121: {  	v8 =	vld [tilespmem:s22+$0x10];
	v0 =	vmul.f32 $1.442695020e+00, v0;
	v3 =	vsel vm1, v11, v3  }
0x122: {  	v11 =	vld [tilespmem:s7+$0xFFFFFF00];
	v3 =	vmul.f32 $1.442695020e+00, v3  }
0x123: {  	(erf) = vpow2.f32 v0;
	v0 =	vadd.f32 v7, v1;
	v1 =	vld [tilespmem:s22+$0x20];
	v7 =	vmul.f32 $2.000000030e-01, v5  }
0x124: {  	v9 =	vadd.f32 v10, v9;
	vm1 =	vlt.f32 v5, $0.0e+00;
	(erf) = vpow2.f32 v3  }
0x125: {  	vm2 =	vlt.f32 v0, $0.0e+00;
	v10 =	vmul.f32 $2.000000030e-01, v0;
	v5 =	vsel vm1, v7, v5  }
0x126: {  	v4 =	vadd.f32 v8, v4;
	vm1 =	vlt.f32 v9, $0.0e+00;
	v7 =	vmul.f32 $2.000000030e-01, v9  }
0x127: {  	v3 =	vmul.f32 $1.442695020e+00, v5;
	v2 =	vadd.f32 v2, v11;
	v0 =	vsel vm2, v10, v0  }
0x128: {  	v5 =	vmul.f32 $2.000000030e-01, v4;
	vm2 =	vlt.f32 v4, $0.0e+00;
	v1 =	vadd.f32 v1, v6  }
0x129: {  	v0 =	vmul.f32 $1.442695020e+00, v0;
	v6 =	vsel vm1, v7, v9;
	v8 =	vmul.f32 $2.000000030e-01, v2  }
0x12a: {  	(erf) = vpow2.f32 v3;
	v4 =	vsel vm2, v5, v4;
	vm2 =	vlt.f32 v2, $0.0e+00  }
0x12b: {  	v6 =	vmul.f32 $1.442695020e+00, v6;
	vm1 =	vlt.f32 v1, $0.0e+00;
	v5 =	vmul.f32 $2.000000030e-01, v1  }
0x12c: {  	v2 =	vsel vm2, v8, v2;
	v4 =	vmul.f32 $1.442695020e+00, v4;
	(erf) = vpow2.f32 v0;
	v21 =	vpop (erf)  }
0x12d: {  	v2 =	vmul.f32 $1.442695020e+00, v2;
	v1 =	vsel vm1, v5, v1;
	v9 =	vbroadcast v21, $0x6  }
0x12e: {  	v7 =	vld [tilespmem:s7+$0x120];
	v10 =	vbroadcast v21, $0x7;
	v1 =	vmul.f32 $1.442695020e+00, v1  }
0x12f: {  	(erf) = vpow2.f32 v2;
	v2 =	vbroadcast v21, $0x0  }
0x130: {  	v20 =	vpop (erf);
	v31 =	vbroadcast v21, $0x2;
	(erf) = vpow2.f32 v6  }
0x131: {  	v5 =	vbroadcast v20, $0x1;
	v6 =	vbroadcast v20, $0x4  }
0x132: {  	v3 =	vsel vm0, v9, v10;
	(erf) = vpow2.f32 v4;
	v4 =	vbroadcast v20, $0x2  }
0x133: {  	v0 =	vmul.f32 v7, v3;
	v3 =	vbroadcast v20, $0x0  }
0x134: {  	(erf) = vpow2.f32 v1;
	v1 =	vbroadcast v20, $0x3  }
0x135: {  	v7 =	vbroadcast v20, $0x5;
	v22 =	vsel vm0, v3, v5;
	v3 =	vbroadcast v20, $0x6  }
0x136: {  	v25 =	vpop (erf);
	v5 =	vbroadcast v20, $0x7;
	v24 =	vsel vm0, v4, v1;
	v1 =	vbroadcast v21, $0x1  }
0x137: {  	v27 =	vld [tilespmem:s7+$0xFFFFFEC0];
	v62 =	vsel vm0, v6, v7;
	v4 =	vbroadcast v25, $0x0;
	v6 =	vbroadcast v25, $0x1  }
0x138: {  	v28 =	vld [tilespmem:s7+$0xFFFFFED0];
	v10 =	vbroadcast v25, $0x4;
	v12 =	vbroadcast v25, $0x5  }
0x139: {  	v30 =	vld [tilespmem:s7+$0xFFFFFEE0];
	v13 =	vbroadcast v25, $0x7;
	v29 =	vpop (erf);
	v11 =	vsel vm0, v3, v5;
	v3 =	vbroadcast v25, $0x2  }
0x13a: {  	v32 =	vld [tilespmem:s7+$0xFFFFFEF0];
	v5 =	vbroadcast v25, $0x3;
	v14 =	vbroadcast v29, $0x0  }
0x13b: {  	v34 =	vld [tilespmem:s7+$0xFFFFFF10];
	v16 =	vbroadcast v29, $0x1;
	v35 =	vsel vm0, v10, v12;
	v10 =	vbroadcast v29, $0x2  }
0x13c: {  	v50 =	vld [tilespmem:s7+$0xFFFFFF30];
	v12 =	vbroadcast v29, $0x3;
	v18 =	vbroadcast v29, $0x5  }
0x13d: {  	v26 =	vld [tilespmem:s7+$0xFFFFFF40];
	v33 =	vpop (erf);
	v38 =	vsel vm0, v14, v16;
	v14 =	vbroadcast v29, $0x6;
	v16 =	vbroadcast v29, $0x7  }
0x13e: {  	[tilespmem:s7+$0xFFFFFF50] =	vst v20;
	v20 =	vld [tilespmem:s7+$0x70];
	v37 =	vsel vm0, v2, v1;
	v7 =	vbroadcast v33, $0x0;
	v8 =	vbroadcast v33, $0x1  }
0x13f: {  	v1 =	vld [tilespmem:s7+$0xFFFFFF20];
	v15 =	vsel vm0, v4, v6;
	v4 =	vbroadcast v33, $0x2;
	v6 =	vbroadcast v33, $0x3  }
0x140: {  	v17 =	vsel vm0, v3, v5;
	v3 =	vld [tilespmem:s7+$0xFFFFFF60];
	v5 =	vbroadcast v33, $0x4;
	v9 =	vbroadcast v33, $0x5;
	v58 =	vpop (erf)  }
0x141: {  	v39 =	vsel vm0, v10, v12;
	v10 =	vld [tilespmem:s7+$0xFFFFFFE0];
	v19 =	vbroadcast v58, $0x0;
	v23 =	vbroadcast v58, $0x1  }
0x142: {  	v12 =	vld [tilespmem:s7+$0x0];
	v52 =	vbroadcast v58, $0x3;
	v55 =	vbroadcast v58, $0x4  }
0x143: {  	v42 =	vsel vm0, v14, v16;
	v57 =	vbroadcast v58, $0x5;
	v59 =	vbroadcast v58, $0x7;
	v14 =	vld [tilespmem:s7+$0x20]  }
0x144: {  	v16 =	vld [tilespmem:s7+$0x50];
	v40 =	vsel vm0, v7, v8;
	v7 =	vbroadcast v33, $0x6;
	v8 =	vbroadcast v33, $0x7  }
0x145: {  	v63 =	vpop (erf);
	v53 =	vsel vm0, v4, v6;
	v4 =	vld [tilespmem:s7+$0xFFFFFF70];
	v54 =	vsel vm0, v5, v9;
	v9 =	vbroadcast v25, $0x6  }
0x146: {  	v5 =	vld [tilespmem:s7+$0xFFFFFF80];
	v60 =	vbroadcast v63, $0x0;
	v61 =	vbroadcast v63, $0x1  }
0x147: {  	[tilespmem:s7+$0x120] =	vst v0;
	v6 =	vld [tilespmem:s7+$0xFFFFFF90];
	v0 =	vbroadcast v63, $0x4;
	v51 =	vbroadcast v63, $0x6;
	v43 =	vsel vm0, v19, v23  }
0x148: {  	[tilespmem:s7+$0xFFFFFFA0] =	vst v25;
	v25 =	vld [tilespmem:s7+$0xA0];
	v23 =	vbroadcast v58, $0x6;
	v45 =	vsel vm0, v55, v57;
	v55 =	vbroadcast v63, $0x3  }
0x149: {  	[tilespmem:s7+$0xFFFFFF00] =	vst v33;
	v33 =	vld [tilespmem:s7+$0xF0];
	v57 =	vbroadcast v63, $0x5;
	v56 =	vsel vm0, v7, v8;
	v36 =	vsel vm0, v9, v13  }
0x14a: {  	v19 =	vld [tilespmem:s7+$0x60];
	v13 =	vbroadcast v29, $0x4;
	v47 =	vsel vm0, v60, v61;
	v60 =	vbroadcast v63, $0x7  }
0x14b: {  	v7 =	vld [tilespmem:s7+$0xFFFFFFB0];
	v61 =	vmul.f32 v53, v28;
	v46 =	vsel vm0, v23, v59;
	v59 =	vpop (erf);
	v49 =	vsel vm0, v0, v57  }
0x14c: {  	v8 =	vld [tilespmem:s7+$0xFFFFFFC0];
	v41 =	vsel vm0, v13, v18;
	v18 =	vbroadcast v58, $0x2;
	v0 =	vbroadcast v59, $0x2  }
0x14d: {  	v9 =	vld [tilespmem:s7+$0xFFFFFFD0];
	v57 =	vbroadcast v59, $0x3;
	v51 =	vsel vm0, v51, v60;
	v60 =	vmul.f32 v40, v27  }
0x14e: {  	[tilespmem:s7+$0xFFFFFFF0] =	vst v29;
	v29 =	vld [tilespmem:s7+$0xC0];
	v40 =	vbroadcast v59, $0x4;
	v44 =	vsel vm0, v18, v52;
	v52 =	vbroadcast v63, $0x2  }
0x14f: {  	[tilespmem:s7+$0x40] =	vst v58;
	v23 =	vld [tilespmem:s7+$0x80];
	v28 =	vbroadcast v59, $0x5;
	v58 =	vmul.f32 v32, v56  }
0x150: {  	v13 =	vld [tilespmem:s7+$0x10];
	v48 =	vsel vm0, v52, v55;
	v52 =	vbroadcast v59, $0x0;
	v55 =	vbroadcast v59, $0x1  }
0x151: {  	[tilespmem:s7+$0xE0] =	vst v59;
	v27 =	vld [tilespmem:s7+$0xB0];
	v53 =	vsel vm0, v0, v57;
	v0 =	vbroadcast v59, $0x6;
	v59 =	vbroadcast v59, $0x7  }
0x152: {  	[tilespmem:s7+$0x130] =	vst v21;
	v32 =	vld [tilespmem:s7+$0x100];
	v52 =	vsel vm0, v52, v55;
	v55 =	vsel vm0, v40, v28;
	v28 =	vbroadcast v21, $0x3  }
0x153: {  	[tilespmem:s7+$0x90] =	vst v63;
	v18 =	vld [tilespmem:s7+$0x30];
	v63 =	vbroadcast v21, $0x5;
	v40 =	vsel vm0, v0, v59;
	v0 =	vbroadcast v21, $0x4  }
0x154: {  	[tilespmem:s7+$0xFFFFFED0] =	vst v61;
	v57 =	vmul.f32 v54, v30;
	v30 =	vld [tilespmem:s7+$0xD0];
	v21 =	vsel vm0, v31, v28;
	v28 =	vmul.f32 v22, v34  }
0x155: {  	s9 =	simm.s32 $0x0;
	s10 =	simm.s32 $0x143C0;
	[tilespmem:s7+$0xFFFFFEC0] =	vst v60;
	v22 =	vsel vm0, v0, v63;
	v34 =	vmul.f32 v24, v1;
	v24 =	vmul.f32 v62, v50;
	v31 =	vld [tilespmem:s7+$0x110]  }
.LBB2_7:
0x156: {  	v0 =	vld [tilespmem:s10+$0x130];
	[tilespmem:s7+$0xFFFFFEE0] =	vst v57;
	s22 =	sadd.s32 $0x80, s22  }
0x157: {  	[tilespmem:s7+$0xFFFFFEF0] =	vst v58;
	v2 =	vmul.f32 v26, v11;
	v11 =	vld [tilespmem:s22+$0x30]  }
0x158: {  	[tilespmem:s7+$0xFFFFFF10] =	vst v28;
	v3 =	vmul.f32 v15, v3;
	v4 =	vmul.f32 v17, v4;
	v15 =	vld [tilespmem:s22+$0xFFFFFFC0]  }
0x159: {  	v5 =	vmul.f32 v35, v5;
	v6 =	vmul.f32 v6, v36;
	v17 =	vld [tilespmem:s10+$0xFFFFFF50];
	[tilespmem:s7+$0xFFFFFF20] =	vst v34  }
0x15a: {  	v7 =	vmul.f32 v38, v7;
	v8 =	vmul.f32 v39, v8;
	v26 =	vld [tilespmem:s22+$0xFFFFFFD0];
	[tilespmem:s7+$0xFFFFFF30] =	vst v24  }
0x15b: {  	v10 =	vmul.f32 v10, v42;
	v12 =	vmul.f32 v43, v12;
	v24 =	vld [tilespmem:s10+$0xFFFFFFA0];
	[tilespmem:s7+$0xFFFFFF40] =	vst v2  }
0x15c: {  	v2 =	vmul.f32 v44, v13;
	v13 =	vmul.f32 v45, v14;
	v14 =	vld [tilespmem:s22+$0xFFFFFFE0];
	[tilespmem:s7+$0xFFFFFF60] =	vst v3  }
0x15d: {  	v3 =	vmul.f32 v18, v46;
	[tilespmem:s7+$0xFFFFFF70] =	vst v4;
	v4 =	vmul.f32 v48, v19;
	v19 =	vld [tilespmem:s22+$0xFFFFFFF0];
	v0 =	vadd.f32 v11, v0  }
0x15e: {  	v18 =	vmul.f32 v49, v20;
	[tilespmem:s7+$0xFFFFFF80] =	vst v5;
	v11 =	vmul.f32 v47, v16;
	v16 =	vld [tilespmem:s10+$0xFFFFFFF0]  }
0x15f: {  	v5 =	vmul.f32 v23, v51;
	v23 =	vld [tilespmem:s10+$0x40];
	[tilespmem:s7+$0xFFFFFF90] =	vst v6;
	v20 =	vmul.f32 $2.000000030e-01, v0  }
0x160: {  	v6 =	vmul.f32 v52, v25;
	v25 =	vld [tilespmem:s22+$0x0];
	[tilespmem:s7+$0xFFFFFFB0] =	vst v7;
	v17 =	vadd.f32 v26, v17;
	vm1 =	vlt.f32 v0, $0.0e+00  }
0x161: {  	v7 =	vmul.f32 v53, v27;
	[tilespmem:s7+$0xFFFFFFC0] =	vst v8;
	v8 =	vld [tilespmem:s22+$0x10];
	v14 =	vadd.f32 v14, v24;
	v0 =	vsel vm1, v20, v0  }
0x162: {  	[tilespmem:s7+$0xFFFFFFE0] =	vst v10;
	v10 =	vld [tilespmem:s22+$0x20];
	v26 =	vmul.f32 $2.000000030e-01, v17;
	v0 =	vmul.f32 $1.442695020e+00, v0  }
0x163: {  	v24 =	vld [tilespmem:s10+$0x90];
	vm1 =	vlt.f32 v17, $0.0e+00;
	v27 =	vmul.f32 $2.000000030e-01, v14;
	v16 =	vadd.f32 v19, v16  }
0x164: {  	v19 =	vld [tilespmem:s10+$0xE0];
	(erf) = vpow2.f32 v0;
	v0 =	vsel vm1, v26, v17;
	vm1 =	vlt.f32 v14, $0.0e+00  }
0x165: {  	v9 =	vmul.f32 v41, v9;
	[tilespmem:s7+$0x10] =	vst v2;
	v0 =	vmul.f32 $1.442695020e+00, v0;
	v2 =	vsel vm1, v27, v14;
	v14 =	vld [tilespmem:s10+$0xFFFFFED0]  }
0x166: {  	v1 =	vmul.f32 v37, v33;
	[tilespmem:s7+$0x0] =	vst v12;
	v12 =	vmul.f32 v21, v32;
	v17 =	vld [tilespmem:s10+$0xFFFFFF00]  }
0x167: {  	[tilespmem:s7+$0x20] =	vst v13;
	v13 =	vmul.f32 v22, v31;
	(erf) = vpow2.f32 v0;
	v0 =	vld [tilespmem:s10+$0xFFFFFEF0]  }
0x168: {  	[tilespmem:s7+$0xFFFFFFD0] =	vst v9;
	v9 =	vmul.f32 v30, v40;
	v23 =	vadd.f32 v25, v23;
	v20 =	vmul.f32 v55, v29  }
0x169: {  	[tilespmem:s7+$0x30] =	vst v3;
	vm2 =	vlt.f32 v16, $0.0e+00;
	v26 =	vmul.f32 $2.000000030e-01, v16;
	v8 =	vadd.f32 v8, v24  }
0x16a: {  	vm1 =	vlt.f32 v23, $0.0e+00;
	v25 =	vmul.f32 $1.442695020e+00, v2;
	[tilespmem:$0x1FFC0] =	vst v14;
	v14 =	vmul.f32 $2.000000030e-01, v23  }
0x16b: {  	[tilespmem:s7+$0x60] =	vst v4;
	v2 =	vsel vm2, v26, v16;
	v3 =	vadd.f32 v10, v19;
	v4 =	vadd.f32 v15, v17  }
0x16c: {  	v10 =	vmul.f32 $1.442695020e+00, v2;
	[tilespmem:$0x1FFD0] =	vst v0;
	v0 =	vmul.f32 $2.000000030e-01, v8;
	v2 =	vsel vm1, v14, v23  }
0x16d: {  	[tilespmem:s7+$0x80] =	vst v5;
	vm2 =	vlt.f32 v8, $0.0e+00;
	v5 =	vmul.f32 $2.000000030e-01, v4;
	v14 =	vmul.f32 $1.442695020e+00, v2  }
0x16e: {  	[tilespmem:s7+$0xA0] =	vst v6;
	v40 =	vpop (erf);
	(erf) = vpow2.f32 v25;
	v0 =	vsel vm2, v0, v8;
	v8 =	vmul.f32 $2.000000030e-01, v3  }
0x16f: {  	[tilespmem:s7+$0x50] =	vst v11;
	v11 =	vld [tilespmem:s10+$0x120];
	vm1 =	vlt.f32 v3, $0.0e+00;
	v6 =	vbroadcast v40, $0x6;
	(erf) = vpow2.f32 v10  }
0x170: {  	[tilespmem:s7+$0xF0] =	vst v1;
	vm2 =	vlt.f32 v4, $0.0e+00;
	v1 =	vbroadcast v40, $0x0;
	v16 =	vbroadcast v40, $0x1  }
0x171: {  	v4 =	vsel vm2, v5, v4;
	v3 =	vsel vm1, v8, v3;
	v8 =	vbroadcast v40, $0x7  }
0x172: {  	[tilespmem:s7+$0xB0] =	vst v7;
	v57 =	vbroadcast v40, $0x2;
	v7 =	vmul.f32 $1.442695020e+00, v4  }
0x173: {  	v0 =	vmul.f32 $1.442695020e+00, v0;
	v15 =	vmul.f32 $1.442695020e+00, v3;
	v5 =	vsel vm0, v6, v8  }
0x174: {  	(erf) = vpow2.f32 v7;
	v8 =	vmul.f32 v11, v5;
	v11 =	vpop (erf)  }
0x175: {  	[tilespmem:s7+$0xD0] =	vst v9;
	(erf) = vpow2.f32 v14;
	v9 =	vbroadcast v11, $0x0  }
0x176: {  	v10 =	vbroadcast v11, $0x1;
	(erf) = vpow2.f32 v0  }
0x177: {  	[tilespmem:s7+$0x100] =	vst v12;
	v0 =	vbroadcast v11, $0x2;
	v12 =	vbroadcast v11, $0x3  }
0x178: {  	v14 =	vbroadcast v11, $0x5;
	[tilespmem:s10+$0x120] =	vst v8;
	(erf) = vpow2.f32 v15  }
0x179: {  	v15 =	vbroadcast v11, $0x6;
	[tilespmem:s7+$0x110] =	vst v13;
	v13 =	vbroadcast v11, $0x4;
	v27 =	vpop (erf)  }
0x17a: {  	v54 =	vsel vm0, v0, v12;
	v0 =	vbroadcast v11, $0x7;
	v29 =	vbroadcast v27, $0x0  }
0x17b: {  	v17 =	vbroadcast v27, $0x2;
	v19 =	vbroadcast v27, $0x3  }
0x17c: {  	v42 =	vbroadcast v27, $0x4;
	v43 =	vbroadcast v27, $0x5  }
0x17d: {  	[tilespmem:s10+$0xFFFFFF50] =	vst v11;
	v31 =	vpop (erf);
	v44 =	vbroadcast v27, $0x7;
	v11 =	vsel vm0, v15, v0;
	v15 =	vbroadcast v27, $0x1  }
0x17e: {  	v21 =	vld [tilespmem:s10+$0xFFFFFEC0];
	v45 =	vbroadcast v31, $0x0;
	v46 =	vbroadcast v31, $0x1  }
0x17f: {  	v28 =	vld [tilespmem:s10+$0xFFFFFF10];
	v2 =	vsel vm0, v1, v16;
	v47 =	vbroadcast v31, $0x2;
	v48 =	vbroadcast v31, $0x3  }
0x180: {  	v34 =	vld [tilespmem:s10+$0xFFFFFF20];
	v50 =	vsel vm0, v9, v10;
	v51 =	vbroadcast v31, $0x4;
	v52 =	vbroadcast v31, $0x5  }
0x181: {  	v22 =	vld [tilespmem:s10+$0xFFFFFEE0];
	[tilespmem:s7+$0x70] =	vst v18;
	v56 =	vsel vm0, v13, v14;
	v53 =	vbroadcast v31, $0x6;
	v63 =	vbroadcast v31, $0x7;
	v23 =	vpop (erf)  }
0x182: {  	v18 =	vld [tilespmem:s10+$0x30];
	[tilespmem:s7+$0xC0] =	vst v20;
	v35 =	vsel vm0, v42, v43;
	v15 =	vsel vm0, v29, v15;
	v20 =	vbroadcast v23, $0x0  }
0x183: {  	v24 =	vld [tilespmem:s10+$0xFFFFFF30];
	v38 =	vsel vm0, v45, v46;
	v25 =	vbroadcast v23, $0x1;
	v29 =	vbroadcast v23, $0x2  }
0x184: {  	v26 =	vld [tilespmem:s10+$0xFFFFFF40];
	v39 =	vsel vm0, v47, v48;
	v0 =	vpop (erf);
	v30 =	vbroadcast v23, $0x3;
	v41 =	vbroadcast v23, $0x5  }
0x185: {  	v4 =	vld [tilespmem:s10+$0xFFFFFF70];
	v42 =	vsel vm0, v53, v63;
	v37 =	vbroadcast v0, $0x0;
	v48 =	vbroadcast v0, $0x1  }
0x186: {  	v16 =	vld [tilespmem:s10+$0x50];
	v53 =	vbroadcast v0, $0x4;
	v63 =	vbroadcast v0, $0x5;
	v59 =	vsel vm0, v20, v25  }
0x187: {  	v3 =	vld [tilespmem:s10+$0xFFFFFF60];
	v49 =	vpop (erf);
	v25 =	vbroadcast v23, $0x4;
	v60 =	vsel vm0, v29, v30;
	v29 =	vbroadcast v23, $0x6  }
0x188: {  	v6 =	vld [tilespmem:s10+$0xFFFFFF90];
	v30 =	vbroadcast v23, $0x7;
	v47 =	vbroadcast v49, $0x0;
	v43 =	vsel vm0, v37, v48  }
0x189: {  	v7 =	vld [tilespmem:s10+$0xFFFFFFB0];
	v37 =	vbroadcast v0, $0x6;
	v45 =	vsel vm0, v53, v63;
	v63 =	vbroadcast v49, $0x1  }
0x18a: {  	v5 =	vld [tilespmem:s10+$0xFFFFFF80];
	v61 =	vsel vm0, v25, v41;
	v41 =	vsel vm0, v51, v52;
	v51 =	vbroadcast v0, $0x2  }
0x18b: {  	v8 =	vld [tilespmem:s10+$0xFFFFFFC0];
	[tilespmem:s10+$0x40] =	vst v0;
	v62 =	vsel vm0, v29, v30;
	v52 =	vbroadcast v0, $0x3;
	v0 =	vbroadcast v0, $0x7  }
0x18c: {  	v9 =	vld [tilespmem:s10+$0xFFFFFFD0];
	v30 =	vbroadcast v27, $0x6;
	v47 =	vsel vm0, v47, v63;
	v63 =	vbroadcast v49, $0x5  }
0x18d: {  	v10 =	vld [tilespmem:s10+$0xFFFFFFE0];
	v46 =	vsel vm0, v37, v0;
	v0 =	vbroadcast v49, $0x2;
	v37 =	vbroadcast v49, $0x3  }
0x18e: {  	v12 =	vld [tilespmem:s10+$0x0];
	v36 =	vsel vm0, v30, v44;
	v44 =	vsel vm0, v51, v52;
	v51 =	vbroadcast v49, $0x4  }
0x18f: {  	v33 =	vld [tilespmem:s10+$0xF0];
	v55 =	vpop (erf);
	v48 =	vsel vm0, v0, v37;
	v0 =	vbroadcast v49, $0x6;
	v37 =	vbroadcast v49, $0x7  }
0x190: {  	v32 =	vld [tilespmem:s10+$0x100];
	[tilespmem:s10+$0x90] =	vst v49;
	v52 =	vbroadcast v55, $0x0;
	v49 =	vsel vm0, v51, v63;
	v63 =	vbroadcast v55, $0x1  }
0x191: {  	v13 =	vld [tilespmem:s10+$0x10];
	v51 =	vsel vm0, v0, v37;
	v0 =	vbroadcast v55, $0x2;
	v37 =	vbroadcast v55, $0x3  }
0x192: {  	v14 =	vld [tilespmem:s10+$0x20];
	v1 =	vbroadcast v55, $0x5;
	v52 =	vsel vm0, v52, v63;
	v63 =	vbroadcast v55, $0x4  }
0x193: {  	[tilespmem:s10+$0xFFFFFFF0] =	vst v31;
	v31 =	vld [tilespmem:s10+$0x110];
	v53 =	vsel vm0, v0, v37;
	v0 =	vbroadcast v55, $0x6;
	v37 =	vbroadcast v55, $0x7  }
0x194: {  	v58 =	vbroadcast v40, $0x3;
	v17 =	vsel vm0, v17, v19;
	v19 =	vld [tilespmem:s10+$0x60];
	[tilespmem:s10+$0xE0] =	vst v55;
	v55 =	vsel vm0, v63, v1  }
0x195: {  	[tilespmem:s10+$0x130] =	vst v40;
	v1 =	vbroadcast v40, $0x4;
	v63 =	vbroadcast v40, $0x5;
	v40 =	vsel vm0, v0, v37;
	v0 =	vld [tilespmem:$0x1FFC0]  }
0x196: {  	s9 =	sadd.s32 $0x8, s9;
	v20 =	vld [tilespmem:s10+$0x70];
	v59 =	vmul.f32 v59, v21  }
0x197: {  	p0 =	slt.u32 s9, $0x78;
	v21 =	vsel vm0, v57, v58;
	v57 =	vmul.f32 v61, v22;
	v22 =	vsel vm0, v1, v63;
	v1 =	vld [tilespmem:$0x1FFD0]  }
.Ltmp2:
0x198: {  	[tilespmem:s10+$0xFFFFFF00] =	vst v23;
	v23 =	vld [tilespmem:s10+$0x80];
	(pc) =	sbr.rel @p0 .LBB2_7-.Ltmp2, $4  }
0x199: {  	v25 =	vld [tilespmem:s10+$0xA0]  }
0x19a: {  	[tilespmem:s10+$0xFFFFFFA0] =	vst v27;
	v27 =	vld [tilespmem:s10+$0xB0];
	v0 =	vmul.f32 v60, v0  }
0x19b: {  	s7 =	smov.u32 s10;
	v28 =	vmul.f32 v50, v28;
	v34 =	vmul.f32 v54, v34;
	v29 =	vld [tilespmem:s10+$0xC0];
	[tilespmem:s10+$0xFFFFFEC0] =	vst v59  }
0x19c: {  	v24 =	vmul.f32 v56, v24;
	v30 =	vld [tilespmem:s10+$0xD0];
	s10 =	sadd.s32 $0x280, s10;
	v37 =	vmov v2;
	v58 =	vmul.f32 v1, v62;
	[tilespmem:s7+$0xFFFFFED0] =	vst v0  }
0x19d: {  	[tilespmem:s7+$0xFFFFFEE0] =	vst v57  }
0x19e: {  	[tilespmem:s7+$0xFFFFFF10] =	vst v28  }
0x19f: {  	[tilespmem:s7+$0xFFFFFF20] =	vst v34  }
0x1a0: {  	v0 =	vmul.f32 v26, v11;
	[tilespmem:s7+$0xFFFFFEF0] =	vst v58  }
0x1a1: {  	v1 =	vmul.f32 v15, v3;
	[tilespmem:s7+$0xFFFFFF30] =	vst v24  }
0x1a2: {  	v2 =	vmul.f32 v17, v4;
	[tilespmem:s7+$0xFFFFFF40] =	vst v0  }
0x1a3: {  	v35 =	vmul.f32 v35, v5;
	[tilespmem:s7+$0xFFFFFF60] =	vst v1  }
0x1a4: {  	v36 =	vmul.f32 v6, v36;
	[tilespmem:s7+$0xFFFFFF70] =	vst v2  }
0x1a5: {  	v38 =	vmul.f32 v38, v7;
	[tilespmem:s7+$0xFFFFFF80] =	vst v35  }
0x1a6: {  	v39 =	vmul.f32 v39, v8;
	[tilespmem:s7+$0xFFFFFF90] =	vst v36  }
0x1a7: {  	v41 =	vmul.f32 v41, v9;
	[tilespmem:s7+$0xFFFFFFB0] =	vst v38  }
0x1a8: {  	v42 =	vmul.f32 v10, v42;
	[tilespmem:s7+$0xFFFFFFC0] =	vst v39  }
0x1a9: {  	v43 =	vmul.f32 v43, v12;
	[tilespmem:s7+$0xFFFFFFD0] =	vst v41  }
0x1aa: {  	v44 =	vmul.f32 v44, v13;
	[tilespmem:s7+$0xFFFFFFE0] =	vst v42  }
0x1ab: {  	v45 =	vmul.f32 v45, v14;
	[tilespmem:s7+$0x0] =	vst v43  }
0x1ac: {  	v46 =	vmul.f32 v18, v46;
	[tilespmem:s7+$0x10] =	vst v44  }
0x1ad: {  	v47 =	vmul.f32 v47, v16;
	[tilespmem:s7+$0x20] =	vst v45  }
0x1ae: {  	v50 =	vmul.f32 v48, v19;
	[tilespmem:s7+$0x30] =	vst v46  }
0x1af: {  	v54 =	vmul.f32 v49, v20;
	[tilespmem:s7+$0x50] =	vst v47  }
0x1b0: {  	v56 =	vmul.f32 v23, v51;
	[tilespmem:s7+$0x60] =	vst v50  }
0x1b1: {  	v61 =	vmul.f32 v37, v33;
	[tilespmem:s7+$0x70] =	vst v54  }
0x1b2: {  	v62 =	vmul.f32 v21, v32;
	[tilespmem:s7+$0x80] =	vst v56  }
0x1b3: {  	v63 =	vmul.f32 v22, v31;
	[tilespmem:s7+$0xF0] =	vst v61  }
0x1b4: {  	v57 =	vmul.f32 v52, v25;
	[tilespmem:s7+$0x100] =	vst v62  }
0x1b5: {  	v58 =	vmul.f32 v53, v27;
	[tilespmem:s7+$0x110] =	vst v63  }
0x1b6: {  	v59 =	vmul.f32 v55, v29;
	[tilespmem:s7+$0xA0] =	vst v57  }
0x1b7: {  	s20 =	sadd.s32 $0x1, s20;
	v60 =	vmul.f32 v30, v40;
	[tilespmem:s7+$0xB0] =	vst v58  }
0x1b8: {  	s6 =	sand.u32 $0x3FFFFF80, s6;
	p0 =	sne.s32 s20, $0x28;
	[tilespmem:s7+$0xC0] =	vst v59  }
.Ltmp3:
0x1b9: {  	s6 =	sadd.s32 $0xF000, s6;
	[tilespmem:s7+$0xD0] =	vst v60;
	(pc) =	sbr.rel @p0 .LBB2_4-.Ltmp3, $4  }
0x1ba: {  	[spmem:s2] =	stream.indirect.scatter.add.f32 [tilespmem:s29], [sflag:$0x5], $0x50, s6, s24, $0xb8;
	[tilespmem:$0x18C00] =	vst v63  }
0x1bb: {  	_ =	swait.ge [sflag:s21], $0x2800  }
0x1bc: {  	[sflag:s21] =	ssyncset.done $0x0  }
0x1bd: {  	[sflag:s21] =	ssyncadd.s32 $0xFFFFD800  }
0x1be: {  	s6 =	stileid.u32  }
0x1bf: {  	s6 =	sshll.u32 s6, $0x6  }
0x1c0: {  	[bflag:$0x0] =	sbarrier.arrive $0xFFFF;
	s6 =	sor.u32 $0x1C05, s6  }
0x1c1: {  	[hbm:s19], [sflag:s6] =	dma.local [spmem:s25], $0x1900  }
0x1c2: {  	_ =	swait.ge [sflag:s21], $0x1900  }
0x1c3: {  	s3 =	sadd.s32 $0x1, s3;
	s22 =	rddreg [dreg:$0x5]  }
0x1c4: {  	p0 =	sne.s32 s3, s22  }
.Ltmp4:
0x1c5: {  	_ = 	snop;
	(pc) =	sbr.rel @p0 .LBB2_1-.Ltmp4, $3  }
0x1c6: {  	_ =	sdelay $0x1  }
0x1c7: {  	[sflag:s21] =	ssyncset.done $0x0  }
0x1c8: {  	s10 =	simm.s32 $0xC800;
	s20 =	simm.s32 $0xF000;
	v0 =	vimm.f32 $0.0e+00;
	[sflag:s21] =	ssyncadd.s32 $0xFFFFE700  }
0x1c9: {  	_ =	sfence.sel $0x180000  }
0x1ca: {  	[bflag:$0x0] =	sbarrier.arrive $0xFFFF  }
0x1cb: {  	_ =	strace $0x90000047  }
0x1cc: {  	s0 =	stileid.u32;
	[bflag:$0x2] =	sbarrier.arrive $0xFFFF  }
0x1cd: {  	p0 =	sne.s32 s0, $0x0;
	s0 =	rddreg [dreg:$0x2]  }
0x1ce: {  	s0 =	sadd.s32 @!p0 $0x100000, s0  }
0x1cf: {  	[sflag:s0] =	ssyncadd.tile.s32 @!p0 $0x1;
	_ =	shalt  }
.Lfunc_end2:
_tile_overlayer_lowered:
.L_overlay_start_2:
0x1d0: {  	(tag) =	ssettag $0x2  }
0x1d1: {  	s0 =	rddreg [dreg:$0x0];
	s2 =	stileid.u32  }
0x1d2: {  	s1 =	rddreg [dreg:$0x1];
	p0 =	sne.s32 s2, $0x0  }
0x1d3: {  	s3 =	rddreg [dreg:$0x2];
	[bflag:$0x3] =	sbarrier.arrive $0xFFFF;
	s2 =	simm.s32 @!p0 $0x1C05  }
0x1d4: {  	[timem:s3], [sflag:s2] =	dma.local @!p0 [hbm:s0], s1  }
0x1d5: {  	s0 =	simm.s32 @!p0 $0x5  }
0x1d6: {  	_ =	swait.ge @!p0 [sflag:s0], s1  }
0x1d7: {  	s1 =	ssub.s32 @!p0 $0x0, s1;
	[sflag:s0] =	ssyncset.done @!p0 $0x0  }
0x1d8: {  	[sflag:s0] =	ssyncadd.s32 @!p0 s1  }
0x1d9: {  	[bflag:$0x3] =	sbarrier.arrive $0xFFFF  }
0x1da: {  	_ =	shalt  }

</sc_bundles>
